<compile_context>
chip_gen: v7x
topology: tpu7x:2x2x1
jax: 0.10.2.dev20260603
libtpu: 0.0.44.dev20260713+nightly
codegen_flags: <defaults>
</compile_context>

<pallas_src>
import functools

import jax
import jax.numpy as jnp
from jax import lax
from jax.experimental import pallas as pl
from jax.experimental.pallas import tpu as pltpu
from jax.experimental.pallas import tpu_sc as plsc

N_NODES = 10000
D = 128
N_EDGES = 320000
NC = 2
NS = 16
NW = NC * NS
CHUNK = 128
TOTAL_CHUNKS = N_EDGES // CHUNK
BASE_CHUNKS = TOTAL_CHUNKS // NW
EXTRA = TOTAL_CHUNKS - NW * BASE_CHUNKS
NCHUNK = BASE_CHUNKS + 1
N_PAD = 10240
ROWS_PER_TILE = N_PAD // NS
RING = 8
IDX_AHEAD = 6

_MESH = plsc.VectorSubcoreMesh(core_axis_name="c", subcore_axis_name="s")


@functools.partial(
    pl.kernel,
    out_type=jax.ShapeDtypeStruct((NW, N_NODES), jnp.float32),
    mesh=_MESH,
    scratch_types=[
        pltpu.VMEM((2, NCHUNK * CHUNK), jnp.int32),
        pltpu.VMEM((N_NODES,), jnp.float32),
    ],
    compiler_params=pltpu.CompilerParams(needs_layout_passes=False),
)
def _deg_kernel(edges_hbm, out_hbm, idx_d, degp):
    c = lax.axis_index("c")
    s = lax.axis_index("s")
    w = c * NS + s

    def zero(i, carry):
        degp[pl.ds(i * 16, 16)] = jnp.zeros((16,), jnp.float32)
        return carry

    lax.fori_loop(0, N_NODES // 16, zero, 0)

    c0 = w * BASE_CHUNKS + jnp.minimum(w, EXTRA)
    full = w < EXTRA
    off = pl.multiple_of(c0 * CHUNK, CHUNK)

    @pl.when(full)
    def _():
        pltpu.sync_copy(
            edges_hbm.at[pl.ds(0, 2), pl.ds(off, NCHUNK * CHUNK)], idx_d)

    @pl.when(jnp.logical_not(full))
    def _():
        pltpu.sync_copy(
            edges_hbm.at[pl.ds(0, 2), pl.ds(off, BASE_CHUNKS * CHUNK)],
            idx_d.at[pl.ds(0, 2), pl.ds(0, BASE_CHUNKS * CHUNK)])

    ones = jnp.ones((16,), jnp.float32)

    def body(i, carry):
        idx16 = idx_d[1, pl.ds(i * 16, 16)]
        plsc.addupdate_scatter(degp, [idx16], ones)
        return carry

    lax.fori_loop(0, BASE_CHUNKS * CHUNK // 16, body, 0)

    @pl.when(full)
    def _():
        lax.fori_loop(BASE_CHUNKS * CHUNK // 16, NCHUNK * CHUNK // 16,
                      body, 0)

    pltpu.sync_copy(degp, out_hbm.at[w])


@functools.partial(
    pl.kernel,
    out_type=jax.ShapeDtypeStruct((NC, N_PAD, D), jnp.float32),
    mesh=_MESH,
    scratch_types=[
        pltpu.VMEM((RING, 2, CHUNK), jnp.int32),
        pltpu.VMEM((2 * CHUNK, D), jnp.float32),
        pltpu.VMEM_SHARED((N_PAD, D), jnp.float32),
        pltpu.SemaphoreType.DMA,
        pltpu.SemaphoreType.DMA,
    ],
)
def _scatter_kernel(edges_hbm, g_hbm, out_hbm,
                    ring, rows, acc, sem_i, sem_g):
    c = lax.axis_index("c")
    s = lax.axis_index("s")
    w = c * NS + s
    c0 = w * BASE_CHUNKS + jnp.minimum(w, EXTRA)
    full = w < EXTRA

    def fire_idx(j):
        k = j & (RING - 1)
        g = jnp.minimum(c0 + j, TOTAL_CHUNKS - 1)
        off = pl.multiple_of(g * CHUNK, CHUNK)
        pltpu.async_copy(edges_hbm.at[pl.ds(0, 2), pl.ds(off, CHUNK)],
                         ring.at[k], sem_i)

    def wait_idx():
        pltpu.make_async_copy(edges_hbm.at[pl.ds(0, 2), pl.ds(0, CHUNK)],
                              ring.at[0], sem_i).wait()

    def rows_slot(j):
        return rows.at[pl.ds(pl.multiple_of((j & 1) * CHUNK, CHUNK), CHUNK)]

    def fire_gather(j):
        pltpu.async_copy(g_hbm.at[ring.at[j & (RING - 1), 0]],
                         rows_slot(j), sem_g)

    for j in range(IDX_AHEAD):
        fire_idx(j)

    zero16 = jnp.zeros((16,), jnp.float32)

    def zrow(i, carry):
        for k in range(D // 16):
            rows[i, pl.ds(k * 16, 16)] = zero16
        return carry

    lax.fori_loop(0, CHUNK, zrow, 0)
    for z in range(ROWS_PER_TILE // CHUNK):
        pltpu.async_copy(
            rows.at[pl.ds(0, CHUNK)],
            acc.at[pl.ds(s * ROWS_PER_TILE + z * CHUNK, CHUNK)], sem_g)
    for _ in range(3):
        wait_idx()
    for z in range(ROWS_PER_TILE // CHUNK):
        pltpu.make_async_copy(
            rows.at[pl.ds(0, CHUNK)],
            acc.at[pl.ds(0, CHUNK)], sem_g).wait()
    fire_gather(0)
    fire_gather(1)
    plsc.subcore_barrier()

    def body(j, carry):
        @pl.when(j < NCHUNK - 3)
        def _():
            wait_idx()

        pltpu.make_async_copy(g_hbm.at[ring.at[0, 0]], rows_slot(j),
                              sem_g).wait()

        @pl.when((j == NCHUNK - 1) & jnp.logical_not(full))
        def _():
            k = j & (RING - 1)
            for t in range(CHUNK // 16):
                ring[k, 1, pl.ds(t * 16, 16)] = (
                    jnp.arange(16, dtype=jnp.int32) + (N_NODES + t * 16))

        pltpu.sync_copy(rows_slot(j), acc.at[ring.at[j & (RING - 1), 1]],
                        add=True)

        @pl.when(j + 2 < NCHUNK)
        def _():
            fire_gather(j + 2)

        @pl.when(j + IDX_AHEAD < NCHUNK)
        def _():
            fire_idx(j + IDX_AHEAD)

        return carry

    lax.fori_loop(0, NCHUNK, body, 0)
    plsc.subcore_barrier()
    pltpu.sync_copy(acc.at[pl.ds(s * ROWS_PER_TILE, ROWS_PER_TILE)],
                    out_hbm.at[c, pl.ds(s * ROWS_PER_TILE, ROWS_PER_TILE)])


def _tc1_body(degp_ref, x_ref, w1_ref, dis_ref, g1_ref):
    deg = jnp.sum(degp_ref[...], axis=0)[:, None] + 1.0
    dis = lax.rsqrt(deg)
    dis_ref[...] = dis
    h = jnp.dot(x_ref[...], w1_ref[...],
                preferred_element_type=jnp.float32,
                precision=lax.Precision.DEFAULT)
    g1_ref[...] = h * dis


def _tc2_body(s1_ref, g1_ref, dis_ref, b1_ref, w2_ref, g2_ref):
    dis = dis_ref[...]
    ssum = (s1_ref[0] + s1_ref[1])[:N_NODES]
    t = (ssum + g1_ref[...]) * dis + b1_ref[...]
    t = jnp.maximum(t, 0.0)
    h2 = jnp.dot(t, w2_ref[...],
                 preferred_element_type=jnp.float32,
                 precision=lax.Precision.DEFAULT)
    g2_ref[...] = h2 * dis


def _tc3_body(s2_ref, g2_ref, dis_ref, b2_ref, out_ref):
    ssum = (s2_ref[0] + s2_ref[1])[:N_NODES]
    out_ref[...] = (ssum + g2_ref[...]) * dis_ref[...] + b2_ref[...]


_tc1 = pl.pallas_call(
    _tc1_body,
    out_shape=[jax.ShapeDtypeStruct((N_NODES, 1), jnp.float32),
               jax.ShapeDtypeStruct((N_NODES, D), jnp.float32)],
)

_tc2 = pl.pallas_call(
    _tc2_body,
    out_shape=jax.ShapeDtypeStruct((N_NODES, D), jnp.float32),
)

_tc3 = pl.pallas_call(
    _tc3_body,
    out_shape=jax.ShapeDtypeStruct((N_NODES, D), jnp.float32),
)


def kernel(x, edge_index, W1, b1, W2, b2):
    edges = edge_index.astype(jnp.int32)
    b1r = b1.reshape(1, D)
    b2r = b2.reshape(1, D)

    degp = _deg_kernel(edges)
    dis, g1 = _tc1(degp, x, W1)
    s1 = _scatter_kernel(edges, g1)
    g2 = _tc2(s1, g1, dis, b1r, W2)
    s2 = _scatter_kernel(edges, g2)
    return _tc3(s2, g2, dis, b2r)

# --- scband reference (transcript-rebuilt; emitter-appended) ---
"""Pipeline reference for scband-simple-gcn-34153579938070 (READ-ONLY COPY).

The authoritative reference and input builder live on the scoring server;
editing this copy changes nothing except your own understanding.
"""

import jax, jax.numpy as jnp
import numpy as np

N_NODES = 10000
N_EDGES = 320000
D_IN = 128
D_HID = 128
D_OUT = 128


def setup_inputs(seed: int = 0) -> dict:
    key = jax.random.key(seed)
    k1, k2, k3, k4, k5, k6 = jax.random.split(key, 6)
    x = jax.random.normal(k1, (N_NODES, D_IN), dtype=jnp.float32)
    edge_index = jax.random.randint(k2, (2, N_EDGES), 0, N_NODES, dtype=jnp.int64)
    # Glorot-style init for GCNConv weights, zeros for bias (PyG default)
    s1 = (6.0 / (D_IN + D_HID)) ** 0.5
    W1 = jax.random.uniform(k3, (D_IN, D_HID), dtype=jnp.float32, minval=-s1, maxval=s1)
    b1 = jnp.zeros((D_HID,), dtype=jnp.float32)
    s2 = (6.0 / (D_HID + D_OUT)) ** 0.5
    W2 = jax.random.uniform(k4, (D_HID, D_OUT), dtype=jnp.float32, minval=-s2, maxval=s2)
    b2 = jnp.zeros((D_OUT,), dtype=jnp.float32)
    return {"x": x, "edge_index": edge_index, "W1": W1, "b1": b1, "W2": W2, "b2": b2}


def _gcn_conv(x, src, dst, W, b):
    # GCNConv: add self-loops, symmetric normalization, x @ W, scatter-add, + bias
    n = x.shape[0]
    loop = jnp.arange(n, dtype=src.dtype)
    src_f = jnp.concatenate([src, loop])
    dst_f = jnp.concatenate([dst, loop])
    deg = jnp.zeros((n,), dtype=x.dtype).at[dst_f].add(1.0)
    deg_inv_sqrt = jnp.where(deg > 0, deg ** -0.5, 0.0)
    norm = deg_inv_sqrt[src_f] * deg_inv_sqrt[dst_f]
    h = x @ W
    msg = h[src_f] * norm[:, None]
    out = jnp.zeros_like(h).at[dst_f].add(msg)
    return out + b


def reference(x, edge_index, W1, b1, W2, b2):
    src = edge_index[0]
    dst = edge_index[1]
    h = _gcn_conv(x, src, dst, W1, b1)
    h = jax.nn.relu(h)
    out = _gcn_conv(h, src, dst, W2, b2)
    return out

if __name__ == "__main__":
    import jax
    _d = setup_inputs()
    print(jax.jit(kernel)(*tuple(_d.values())))

</pallas_src>

<mosaic_0001>
#map = affine_map<(d0, d1) -> (0, 0)>
#map1 = affine_map<(d0, d1) -> (0, 0, 0)>
module attributes {stable_mosaic.version = 14 : i64} {
  func.func @_scatter_kernel(%arg0: i32, %arg1: i32, %arg2: memref<2x320000xi32, #tpu.memory_space<hbm>>, %arg3: memref<10000x128xf32, #tpu.memory_space<hbm>>, %arg4: memref<2x10240x128xf32, #tpu.memory_space<hbm>>, %arg5: memref<8x2x128xi32, #tpu.memory_space<vmem>>, %arg6: memref<256x128xf32, #tpu.memory_space<vmem>>, %arg7: memref<10240x128xf32, #tpu.memory_space<vmem_shared>>, %arg8: memref<!tpu.dma_semaphore, #tpu.memory_space<semaphore_mem>>, %arg9: memref<!tpu.dma_semaphore, #tpu.memory_space<semaphore_mem>>) attributes {dimension_semantics = [#tpu.dimension_semantics<core_parallel>, #tpu.dimension_semantics<subcore_parallel>], iteration_bounds = array<i64: 2, 16>, scalar_prefetch = 0 : i64, scratch_operands = 5 : i64, tpu.core_type = #tpu.core_type<sc_vector_subcore>, window_params = [{transform_indices = #map}, {transform_indices = #map}, {transform_indices = #map1}]} {
    %mul3A = arith.constant 16 : i32
    %mul3A_0 = arith.muli %arg0, %mul3A : i32
    %add3A = arith.addi %mul3A_0, %arg1 : i32
    %mul3A_1 = arith.constant 78 : i32
    %mul3A_2 = arith.muli %add3A, %mul3A_1 : i32
    %min3A = arith.constant 4 : i32
    %min3A_3 = arith.minsi %add3A, %min3A : i32
    %add3A_4 = arith.addi %mul3A_2, %min3A_3 : i32
    %lt3A = arith.constant 4 : i32
    %lt3A_5 = arith.cmpi slt, %add3A, %lt3A : i32
    %add3A_6 = arith.constant 0 : i32
    %add3A_7 = arith.addi %add3A_4, %add3A_6 : i32
    %min3A_8 = arith.constant 2499 : i32
    %min3A_9 = arith.minsi %add3A_7, %min3A_8 : i32
    %mul3A_10 = arith.constant 128 : i32
    %mul3A_11 = arith.muli %min3A_9, %mul3A_10 : i32
    %multiple_of3A = tpu.assume_multiple %mul3A_11, 128 : i32
    %dma_start3A = arith.constant 0 : i32
    %dma_start3A_12 = arith.constant 0 : i32
    %dma_start3A_13 = arith.constant 0 : i32
    %dma_start3A_14 = tpu.memref_slice %arg5[%dma_start3A, %dma_start3A_12, %dma_start3A_13] : memref<8x2x128xi32, #tpu.memory_space<vmem>> -> memref<1x2x128xi32, #tpu.memory_space<vmem>>
    %dma_start3A_15 = tpu.memref_squeeze %dma_start3A_14 : memref<1x2x128xi32, #tpu.memory_space<vmem>> -> memref<2x128xi32, #tpu.memory_space<vmem>>
    %dma_start3A_16 = arith.constant 0 : i32
    %dma_start3A_17 = tpu.memref_slice %arg2[%dma_start3A_16, %multiple_of3A] : memref<2x320000xi32, #tpu.memory_space<hbm>> -> memref<2x128xi32, #tpu.memory_space<hbm>>
    %dma_start3A_18 = arith.constant 0 : i32
    %dma_start3A_19 = arith.constant 0 : i32
    %dma_start3A_20 = tpu.memref_slice %arg5[%dma_start3A, %dma_start3A_18, %dma_start3A_19] : memref<8x2x128xi32, #tpu.memory_space<vmem>> -> memref<1x2x128xi32, #tpu.memory_space<vmem>>
    %dma_start3A_21 = tpu.memref_squeeze %dma_start3A_20 : memref<1x2x128xi32, #tpu.memory_space<vmem>> -> memref<2x128xi32, #tpu.memory_space<vmem>>
    %dma_start3A_22 = arith.constant 0 : i32
    %dma_start3A_23 = tpu.memref_slice %arg2[%dma_start3A_22, %multiple_of3A] : memref<2x320000xi32, #tpu.memory_space<hbm>> -> memref<2x128xi32, #tpu.memory_space<hbm>>
    tpu.enqueue_dma source(%dma_start3A_23 : memref<2x128xi32, #tpu.memory_space<hbm>>) target(%dma_start3A_21 : memref<2x128xi32, #tpu.memory_space<vmem>>) target_semaphore(%arg8 : memref<!tpu.dma_semaphore, #tpu.memory_space<semaphore_mem>>)
    %add3A_24 = arith.constant 1 : i32
    %add3A_25 = arith.addi %add3A_4, %add3A_24 : i32
    %min3A_26 = arith.constant 2499 : i32
    %min3A_27 = arith.minsi %add3A_25, %min3A_26 : i32
    %mul3A_28 = arith.constant 128 : i32
    %mul3A_29 = arith.muli %min3A_27, %mul3A_28 : i32
    %multiple_of3A_30 = tpu.assume_multiple %mul3A_29, 128 : i32
    %dma_start3A_31 = arith.constant 1 : i32
    %dma_start3A_32 = arith.constant 0 : i32
    %dma_start3A_33 = arith.constant 0 : i32
    %dma_start3A_34 = tpu.memref_slice %arg5[%dma_start3A_31, %dma_start3A_32, %dma_start3A_33] : memref<8x2x128xi32, #tpu.memory_space<vmem>> -> memref<1x2x128xi32, #tpu.memory_space<vmem>>
    %dma_start3A_35 = tpu.memref_squeeze %dma_start3A_34 : memref<1x2x128xi32, #tpu.memory_space<vmem>> -> memref<2x128xi32, #tpu.memory_space<vmem>>
    %dma_start3A_36 = arith.constant 0 : i32
    %dma_start3A_37 = tpu.memref_slice %arg2[%dma_start3A_36, %multiple_of3A_30] : memref<2x320000xi32, #tpu.memory_space<hbm>> -> memref<2x128xi32, #tpu.memory_space<hbm>>
    %dma_start3A_38 = arith.constant 0 : i32
    %dma_start3A_39 = arith.constant 0 : i32
    %dma_start3A_40 = tpu.memref_slice %arg5[%dma_start3A_31, %dma_start3A_38, %dma_start3A_39] : memref<8x2x128xi32, #tpu.memory_space<vmem>> -> memref<1x2x128xi32, #tpu.memory_space<vmem>>
    %dma_start3A_41 = tpu.memref_squeeze %dma_start3A_40 : memref<1x2x128xi32, #tpu.memory_space<vmem>> -> memref<2x128xi32, #tpu.memory_space<vmem>>
    %dma_start3A_42 = arith.constant 0 : i32
    %dma_start3A_43 = tpu.memref_slice %arg2[%dma_start3A_42, %multiple_of3A_30] : memref<2x320000xi32, #tpu.memory_space<hbm>> -> memref<2x128xi32, #tpu.memory_space<hbm>>
    tpu.enqueue_dma source(%dma_start3A_43 : memref<2x128xi32, #tpu.memory_space<hbm>>) target(%dma_start3A_41 : memref<2x128xi32, #tpu.memory_space<vmem>>) target_semaphore(%arg8 : memref<!tpu.dma_semaphore, #tpu.memory_space<semaphore_mem>>)
    %add3A_44 = arith.constant 2 : i32
    %add3A_45 = arith.addi %add3A_4, %add3A_44 : i32
    %min3A_46 = arith.constant 2499 : i32
    %min3A_47 = arith.minsi %add3A_45, %min3A_46 : i32
    %mul3A_48 = arith.constant 128 : i32
    %mul3A_49 = arith.muli %min3A_47, %mul3A_48 : i32
    %multiple_of3A_50 = tpu.assume_multiple %mul3A_49, 128 : i32
    %dma_start3A_51 = arith.constant 2 : i32
    %dma_start3A_52 = arith.constant 0 : i32
    %dma_start3A_53 = arith.constant 0 : i32
    %dma_start3A_54 = tpu.memref_slice %arg5[%dma_start3A_51, %dma_start3A_52, %dma_start3A_53] : memref<8x2x128xi32, #tpu.memory_space<vmem>> -> memref<1x2x128xi32, #tpu.memory_space<vmem>>
    %dma_start3A_55 = tpu.memref_squeeze %dma_start3A_54 : memref<1x2x128xi32, #tpu.memory_space<vmem>> -> memref<2x128xi32, #tpu.memory_space<vmem>>
    %dma_start3A_56 = arith.constant 0 : i32
    %dma_start3A_57 = tpu.memref_slice %arg2[%dma_start3A_56, %multiple_of3A_50] : memref<2x320000xi32, #tpu.memory_space<hbm>> -> memref<2x128xi32, #tpu.memory_space<hbm>>
    %dma_start3A_58 = arith.constant 0 : i32
    %dma_start3A_59 = arith.constant 0 : i32
    %dma_start3A_60 = tpu.memref_slice %arg5[%dma_start3A_51, %dma_start3A_58, %dma_start3A_59] : memref<8x2x128xi32, #tpu.memory_space<vmem>> -> memref<1x2x128xi32, #tpu.memory_space<vmem>>
    %dma_start3A_61 = tpu.memref_squeeze %dma_start3A_60 : memref<1x2x128xi32, #tpu.memory_space<vmem>> -> memref<2x128xi32, #tpu.memory_space<vmem>>
    %dma_start3A_62 = arith.constant 0 : i32
    %dma_start3A_63 = tpu.memref_slice %arg2[%dma_start3A_62, %multiple_of3A_50] : memref<2x320000xi32, #tpu.memory_space<hbm>> -> memref<2x128xi32, #tpu.memory_space<hbm>>
    tpu.enqueue_dma source(%dma_start3A_63 : memref<2x128xi32, #tpu.memory_space<hbm>>) target(%dma_start3A_61 : memref<2x128xi32, #tpu.memory_space<vmem>>) target_semaphore(%arg8 : memref<!tpu.dma_semaphore, #tpu.memory_space<semaphore_mem>>)
    %add3A_64 = arith.constant 3 : i32
    %add3A_65 = arith.addi %add3A_4, %add3A_64 : i32
    %min3A_66 = arith.constant 2499 : i32
    %min3A_67 = arith.minsi %add3A_65, %min3A_66 : i32
    %mul3A_68 = arith.constant 128 : i32
    %mul3A_69 = arith.muli %min3A_67, %mul3A_68 : i32
    %multiple_of3A_70 = tpu.assume_multiple %mul3A_69, 128 : i32
    %dma_start3A_71 = arith.constant 3 : i32
    %dma_start3A_72 = arith.constant 0 : i32
    %dma_start3A_73 = arith.constant 0 : i32
    %dma_start3A_74 = tpu.memref_slice %arg5[%dma_start3A_71, %dma_start3A_72, %dma_start3A_73] : memref<8x2x128xi32, #tpu.memory_space<vmem>> -> memref<1x2x128xi32, #tpu.memory_space<vmem>>
    %dma_start3A_75 = tpu.memref_squeeze %dma_start3A_74 : memref<1x2x128xi32, #tpu.memory_space<vmem>> -> memref<2x128xi32, #tpu.memory_space<vmem>>
    %dma_start3A_76 = arith.constant 0 : i32
    %dma_start3A_77 = tpu.memref_slice %arg2[%dma_start3A_76, %multiple_of3A_70] : memref<2x320000xi32, #tpu.memory_space<hbm>> -> memref<2x128xi32, #tpu.memory_space<hbm>>
    %dma_start3A_78 = arith.constant 0 : i32
    %dma_start3A_79 = arith.constant 0 : i32
    %dma_start3A_80 = tpu.memref_slice %arg5[%dma_start3A_71, %dma_start3A_78, %dma_start3A_79] : memref<8x2x128xi32, #tpu.memory_space<vmem>> -> memref<1x2x128xi32, #tpu.memory_space<vmem>>
    %dma_start3A_81 = tpu.memref_squeeze %dma_start3A_80 : memref<1x2x128xi32, #tpu.memory_space<vmem>> -> memref<2x128xi32, #tpu.memory_space<vmem>>
    %dma_start3A_82 = arith.constant 0 : i32
    %dma_start3A_83 = tpu.memref_slice %arg2[%dma_start3A_82, %multiple_of3A_70] : memref<2x320000xi32, #tpu.memory_space<hbm>> -> memref<2x128xi32, #tpu.memory_space<hbm>>
    tpu.enqueue_dma source(%dma_start3A_83 : memref<2x128xi32, #tpu.memory_space<hbm>>) target(%dma_start3A_81 : memref<2x128xi32, #tpu.memory_space<vmem>>) target_semaphore(%arg8 : memref<!tpu.dma_semaphore, #tpu.memory_space<semaphore_mem>>)
    %add3A_84 = arith.constant 4 : i32
    %add3A_85 = arith.addi %add3A_4, %add3A_84 : i32
    %min3A_86 = arith.constant 2499 : i32
    %min3A_87 = arith.minsi %add3A_85, %min3A_86 : i32
    %mul3A_88 = arith.constant 128 : i32
    %mul3A_89 = arith.muli %min3A_87, %mul3A_88 : i32
    %multiple_of3A_90 = tpu.assume_multiple %mul3A_89, 128 : i32
    %dma_start3A_91 = arith.constant 4 : i32
    %dma_start3A_92 = arith.constant 0 : i32
    %dma_start3A_93 = arith.constant 0 : i32
    %dma_start3A_94 = tpu.memref_slice %arg5[%dma_start3A_91, %dma_start3A_92, %dma_start3A_93] : memref<8x2x128xi32, #tpu.memory_space<vmem>> -> memref<1x2x128xi32, #tpu.memory_space<vmem>>
    %dma_start3A_95 = tpu.memref_squeeze %dma_start3A_94 : memref<1x2x128xi32, #tpu.memory_space<vmem>> -> memref<2x128xi32, #tpu.memory_space<vmem>>
    %dma_start3A_96 = arith.constant 0 : i32
    %dma_start3A_97 = tpu.memref_slice %arg2[%dma_start3A_96, %multiple_of3A_90] : memref<2x320000xi32, #tpu.memory_space<hbm>> -> memref<2x128xi32, #tpu.memory_space<hbm>>
    %dma_start3A_98 = arith.constant 0 : i32
    %dma_start3A_99 = arith.constant 0 : i32
    %dma_start3A_100 = tpu.memref_slice %arg5[%dma_start3A_91, %dma_start3A_98, %dma_start3A_99] : memref<8x2x128xi32, #tpu.memory_space<vmem>> -> memref<1x2x128xi32, #tpu.memory_space<vmem>>
    %dma_start3A_101 = tpu.memref_squeeze %dma_start3A_100 : memref<1x2x128xi32, #tpu.memory_space<vmem>> -> memref<2x128xi32, #tpu.memory_space<vmem>>
    %dma_start3A_102 = arith.constant 0 : i32
    %dma_start3A_103 = tpu.memref_slice %arg2[%dma_start3A_102, %multiple_of3A_90] : memref<2x320000xi32, #tpu.memory_space<hbm>> -> memref<2x128xi32, #tpu.memory_space<hbm>>
    tpu.enqueue_dma source(%dma_start3A_103 : memref<2x128xi32, #tpu.memory_space<hbm>>) target(%dma_start3A_101 : memref<2x128xi32, #tpu.memory_space<vmem>>) target_semaphore(%arg8 : memref<!tpu.dma_semaphore, #tpu.memory_space<semaphore_mem>>)
    %add3A_104 = arith.constant 5 : i32
    %add3A_105 = arith.addi %add3A_4, %add3A_104 : i32
    %min3A_106 = arith.constant 2499 : i32
    %min3A_107 = arith.minsi %add3A_105, %min3A_106 : i32
    %mul3A_108 = arith.constant 128 : i32
    %mul3A_109 = arith.muli %min3A_107, %mul3A_108 : i32
    %multiple_of3A_110 = tpu.assume_multiple %mul3A_109, 128 : i32
    %dma_start3A_111 = arith.constant 5 : i32
    %dma_start3A_112 = arith.constant 0 : i32
    %dma_start3A_113 = arith.constant 0 : i32
    %dma_start3A_114 = tpu.memref_slice %arg5[%dma_start3A_111, %dma_start3A_112, %dma_start3A_113] : memref<8x2x128xi32, #tpu.memory_space<vmem>> -> memref<1x2x128xi32, #tpu.memory_space<vmem>>
    %dma_start3A_115 = tpu.memref_squeeze %dma_start3A_114 : memref<1x2x128xi32, #tpu.memory_space<vmem>> -> memref<2x128xi32, #tpu.memory_space<vmem>>
    %dma_start3A_116 = arith.constant 0 : i32
    %dma_start3A_117 = tpu.memref_slice %arg2[%dma_start3A_116, %multiple_of3A_110] : memref<2x320000xi32, #tpu.memory_space<hbm>> -> memref<2x128xi32, #tpu.memory_space<hbm>>
    %dma_start3A_118 = arith.constant 0 : i32
    %dma_start3A_119 = arith.constant 0 : i32
    %dma_start3A_120 = tpu.memref_slice %arg5[%dma_start3A_111, %dma_start3A_118, %dma_start3A_119] : memref<8x2x128xi32, #tpu.memory_space<vmem>> -> memref<1x2x128xi32, #tpu.memory_space<vmem>>
    %dma_start3A_121 = tpu.memref_squeeze %dma_start3A_120 : memref<1x2x128xi32, #tpu.memory_space<vmem>> -> memref<2x128xi32, #tpu.memory_space<vmem>>
    %dma_start3A_122 = arith.constant 0 : i32
    %dma_start3A_123 = tpu.memref_slice %arg2[%dma_start3A_122, %multiple_of3A_110] : memref<2x320000xi32, #tpu.memory_space<hbm>> -> memref<2x128xi32, #tpu.memory_space<hbm>>
    tpu.enqueue_dma source(%dma_start3A_123 : memref<2x128xi32, #tpu.memory_space<hbm>>) target(%dma_start3A_121 : memref<2x128xi32, #tpu.memory_space<vmem>>) target_semaphore(%arg8 : memref<!tpu.dma_semaphore, #tpu.memory_space<semaphore_mem>>)
    %broadcast_in_dim3A = arith.constant 0.000000e+00 : f32
    %broadcast_in_dim3A_124 = vector.broadcast %broadcast_in_dim3A : f32 to vector<16xf32>
    %scan3A = arith.constant 0 : i32
    %scan3A_125 = arith.constant 0 : i32
    %scan3A_126 = arith.constant 128 : i32
    %scan3A_127 = arith.addi %scan3A_125, %scan3A_126 : i32
    %scan3A_128 = arith.constant 1 : i32
    scf.for %scan3A_339 = %scan3A_125 to %scan3A_127 step %scan3A_128  : i32 {
      %swap3A = arith.index_cast %scan3A_339 : i32 to index
      %swap3A_340 = arith.constant 0 : index
      %swap3A_341 = tpu.vector_load %arg6[%swap3A, %swap3A_340] {strides = array<i32>} : memref<256x128xf32, #tpu.memory_space<vmem>>, vector<1x16xf32>,
      %swap3A_342 = vector.shape_cast %swap3A_341 : vector<1x16xf32> to vector<16xf32>
      %swap3A_343 = vector.shape_cast %broadcast_in_dim3A_124 : vector<16xf32> to vector<1x16xf32>
      tpu.vector_store %arg6[%swap3A, %swap3A_340], %swap3A_343 {strides = array<i32>} : memref<256x128xf32, #tpu.memory_space<vmem>>, vector<1x16xf32>,
      %swap3A_344 = arith.index_cast %scan3A_339 : i32 to index
      %swap3A_345 = arith.constant 16 : index
      %swap3A_346 = tpu.vector_load %arg6[%swap3A_344, %swap3A_345] {strides = array<i32>} : memref<256x128xf32, #tpu.memory_space<vmem>>, vector<1x16xf32>,
      %swap3A_347 = vector.shape_cast %swap3A_346 : vector<1x16xf32> to vector<16xf32>
      %swap3A_348 = vector.shape_cast %broadcast_in_dim3A_124 : vector<16xf32> to vector<1x16xf32>
      tpu.vector_store %arg6[%swap3A_344, %swap3A_345], %swap3A_348 {strides = array<i32>} : memref<256x128xf32, #tpu.memory_space<vmem>>, vector<1x16xf32>,
      %swap3A_349 = arith.index_cast %scan3A_339 : i32 to index
      %swap3A_350 = arith.constant 32 : index
      %swap3A_351 = tpu.vector_load %arg6[%swap3A_349, %swap3A_350] {strides = array<i32>} : memref<256x128xf32, #tpu.memory_space<vmem>>, vector<1x16xf32>,
      %swap3A_352 = vector.shape_cast %swap3A_351 : vector<1x16xf32> to vector<16xf32>
      %swap3A_353 = vector.shape_cast %broadcast_in_dim3A_124 : vector<16xf32> to vector<1x16xf32>
      tpu.vector_store %arg6[%swap3A_349, %swap3A_350], %swap3A_353 {strides = array<i32>} : memref<256x128xf32, #tpu.memory_space<vmem>>, vector<1x16xf32>,
      %swap3A_354 = arith.index_cast %scan3A_339 : i32 to index
      %swap3A_355 = arith.constant 48 : index
      %swap3A_356 = tpu.vector_load %arg6[%swap3A_354, %swap3A_355] {strides = array<i32>} : memref<256x128xf32, #tpu.memory_space<vmem>>, vector<1x16xf32>,
      %swap3A_357 = vector.shape_cast %swap3A_356 : vector<1x16xf32> to vector<16xf32>
      %swap3A_358 = vector.shape_cast %broadcast_in_dim3A_124 : vector<16xf32> to vector<1x16xf32>
      tpu.vector_store %arg6[%swap3A_354, %swap3A_355], %swap3A_358 {strides = array<i32>} : memref<256x128xf32, #tpu.memory_space<vmem>>, vector<1x16xf32>,
      %swap3A_359 = arith.index_cast %scan3A_339 : i32 to index
      %swap3A_360 = arith.constant 64 : index
      %swap3A_361 = tpu.vector_load %arg6[%swap3A_359, %swap3A_360] {strides = array<i32>} : memref<256x128xf32, #tpu.memory_space<vmem>>, vector<1x16xf32>,
      %swap3A_362 = vector.shape_cast %swap3A_361 : vector<1x16xf32> to vector<16xf32>
      %swap3A_363 = vector.shape_cast %broadcast_in_dim3A_124 : vector<16xf32> to vector<1x16xf32>
      tpu.vector_store %arg6[%swap3A_359, %swap3A_360], %swap3A_363 {strides = array<i32>} : memref<256x128xf32, #tpu.memory_space<vmem>>, vector<1x16xf32>,
      %swap3A_364 = arith.index_cast %scan3A_339 : i32 to index
      %swap3A_365 = arith.constant 80 : index
      %swap3A_366 = tpu.vector_load %arg6[%swap3A_364, %swap3A_365] {strides = array<i32>} : memref<256x128xf32, #tpu.memory_space<vmem>>, vector<1x16xf32>,
      %swap3A_367 = vector.shape_cast %swap3A_366 : vector<1x16xf32> to vector<16xf32>
      %swap3A_368 = vector.shape_cast %broadcast_in_dim3A_124 : vector<16xf32> to vector<1x16xf32>
      tpu.vector_store %arg6[%swap3A_364, %swap3A_365], %swap3A_368 {strides = array<i32>} : memref<256x128xf32, #tpu.memory_space<vmem>>, vector<1x16xf32>,
      %swap3A_369 = arith.index_cast %scan3A_339 : i32 to index
      %swap3A_370 = arith.constant 96 : index
      %swap3A_371 = tpu.vector_load %arg6[%swap3A_369, %swap3A_370] {strides = array<i32>} : memref<256x128xf32, #tpu.memory_space<vmem>>, vector<1x16xf32>,
      %swap3A_372 = vector.shape_cast %swap3A_371 : vector<1x16xf32> to vector<16xf32>
      %swap3A_373 = vector.shape_cast %broadcast_in_dim3A_124 : vector<16xf32> to vector<1x16xf32>
      tpu.vector_store %arg6[%swap3A_369, %swap3A_370], %swap3A_373 {strides = array<i32>} : memref<256x128xf32, #tpu.memory_space<vmem>>, vector<1x16xf32>,
      %swap3A_374 = arith.index_cast %scan3A_339 : i32 to index
      %swap3A_375 = arith.constant 112 : index
      %swap3A_376 = tpu.vector_load %arg6[%swap3A_374, %swap3A_375] {strides = array<i32>} : memref<256x128xf32, #tpu.memory_space<vmem>>, vector<1x16xf32>,
      %swap3A_377 = vector.shape_cast %swap3A_376 : vector<1x16xf32> to vector<16xf32>
      %swap3A_378 = vector.shape_cast %broadcast_in_dim3A_124 : vector<16xf32> to vector<1x16xf32>
      tpu.vector_store %arg6[%swap3A_374, %swap3A_375], %swap3A_378 {strides = array<i32>} : memref<256x128xf32, #tpu.memory_space<vmem>>, vector<1x16xf32>,
    }
    %scan3A_129 = arith.constant 128 : i32
    %mul3A_130 = arith.constant 640 : i32
    %mul3A_131 = arith.muli %arg1, %mul3A_130 : i32
    %add3A_132 = arith.constant 0 : i32
    %add3A_133 = arith.addi %mul3A_131, %add3A_132 : i32
    %dma_start3A_134 = arith.constant 0 : i32
    %dma_start3A_135 = arith.constant 0 : i32
    %dma_start3A_136 = tpu.memref_slice %arg6[%dma_start3A_134, %dma_start3A_135] : memref<256x128xf32, #tpu.memory_space<vmem>> -> memref<128x128xf32, #tpu.memory_space<vmem>>
    %dma_start3A_137 = arith.constant 0 : i32
    %dma_start3A_138 = tpu.memref_slice %arg7[%add3A_133, %dma_start3A_137] : memref<10240x128xf32, #tpu.memory_space<vmem_shared>> -> memref<128x128xf32, #tpu.memory_space<vmem_shared>>
    %dma_start3A_139 = arith.constant 0 : i32
    %dma_start3A_140 = tpu.memref_slice %arg7[%add3A_133, %dma_start3A_139] : memref<10240x128xf32, #tpu.memory_space<vmem_shared>> -> memref<128x128xf32, #tpu.memory_space<vmem_shared>>
    %dma_start3A_141 = arith.constant 0 : i32
    %dma_start3A_142 = arith.constant 0 : i32
    %dma_start3A_143 = tpu.memref_slice %arg6[%dma_start3A_141, %dma_start3A_142] : memref<256x128xf32, #tpu.memory_space<vmem>> -> memref<128x128xf32, #tpu.memory_space<vmem>>
    tpu.enqueue_dma source(%dma_start3A_143 : memref<128x128xf32, #tpu.memory_space<vmem>>) target(%dma_start3A_140 : memref<128x128xf32, #tpu.memory_space<vmem_shared>>) target_semaphore(%arg9 : memref<!tpu.dma_semaphore, #tpu.memory_space<semaphore_mem>>)
    %mul3A_144 = arith.constant 640 : i32
    %mul3A_145 = arith.muli %arg1, %mul3A_144 : i32
    %add3A_146 = arith.constant 128 : i32
    %add3A_147 = arith.addi %mul3A_145, %add3A_146 : i32
    %dma_start3A_148 = arith.constant 0 : i32
    %dma_start3A_149 = arith.constant 0 : i32
    %dma_start3A_150 = tpu.memref_slice %arg6[%dma_start3A_148, %dma_start3A_149] : memref<256x128xf32, #tpu.memory_space<vmem>> -> memref<128x128xf32, #tpu.memory_space<vmem>>
    %dma_start3A_151 = arith.constant 0 : i32
    %dma_start3A_152 = tpu.memref_slice %arg7[%add3A_147, %dma_start3A_151] : memref<10240x128xf32, #tpu.memory_space<vmem_shared>> -> memref<128x128xf32, #tpu.memory_space<vmem_shared>>
    %dma_start3A_153 = arith.constant 0 : i32
    %dma_start3A_154 = tpu.memref_slice %arg7[%add3A_147, %dma_start3A_153] : memref<10240x128xf32, #tpu.memory_space<vmem_shared>> -> memref<128x128xf32, #tpu.memory_space<vmem_shared>>
    %dma_start3A_155 = arith.constant 0 : i32
    %dma_start3A_156 = arith.constant 0 : i32
    %dma_start3A_157 = tpu.memref_slice %arg6[%dma_start3A_155, %dma_start3A_156] : memref<256x128xf32, #tpu.memory_space<vmem>> -> memref<128x128xf32, #tpu.memory_space<vmem>>
    tpu.enqueue_dma source(%dma_start3A_157 : memref<128x128xf32, #tpu.memory_space<vmem>>) target(%dma_start3A_154 : memref<128x128xf32, #tpu.memory_space<vmem_shared>>) target_semaphore(%arg9 : memref<!tpu.dma_semaphore, #tpu.memory_space<semaphore_mem>>)
    %mul3A_158 = arith.constant 640 : i32
    %mul3A_159 = arith.muli %arg1, %mul3A_158 : i32
    %add3A_160 = arith.constant 256 : i32
    %add3A_161 = arith.addi %mul3A_159, %add3A_160 : i32
    %dma_start3A_162 = arith.constant 0 : i32
    %dma_start3A_163 = arith.constant 0 : i32
    %dma_start3A_164 = tpu.memref_slice %arg6[%dma_start3A_162, %dma_start3A_163] : memref<256x128xf32, #tpu.memory_space<vmem>> -> memref<128x128xf32, #tpu.memory_space<vmem>>
    %dma_start3A_165 = arith.constant 0 : i32
    %dma_start3A_166 = tpu.memref_slice %arg7[%add3A_161, %dma_start3A_165] : memref<10240x128xf32, #tpu.memory_space<vmem_shared>> -> memref<128x128xf32, #tpu.memory_space<vmem_shared>>
    %dma_start3A_167 = arith.constant 0 : i32
    %dma_start3A_168 = tpu.memref_slice %arg7[%add3A_161, %dma_start3A_167] : memref<10240x128xf32, #tpu.memory_space<vmem_shared>> -> memref<128x128xf32, #tpu.memory_space<vmem_shared>>
    %dma_start3A_169 = arith.constant 0 : i32
    %dma_start3A_170 = arith.constant 0 : i32
    %dma_start3A_171 = tpu.memref_slice %arg6[%dma_start3A_169, %dma_start3A_170] : memref<256x128xf32, #tpu.memory_space<vmem>> -> memref<128x128xf32, #tpu.memory_space<vmem>>
    tpu.enqueue_dma source(%dma_start3A_171 : memref<128x128xf32, #tpu.memory_space<vmem>>) target(%dma_start3A_168 : memref<128x128xf32, #tpu.memory_space<vmem_shared>>) target_semaphore(%arg9 : memref<!tpu.dma_semaphore, #tpu.memory_space<semaphore_mem>>)
    %mul3A_172 = arith.constant 640 : i32
    %mul3A_173 = arith.muli %arg1, %mul3A_172 : i32
    %add3A_174 = arith.constant 384 : i32
    %add3A_175 = arith.addi %mul3A_173, %add3A_174 : i32
    %dma_start3A_176 = arith.constant 0 : i32
    %dma_start3A_177 = arith.constant 0 : i32
    %dma_start3A_178 = tpu.memref_slice %arg6[%dma_start3A_176, %dma_start3A_177] : memref<256x128xf32, #tpu.memory_space<vmem>> -> memref<128x128xf32, #tpu.memory_space<vmem>>
    %dma_start3A_179 = arith.constant 0 : i32
    %dma_start3A_180 = tpu.memref_slice %arg7[%add3A_175, %dma_start3A_179] : memref<10240x128xf32, #tpu.memory_space<vmem_shared>> -> memref<128x128xf32, #tpu.memory_space<vmem_shared>>
    %dma_start3A_181 = arith.constant 0 : i32
    %dma_start3A_182 = tpu.memref_slice %arg7[%add3A_175, %dma_start3A_181] : memref<10240x128xf32, #tpu.memory_space<vmem_shared>> -> memref<128x128xf32, #tpu.memory_space<vmem_shared>>
    %dma_start3A_183 = arith.constant 0 : i32
    %dma_start3A_184 = arith.constant 0 : i32
    %dma_start3A_185 = tpu.memref_slice %arg6[%dma_start3A_183, %dma_start3A_184] : memref<256x128xf32, #tpu.memory_space<vmem>> -> memref<128x128xf32, #tpu.memory_space<vmem>>
    tpu.enqueue_dma source(%dma_start3A_185 : memref<128x128xf32, #tpu.memory_space<vmem>>) target(%dma_start3A_182 : memref<128x128xf32, #tpu.memory_space<vmem_shared>>) target_semaphore(%arg9 : memref<!tpu.dma_semaphore, #tpu.memory_space<semaphore_mem>>)
    %mul3A_186 = arith.constant 640 : i32
    %mul3A_187 = arith.muli %arg1, %mul3A_186 : i32
    %add3A_188 = arith.constant 512 : i32
    %add3A_189 = arith.addi %mul3A_187, %add3A_188 : i32
    %dma_start3A_190 = arith.constant 0 : i32
    %dma_start3A_191 = arith.constant 0 : i32
    %dma_start3A_192 = tpu.memref_slice %arg6[%dma_start3A_190, %dma_start3A_191] : memref<256x128xf32, #tpu.memory_space<vmem>> -> memref<128x128xf32, #tpu.memory_space<vmem>>
    %dma_start3A_193 = arith.constant 0 : i32
    %dma_start3A_194 = tpu.memref_slice %arg7[%add3A_189, %dma_start3A_193] : memref<10240x128xf32, #tpu.memory_space<vmem_shared>> -> memref<128x128xf32, #tpu.memory_space<vmem_shared>>
    %dma_start3A_195 = arith.constant 0 : i32
    %dma_start3A_196 = tpu.memref_slice %arg7[%add3A_189, %dma_start3A_195] : memref<10240x128xf32, #tpu.memory_space<vmem_shared>> -> memref<128x128xf32, #tpu.memory_space<vmem_shared>>
    %dma_start3A_197 = arith.constant 0 : i32
    %dma_start3A_198 = arith.constant 0 : i32
    %dma_start3A_199 = tpu.memref_slice %arg6[%dma_start3A_197, %dma_start3A_198] : memref<256x128xf32, #tpu.memory_space<vmem>> -> memref<128x128xf32, #tpu.memory_space<vmem>>
    tpu.enqueue_dma source(%dma_start3A_199 : memref<128x128xf32, #tpu.memory_space<vmem>>) target(%dma_start3A_196 : memref<128x128xf32, #tpu.memory_space<vmem_shared>>) target_semaphore(%arg9 : memref<!tpu.dma_semaphore, #tpu.memory_space<semaphore_mem>>)
    %dma_wait3A = arith.constant 0 : i32
    %dma_wait3A_200 = arith.constant 0 : i32
    %dma_wait3A_201 = arith.constant 0 : i32
    %dma_wait3A_202 = tpu.memref_slice %arg5[%dma_wait3A, %dma_wait3A_200, %dma_wait3A_201] : memref<8x2x128xi32, #tpu.memory_space<vmem>> -> memref<1x2x128xi32, #tpu.memory_space<vmem>>
    %dma_wait3A_203 = tpu.memref_squeeze %dma_wait3A_202 : memref<1x2x128xi32, #tpu.memory_space<vmem>> -> memref<2x128xi32, #tpu.memory_space<vmem>>
    %dma_wait3A_204 = arith.constant 0 : i32
    %dma_wait3A_205 = arith.constant 0 : i32
    %dma_wait3A_206 = tpu.memref_slice %arg2[%dma_wait3A_204, %dma_wait3A_205] : memref<2x320000xi32, #tpu.memory_space<hbm>> -> memref<2x128xi32, #tpu.memory_space<hbm>>
    %dma_wait3A_207 = arith.constant 0 : i32
    %dma_wait3A_208 = arith.constant 0 : i32
    %dma_wait3A_209 = tpu.memref_slice %arg5[%dma_wait3A, %dma_wait3A_207, %dma_wait3A_208] : memref<8x2x128xi32, #tpu.memory_space<vmem>> -> memref<1x2x128xi32, #tpu.memory_space<vmem>>
    %dma_wait3A_210 = tpu.memref_squeeze %dma_wait3A_209 : memref<1x2x128xi32, #tpu.memory_space<vmem>> -> memref<2x128xi32, #tpu.memory_space<vmem>>
    %dma_wait3A_211 = arith.constant 0 : i32
    %dma_wait3A_212 = arith.constant 0 : i32
    %dma_wait3A_213 = tpu.memref_slice %arg2[%dma_wait3A_211, %dma_wait3A_212] : memref<2x320000xi32, #tpu.memory_space<hbm>> -> memref<2x128xi32, #tpu.memory_space<hbm>>
    tpu.wait_dma2 semaphore(%arg8 : memref<!tpu.dma_semaphore, #tpu.memory_space<semaphore_mem>>) src(%dma_wait3A_213 : memref<2x128xi32, #tpu.memory_space<hbm>>) dst(%dma_wait3A_210 : memref<2x128xi32, #tpu.memory_space<vmem>>)
    %dma_wait3A_214 = arith.constant 0 : i32
    %dma_wait3A_215 = arith.constant 0 : i32
    %dma_wait3A_216 = arith.constant 0 : i32
    %dma_wait3A_217 = tpu.memref_slice %arg5[%dma_wait3A_214, %dma_wait3A_215, %dma_wait3A_216] : memref<8x2x128xi32, #tpu.memory_space<vmem>> -> memref<1x2x128xi32, #tpu.memory_space<vmem>>
    %dma_wait3A_218 = tpu.memref_squeeze %dma_wait3A_217 : memref<1x2x128xi32, #tpu.memory_space<vmem>> -> memref<2x128xi32, #tpu.memory_space<vmem>>
    %dma_wait3A_219 = arith.constant 0 : i32
    %dma_wait3A_220 = arith.constant 0 : i32
    %dma_wait3A_221 = tpu.memref_slice %arg2[%dma_wait3A_219, %dma_wait3A_220] : memref<2x320000xi32, #tpu.memory_space<hbm>> -> memref<2x128xi32, #tpu.memory_space<hbm>>
    %dma_wait3A_222 = arith.constant 0 : i32
    %dma_wait3A_223 = arith.constant 0 : i32
    %dma_wait3A_224 = tpu.memref_slice %arg5[%dma_wait3A_214, %dma_wait3A_222, %dma_wait3A_223] : memref<8x2x128xi32, #tpu.memory_space<vmem>> -> memref<1x2x128xi32, #tpu.memory_space<vmem>>
    %dma_wait3A_225 = tpu.memref_squeeze %dma_wait3A_224 : memref<1x2x128xi32, #tpu.memory_space<vmem>> -> memref<2x128xi32, #tpu.memory_space<vmem>>
    %dma_wait3A_226 = arith.constant 0 : i32
    %dma_wait3A_227 = arith.constant 0 : i32
    %dma_wait3A_228 = tpu.memref_slice %arg2[%dma_wait3A_226, %dma_wait3A_227] : memref<2x320000xi32, #tpu.memory_space<hbm>> -> memref<2x128xi32, #tpu.memory_space<hbm>>
    tpu.wait_dma2 semaphore(%arg8 : memref<!tpu.dma_semaphore, #tpu.memory_space<semaphore_mem>>) src(%dma_wait3A_228 : memref<2x128xi32, #tpu.memory_space<hbm>>) dst(%dma_wait3A_225 : memref<2x128xi32, #tpu.memory_space<vmem>>)
    %dma_wait3A_229 = arith.constant 0 : i32
    %dma_wait3A_230 = arith.constant 0 : i32
    %dma_wait3A_231 = arith.constant 0 : i32
    %dma_wait3A_232 = tpu.memref_slice %arg5[%dma_wait3A_229, %dma_wait3A_230, %dma_wait3A_231] : memref<8x2x128xi32, #tpu.memory_space<vmem>> -> memref<1x2x128xi32, #tpu.memory_space<vmem>>
    %dma_wait3A_233 = tpu.memref_squeeze %dma_wait3A_232 : memref<1x2x128xi32, #tpu.memory_space<vmem>> -> memref<2x128xi32, #tpu.memory_space<vmem>>
    %dma_wait3A_234 = arith.constant 0 : i32
    %dma_wait3A_235 = arith.constant 0 : i32
    %dma_wait3A_236 = tpu.memref_slice %arg2[%dma_wait3A_234, %dma_wait3A_235] : memref<2x320000xi32, #tpu.memory_space<hbm>> -> memref<2x128xi32, #tpu.memory_space<hbm>>
    %dma_wait3A_237 = arith.constant 0 : i32
    %dma_wait3A_238 = arith.constant 0 : i32
    %dma_wait3A_239 = tpu.memref_slice %arg5[%dma_wait3A_229, %dma_wait3A_237, %dma_wait3A_238] : memref<8x2x128xi32, #tpu.memory_space<vmem>> -> memref<1x2x128xi32, #tpu.memory_space<vmem>>
    %dma_wait3A_240 = tpu.memref_squeeze %dma_wait3A_239 : memref<1x2x128xi32, #tpu.memory_space<vmem>> -> memref<2x128xi32, #tpu.memory_space<vmem>>
    %dma_wait3A_241 = arith.constant 0 : i32
    %dma_wait3A_242 = arith.constant 0 : i32
    %dma_wait3A_243 = tpu.memref_slice %arg2[%dma_wait3A_241, %dma_wait3A_242] : memref<2x320000xi32, #tpu.memory_space<hbm>> -> memref<2x128xi32, #tpu.memory_space<hbm>>
    tpu.wait_dma2 semaphore(%arg8 : memref<!tpu.dma_semaphore, #tpu.memory_space<semaphore_mem>>) src(%dma_wait3A_243 : memref<2x128xi32, #tpu.memory_space<hbm>>) dst(%dma_wait3A_240 : memref<2x128xi32, #tpu.memory_space<vmem>>)
    %dma_wait3A_244 = arith.constant 0 : i32
    %dma_wait3A_245 = arith.constant 0 : i32
    %dma_wait3A_246 = tpu.memref_slice %arg6[%dma_wait3A_244, %dma_wait3A_245] : memref<256x128xf32, #tpu.memory_space<vmem>> -> memref<128x128xf32, #tpu.memory_space<vmem>>
    %dma_wait3A_247 = arith.constant 0 : i32
    %dma_wait3A_248 = arith.constant 0 : i32
    %dma_wait3A_249 = tpu.memref_slice %arg7[%dma_wait3A_247, %dma_wait3A_248] : memref<10240x128xf32, #tpu.memory_space<vmem_shared>> -> memref<128x128xf32, #tpu.memory_space<vmem_shared>>
    %dma_wait3A_250 = arith.constant 0 : i32
    %dma_wait3A_251 = arith.constant 0 : i32
    %dma_wait3A_252 = tpu.memref_slice %arg7[%dma_wait3A_250, %dma_wait3A_251] : memref<10240x128xf32, #tpu.memory_space<vmem_shared>> -> memref<128x128xf32, #tpu.memory_space<vmem_shared>>
    %dma_wait3A_253 = arith.constant 0 : i32
    %dma_wait3A_254 = arith.constant 0 : i32
    %dma_wait3A_255 = tpu.memref_slice %arg6[%dma_wait3A_253, %dma_wait3A_254] : memref<256x128xf32, #tpu.memory_space<vmem>> -> memref<128x128xf32, #tpu.memory_space<vmem>>
    tpu.wait_dma2 semaphore(%arg9 : memref<!tpu.dma_semaphore, #tpu.memory_space<semaphore_mem>>) src(%dma_wait3A_255 : memref<128x128xf32, #tpu.memory_space<vmem>>) dst(%dma_wait3A_252 : memref<128x128xf32, #tpu.memory_space<vmem_shared>>)
    %dma_wait3A_256 = arith.constant 0 : i32
    %dma_wait3A_257 = arith.constant 0 : i32
    %dma_wait3A_258 = tpu.memref_slice %arg6[%dma_wait3A_256, %dma_wait3A_257] : memref<256x128xf32, #tpu.memory_space<vmem>> -> memref<128x128xf32, #tpu.memory_space<vmem>>
    %dma_wait3A_259 = arith.constant 0 : i32
    %dma_wait3A_260 = arith.constant 0 : i32
    %dma_wait3A_261 = tpu.memref_slice %arg7[%dma_wait3A_259, %dma_wait3A_260] : memref<10240x128xf32, #tpu.memory_space<vmem_shared>> -> memref<128x128xf32, #tpu.memory_space<vmem_shared>>
    %dma_wait3A_262 = arith.constant 0 : i32
    %dma_wait3A_263 = arith.constant 0 : i32
    %dma_wait3A_264 = tpu.memref_slice %arg7[%dma_wait3A_262, %dma_wait3A_263] : memref<10240x128xf32, #tpu.memory_space<vmem_shared>> -> memref<128x128xf32, #tpu.memory_space<vmem_shared>>
    %dma_wait3A_265 = arith.constant 0 : i32
    %dma_wait3A_266 = arith.constant 0 : i32
    %dma_wait3A_267 = tpu.memref_slice %arg6[%dma_wait3A_265, %dma_wait3A_266] : memref<256x128xf32, #tpu.memory_space<vmem>> -> memref<128x128xf32, #tpu.memory_space<vmem>>
    tpu.wait_dma2 semaphore(%arg9 : memref<!tpu.dma_semaphore, #tpu.memory_space<semaphore_mem>>) src(%dma_wait3A_267 : memref<128x128xf32, #tpu.memory_space<vmem>>) dst(%dma_wait3A_264 : memref<128x128xf32, #tpu.memory_space<vmem_shared>>)
    %dma_wait3A_268 = arith.constant 0 : i32
    %dma_wait3A_269 = arith.constant 0 : i32
    %dma_wait3A_270 = tpu.memref_slice %arg6[%dma_wait3A_268, %dma_wait3A_269] : memref<256x128xf32, #tpu.memory_space<vmem>> -> memref<128x128xf32, #tpu.memory_space<vmem>>
    %dma_wait3A_271 = arith.constant 0 : i32
    %dma_wait3A_272 = arith.constant 0 : i32
    %dma_wait3A_273 = tpu.memref_slice %arg7[%dma_wait3A_271, %dma_wait3A_272] : memref<10240x128xf32, #tpu.memory_space<vmem_shared>> -> memref<128x128xf32, #tpu.memory_space<vmem_shared>>
    %dma_wait3A_274 = arith.constant 0 : i32
    %dma_wait3A_275 = arith.constant 0 : i32
    %dma_wait3A_276 = tpu.memref_slice %arg7[%dma_wait3A_274, %dma_wait3A_275] : memref<10240x128xf32, #tpu.memory_space<vmem_shared>> -> memref<128x128xf32, #tpu.memory_space<vmem_shared>>
    %dma_wait3A_277 = arith.constant 0 : i32
    %dma_wait3A_278 = arith.constant 0 : i32
    %dma_wait3A_279 = tpu.memref_slice %arg6[%dma_wait3A_277, %dma_wait3A_278] : memref<256x128xf32, #tpu.memory_space<vmem>> -> memref<128x128xf32, #tpu.memory_space<vmem>>
    tpu.wait_dma2 semaphore(%arg9 : memref<!tpu.dma_semaphore, #tpu.memory_space<semaphore_mem>>) src(%dma_wait3A_279 : memref<128x128xf32, #tpu.memory_space<vmem>>) dst(%dma_wait3A_276 : memref<128x128xf32, #tpu.memory_space<vmem_shared>>)
    %dma_wait3A_280 = arith.constant 0 : i32
    %dma_wait3A_281 = arith.constant 0 : i32
    %dma_wait3A_282 = tpu.memref_slice %arg6[%dma_wait3A_280, %dma_wait3A_281] : memref<256x128xf32, #tpu.memory_space<vmem>> -> memref<128x128xf32, #tpu.memory_space<vmem>>
    %dma_wait3A_283 = arith.constant 0 : i32
    %dma_wait3A_284 = arith.constant 0 : i32
    %dma_wait3A_285 = tpu.memref_slice %arg7[%dma_wait3A_283, %dma_wait3A_284] : memref<10240x128xf32, #tpu.memory_space<vmem_shared>> -> memref<128x128xf32, #tpu.memory_space<vmem_shared>>
    %dma_wait3A_286 = arith.constant 0 : i32
    %dma_wait3A_287 = arith.constant 0 : i32
    %dma_wait3A_288 = tpu.memref_slice %arg7[%dma_wait3A_286, %dma_wait3A_287] : memref<10240x128xf32, #tpu.memory_space<vmem_shared>> -> memref<128x128xf32, #tpu.memory_space<vmem_shared>>
    %dma_wait3A_289 = arith.constant 0 : i32
    %dma_wait3A_290 = arith.constant 0 : i32
    %dma_wait3A_291 = tpu.memref_slice %arg6[%dma_wait3A_289, %dma_wait3A_290] : memref<256x128xf32, #tpu.memory_space<vmem>> -> memref<128x128xf32, #tpu.memory_space<vmem>>
    tpu.wait_dma2 semaphore(%arg9 : memref<!tpu.dma_semaphore, #tpu.memory_space<semaphore_mem>>) src(%dma_wait3A_291 : memref<128x128xf32, #tpu.memory_space<vmem>>) dst(%dma_wait3A_288 : memref<128x128xf32, #tpu.memory_space<vmem_shared>>)
    %dma_wait3A_292 = arith.constant 0 : i32
    %dma_wait3A_293 = arith.constant 0 : i32
    %dma_wait3A_294 = tpu.memref_slice %arg6[%dma_wait3A_292, %dma_wait3A_293] : memref<256x128xf32, #tpu.memory_space<vmem>> -> memref<128x128xf32, #tpu.memory_space<vmem>>
    %dma_wait3A_295 = arith.constant 0 : i32
    %dma_wait3A_296 = arith.constant 0 : i32
    %dma_wait3A_297 = tpu.memref_slice %arg7[%dma_wait3A_295, %dma_wait3A_296] : memref<10240x128xf32, #tpu.memory_space<vmem_shared>> -> memref<128x128xf32, #tpu.memory_space<vmem_shared>>
    %dma_wait3A_298 = arith.constant 0 : i32
    %dma_wait3A_299 = arith.constant 0 : i32
    %dma_wait3A_300 = tpu.memref_slice %arg7[%dma_wait3A_298, %dma_wait3A_299] : memref<10240x128xf32, #tpu.memory_space<vmem_shared>> -> memref<128x128xf32, #tpu.memory_space<vmem_shared>>
    %dma_wait3A_301 = arith.constant 0 : i32
    %dma_wait3A_302 = arith.constant 0 : i32
    %dma_wait3A_303 = tpu.memref_slice %arg6[%dma_wait3A_301, %dma_wait3A_302] : memref<256x128xf32, #tpu.memory_space<vmem>> -> memref<128x128xf32, #tpu.memory_space<vmem>>
    tpu.wait_dma2 semaphore(%arg9 : memref<!tpu.dma_semaphore, #tpu.memory_space<semaphore_mem>>) src(%dma_wait3A_303 : memref<128x128xf32, #tpu.memory_space<vmem>>) dst(%dma_wait3A_300 : memref<128x128xf32, #tpu.memory_space<vmem_shared>>)
    %multiple_of3A_304 = arith.constant 0 : i32
    %multiple_of3A_305 = tpu.assume_multiple %multiple_of3A_304, 128 : i32
    %dma_start3A_306 = arith.constant 0 : i32
    %dma_start3A_307 = arith.constant 0 : i32
    %dma_start3A_308 = arith.constant 0 : i32
    %dma_start3A_309 = tpu.memref_slice %arg6[%multiple_of3A_305, %dma_start3A_308] : memref<256x128xf32, #tpu.memory_space<vmem>> -> memref<128x128xf32, #tpu.memory_space<vmem>>
    %dma_start3A_310 = arith.constant 0 : i32
    %dma_start3A_311 = tpu.memref_slice %arg5[%dma_start3A_306, %dma_start3A_307, %dma_start3A_310] : memref<8x2x128xi32, #tpu.memory_space<vmem>> -> memref<1x1x128xi32, #tpu.memory_space<vmem>>
    %dma_start3A_312 = tpu.memref_squeeze %dma_start3A_311 : memref<1x1x128xi32, #tpu.memory_space<vmem>> -> memref<128xi32, #tpu.memory_space<vmem>>
    %dma_start3A_313 = arith.constant 0 : i32
    %dma_start3A_314 = arith.constant 0 : i32
    %dma_start3A_315 = tpu.memref_slice %arg3[%dma_start3A_313, %dma_start3A_314] : memref<10000x128xf32, #tpu.memory_space<hbm>> -> memref<10000x128xf32, #tpu.memory_space<hbm>>
    tpu.enqueue_indirect_dma source(%dma_start3A_315 : memref<10000x128xf32, #tpu.memory_space<hbm>>) target(%dma_start3A_309 : memref<128x128xf32, #tpu.memory_space<vmem>>) offsets(%dma_start3A_312 : memref<128xi32, #tpu.memory_space<vmem>>) semaphore(%arg9 : memref<!tpu.dma_semaphore, #tpu.memory_space<semaphore_mem>>)
    %multiple_of3A_316 = arith.constant 128 : i32
    %multiple_of3A_317 = tpu.assume_multiple %multiple_of3A_316, 128 : i32
    %dma_start3A_318 = arith.constant 1 : i32
    %dma_start3A_319 = arith.constant 0 : i32
    %dma_start3A_320 = arith.constant 0 : i32
    %dma_start3A_321 = tpu.memref_slice %arg6[%multiple_of3A_317, %dma_start3A_320] : memref<256x128xf32, #tpu.memory_space<vmem>> -> memref<128x128xf32, #tpu.memory_space<vmem>>
    %dma_start3A_322 = arith.constant 0 : i32
    %dma_start3A_323 = tpu.memref_slice %arg5[%dma_start3A_318, %dma_start3A_319, %dma_start3A_322] : memref<8x2x128xi32, #tpu.memory_space<vmem>> -> memref<1x1x128xi32, #tpu.memory_space<vmem>>
    %dma_start3A_324 = tpu.memref_squeeze %dma_start3A_323 : memref<1x1x128xi32, #tpu.memory_space<vmem>> -> memref<128xi32, #tpu.memory_space<vmem>>
    %dma_start3A_325 = arith.constant 0 : i32
    %dma_start3A_326 = arith.constant 0 : i32
    %dma_start3A_327 = tpu.memref_slice %arg3[%dma_start3A_325, %dma_start3A_326] : memref<10000x128xf32, #tpu.memory_space<hbm>> -> memref<10000x128xf32, #tpu.memory_space<hbm>>
    tpu.enqueue_indirect_dma source(%dma_start3A_327 : memref<10000x128xf32, #tpu.memory_space<hbm>>) target(%dma_start3A_321 : memref<128x128xf32, #tpu.memory_space<vmem>>) offsets(%dma_start3A_324 : memref<128xi32, #tpu.memory_space<vmem>>) semaphore(%arg9 : memref<!tpu.dma_semaphore, #tpu.memory_space<semaphore_mem>>)
    %barrier3A = arith.constant 0 : index
    tpu.barrier barrier_id(%barrier3A)
    %scan3A_328 = arith.constant 0 : i32
    %scan3A_329 = arith.constant 0 : i32
    %scan3A_330 = arith.constant 79 : i32
    %scan3A_331 = arith.addi %scan3A_329, %scan3A_330 : i32
    %scan3A_332 = arith.constant 1 : i32
    scf.for %scan3A_339 = %scan3A_329 to %scan3A_331 step %scan3A_332  : i32 {
      %lt3A_340 = arith.constant 76 : i32
      %lt3A_341 = arith.cmpi slt, %scan3A_339, %lt3A_340 : i32
      %convert_element_type3A = arith.extui %lt3A_341 : i1 to i32
      %cond3A = arith.constant 0 : i32
      %cond3A_342 = arith.cmpi ne, %convert_element_type3A, %cond3A : i32
      scf.if %cond3A_342 {
        %dma_wait3A_384 = arith.constant 0 : i32
        %dma_wait3A_385 = arith.constant 0 : i32
        %dma_wait3A_386 = arith.constant 0 : i32
        %dma_wait3A_387 = tpu.memref_slice %arg5[%dma_wait3A_384, %dma_wait3A_385, %dma_wait3A_386] : memref<8x2x128xi32, #tpu.memory_space<vmem>> -> memref<1x2x128xi32, #tpu.memory_space<vmem>>
        %dma_wait3A_388 = tpu.memref_squeeze %dma_wait3A_387 : memref<1x2x128xi32, #tpu.memory_space<vmem>> -> memref<2x128xi32, #tpu.memory_space<vmem>>
        %dma_wait3A_389 = arith.constant 0 : i32
        %dma_wait3A_390 = arith.constant 0 : i32
        %dma_wait3A_391 = tpu.memref_slice %arg2[%dma_wait3A_389, %dma_wait3A_390] : memref<2x320000xi32, #tpu.memory_space<hbm>> -> memref<2x128xi32, #tpu.memory_space<hbm>>
        %dma_wait3A_392 = arith.constant 0 : i32
        %dma_wait3A_393 = arith.constant 0 : i32
        %dma_wait3A_394 = tpu.memref_slice %arg5[%dma_wait3A_384, %dma_wait3A_392, %dma_wait3A_393] : memref<8x2x128xi32, #tpu.memory_space<vmem>> -> memref<1x2x128xi32, #tpu.memory_space<vmem>>
        %dma_wait3A_395 = tpu.memref_squeeze %dma_wait3A_394 : memref<1x2x128xi32, #tpu.memory_space<vmem>> -> memref<2x128xi32, #tpu.memory_space<vmem>>
        %dma_wait3A_396 = arith.constant 0 : i32
        %dma_wait3A_397 = arith.constant 0 : i32
        %dma_wait3A_398 = tpu.memref_slice %arg2[%dma_wait3A_396, %dma_wait3A_397] : memref<2x320000xi32, #tpu.memory_space<hbm>> -> memref<2x128xi32, #tpu.memory_space<hbm>>
        tpu.wait_dma2 semaphore(%arg8 : memref<!tpu.dma_semaphore, #tpu.memory_space<semaphore_mem>>) src(%dma_wait3A_398 : memref<2x128xi32, #tpu.memory_space<hbm>>) dst(%dma_wait3A_395 : memref<2x128xi32, #tpu.memory_space<vmem>>)
      } else {
      }
      %and3A = arith.constant 1 : i32
      %and3A_343 = arith.andi %scan3A_339, %and3A : i32
      %mul3A_344 = arith.constant 128 : i32
      %mul3A_345 = arith.muli %and3A_343, %mul3A_344 : i32
      %multiple_of3A_346 = tpu.assume_multiple %mul3A_345, 128 : i32
      %dma_wait3A_347 = arith.constant 0 : i32
      %dma_wait3A_348 = arith.constant 0 : i32
      %dma_wait3A_349 = arith.constant 0 : i32
      %dma_wait3A_350 = tpu.memref_slice %arg6[%multiple_of3A_346, %dma_wait3A_349] : memref<256x128xf32, #tpu.memory_space<vmem>> -> memref<128x128xf32, #tpu.memory_space<vmem>>
      %dma_wait3A_351 = arith.constant 0 : i32
      %dma_wait3A_352 = tpu.memref_slice %arg5[%dma_wait3A_347, %dma_wait3A_348, %dma_wait3A_351] : memref<8x2x128xi32, #tpu.memory_space<vmem>> -> memref<1x1x128xi32, #tpu.memory_space<vmem>>
      %dma_wait3A_353 = tpu.memref_squeeze %dma_wait3A_352 : memref<1x1x128xi32, #tpu.memory_space<vmem>> -> memref<128xi32, #tpu.memory_space<vmem>>
      %dma_wait3A_354 = arith.constant 0 : i32
      %dma_wait3A_355 = arith.constant 0 : i32
      %dma_wait3A_356 = tpu.memref_slice %arg3[%dma_wait3A_354, %dma_wait3A_355] : memref<10000x128xf32, #tpu.memory_space<hbm>> -> memref<10000x128xf32, #tpu.memory_space<hbm>>
      tpu.wait_indirect_dma semaphore(%arg9 : memref<!tpu.dma_semaphore, #tpu.memory_space<semaphore_mem>>) src(%dma_wait3A_356 : memref<10000x128xf32, #tpu.memory_space<hbm>>) dst(%dma_wait3A_350 : memref<128x128xf32, #tpu.memory_space<vmem>>)
      %eq3A = arith.constant 78 : i32
      %eq3A_357 = arith.cmpi eq, %scan3A_339, %eq3A : i32
      %not3A = arith.constant true
      %not3A_358 = arith.xori %lt3A_5, %not3A : i1
      %and3A_359 = arith.andi %eq3A_357, %not3A_358 : i1
      %convert_element_type3A_360 = arith.extui %and3A_359 : i1 to i32
      %cond3A_361 = arith.constant 0 : i32
      %cond3A_362 = arith.cmpi ne, %convert_element_type3A_360, %cond3A_361 : i32
      scf.if %cond3A_362 {
        %and3A_384 = arith.constant 7 : i32
        %and3A_385 = arith.andi %scan3A_339, %and3A_384 : i32
        %iota3A = tpu.iota {dimensions = array<i32: 0>} : vector<16xi32>
        %add3A_386 = arith.constant 10000 : i32
        %add3A_387 = vector.broadcast %add3A_386 : i32 to vector<16xi32>
        %add3A_388 = arith.addi %iota3A, %add3A_387 : vector<16xi32>
        %swap3A = arith.constant 1 : i32
        %swap3A_389 = arith.index_cast %and3A_385 : i32 to index
        %swap3A_390 = arith.index_cast %swap3A : i32 to index
        %swap3A_391 = arith.constant 0 : index
        %swap3A_392 = tpu.vector_load %arg5[%swap3A_389, %swap3A_390, %swap3A_391] {strides = array<i32>} : memref<8x2x128xi32, #tpu.memory_space<vmem>>, vector<1x1x16xi32>,
        %swap3A_393 = vector.shape_cast %swap3A_392 : vector<1x1x16xi32> to vector<16xi32>
        %swap3A_394 = vector.shape_cast %add3A_388 : vector<16xi32> to vector<1x1x16xi32>
        tpu.vector_store %arg5[%swap3A_389, %swap3A_390, %swap3A_391], %swap3A_394 {strides = array<i32>} : memref<8x2x128xi32, #tpu.memory_space<vmem>>, vector<1x1x16xi32>,
        %iota3A_395 = tpu.iota {dimensions = array<i32: 0>} : vector<16xi32>
        %add3A_396 = arith.constant 10016 : i32
        %add3A_397 = vector.broadcast %add3A_396 : i32 to vector<16xi32>
        %add3A_398 = arith.addi %iota3A_395, %add3A_397 : vector<16xi32>
        %swap3A_399 = arith.constant 1 : i32
        %swap3A_400 = arith.index_cast %and3A_385 : i32 to index
        %swap3A_401 = arith.index_cast %swap3A_399 : i32 to index
        %swap3A_402 = arith.constant 16 : index
        %swap3A_403 = tpu.vector_load %arg5[%swap3A_400, %swap3A_401, %swap3A_402] {strides = array<i32>} : memref<8x2x128xi32, #tpu.memory_space<vmem>>, vector<1x1x16xi32>,
        %swap3A_404 = vector.shape_cast %swap3A_403 : vector<1x1x16xi32> to vector<16xi32>
        %swap3A_405 = vector.shape_cast %add3A_398 : vector<16xi32> to vector<1x1x16xi32>
        tpu.vector_store %arg5[%swap3A_400, %swap3A_401, %swap3A_402], %swap3A_405 {strides = array<i32>} : memref<8x2x128xi32, #tpu.memory_space<vmem>>, vector<1x1x16xi32>,
        %iota3A_406 = tpu.iota {dimensions = array<i32: 0>} : vector<16xi32>
        %add3A_407 = arith.constant 10032 : i32
        %add3A_408 = vector.broadcast %add3A_407 : i32 to vector<16xi32>
        %add3A_409 = arith.addi %iota3A_406, %add3A_408 : vector<16xi32>
        %swap3A_410 = arith.constant 1 : i32
        %swap3A_411 = arith.index_cast %and3A_385 : i32 to index
        %swap3A_412 = arith.index_cast %swap3A_410 : i32 to index
        %swap3A_413 = arith.constant 32 : index
        %swap3A_414 = tpu.vector_load %arg5[%swap3A_411, %swap3A_412, %swap3A_413] {strides = array<i32>} : memref<8x2x128xi32, #tpu.memory_space<vmem>>, vector<1x1x16xi32>,
        %swap3A_415 = vector.shape_cast %swap3A_414 : vector<1x1x16xi32> to vector<16xi32>
        %swap3A_416 = vector.shape_cast %add3A_409 : vector<16xi32> to vector<1x1x16xi32>
        tpu.vector_store %arg5[%swap3A_411, %swap3A_412, %swap3A_413], %swap3A_416 {strides = array<i32>} : memref<8x2x128xi32, #tpu.memory_space<vmem>>, vector<1x1x16xi32>,
        %iota3A_417 = tpu.iota {dimensions = array<i32: 0>} : vector<16xi32>
        %add3A_418 = arith.constant 10048 : i32
        %add3A_419 = vector.broadcast %add3A_418 : i32 to vector<16xi32>
        %add3A_420 = arith.addi %iota3A_417, %add3A_419 : vector<16xi32>
        %swap3A_421 = arith.constant 1 : i32
        %swap3A_422 = arith.index_cast %and3A_385 : i32 to index
        %swap3A_423 = arith.index_cast %swap3A_421 : i32 to index
        %swap3A_424 = arith.constant 48 : index
        %swap3A_425 = tpu.vector_load %arg5[%swap3A_422, %swap3A_423, %swap3A_424] {strides = array<i32>} : memref<8x2x128xi32, #tpu.memory_space<vmem>>, vector<1x1x16xi32>,
        %swap3A_426 = vector.shape_cast %swap3A_425 : vector<1x1x16xi32> to vector<16xi32>
        %swap3A_427 = vector.shape_cast %add3A_420 : vector<16xi32> to vector<1x1x16xi32>
        tpu.vector_store %arg5[%swap3A_422, %swap3A_423, %swap3A_424], %swap3A_427 {strides = array<i32>} : memref<8x2x128xi32, #tpu.memory_space<vmem>>, vector<1x1x16xi32>,
        %iota3A_428 = tpu.iota {dimensions = array<i32: 0>} : vector<16xi32>
        %add3A_429 = arith.constant 10064 : i32
        %add3A_430 = vector.broadcast %add3A_429 : i32 to vector<16xi32>
        %add3A_431 = arith.addi %iota3A_428, %add3A_430 : vector<16xi32>
        %swap3A_432 = arith.constant 1 : i32
        %swap3A_433 = arith.index_cast %and3A_385 : i32 to index
        %swap3A_434 = arith.index_cast %swap3A_432 : i32 to index
        %swap3A_435 = arith.constant 64 : index
        %swap3A_436 = tpu.vector_load %arg5[%swap3A_433, %swap3A_434, %swap3A_435] {strides = array<i32>} : memref<8x2x128xi32, #tpu.memory_space<vmem>>, vector<1x1x16xi32>,
        %swap3A_437 = vector.shape_cast %swap3A_436 : vector<1x1x16xi32> to vector<16xi32>
        %swap3A_438 = vector.shape_cast %add3A_431 : vector<16xi32> to vector<1x1x16xi32>
        tpu.vector_store %arg5[%swap3A_433, %swap3A_434, %swap3A_435], %swap3A_438 {strides = array<i32>} : memref<8x2x128xi32, #tpu.memory_space<vmem>>, vector<1x1x16xi32>,
        %iota3A_439 = tpu.iota {dimensions = array<i32: 0>} : vector<16xi32>
        %add3A_440 = arith.constant 10080 : i32
        %add3A_441 = vector.broadcast %add3A_440 : i32 to vector<16xi32>
        %add3A_442 = arith.addi %iota3A_439, %add3A_441 : vector<16xi32>
        %swap3A_443 = arith.constant 1 : i32
        %swap3A_444 = arith.index_cast %and3A_385 : i32 to index
        %swap3A_445 = arith.index_cast %swap3A_443 : i32 to index
        %swap3A_446 = arith.constant 80 : index
        %swap3A_447 = tpu.vector_load %arg5[%swap3A_444, %swap3A_445, %swap3A_446] {strides = array<i32>} : memref<8x2x128xi32, #tpu.memory_space<vmem>>, vector<1x1x16xi32>,
        %swap3A_448 = vector.shape_cast %swap3A_447 : vector<1x1x16xi32> to vector<16xi32>
        %swap3A_449 = vector.shape_cast %add3A_442 : vector<16xi32> to vector<1x1x16xi32>
        tpu.vector_store %arg5[%swap3A_444, %swap3A_445, %swap3A_446], %swap3A_449 {strides = array<i32>} : memref<8x2x128xi32, #tpu.memory_space<vmem>>, vector<1x1x16xi32>,
        %iota3A_450 = tpu.iota {dimensions = array<i32: 0>} : vector<16xi32>
        %add3A_451 = arith.constant 10096 : i32
        %add3A_452 = vector.broadcast %add3A_451 : i32 to vector<16xi32>
        %add3A_453 = arith.addi %iota3A_450, %add3A_452 : vector<16xi32>
        %swap3A_454 = arith.constant 1 : i32
        %swap3A_455 = arith.index_cast %and3A_385 : i32 to index
        %swap3A_456 = arith.index_cast %swap3A_454 : i32 to index
        %swap3A_457 = arith.constant 96 : index
        %swap3A_458 = tpu.vector_load %arg5[%swap3A_455, %swap3A_456, %swap3A_457] {strides = array<i32>} : memref<8x2x128xi32, #tpu.memory_space<vmem>>, vector<1x1x16xi32>,
        %swap3A_459 = vector.shape_cast %swap3A_458 : vector<1x1x16xi32> to vector<16xi32>
        %swap3A_460 = vector.shape_cast %add3A_453 : vector<16xi32> to vector<1x1x16xi32>
        tpu.vector_store %arg5[%swap3A_455, %swap3A_456, %swap3A_457], %swap3A_460 {strides = array<i32>} : memref<8x2x128xi32, #tpu.memory_space<vmem>>, vector<1x1x16xi32>,
        %iota3A_461 = tpu.iota {dimensions = array<i32: 0>} : vector<16xi32>
        %add3A_462 = arith.constant 10112 : i32
        %add3A_463 = vector.broadcast %add3A_462 : i32 to vector<16xi32>
        %add3A_464 = arith.addi %iota3A_461, %add3A_463 : vector<16xi32>
        %swap3A_465 = arith.constant 1 : i32
        %swap3A_466 = arith.index_cast %and3A_385 : i32 to index
        %swap3A_467 = arith.index_cast %swap3A_465 : i32 to index
        %swap3A_468 = arith.constant 112 : index
        %swap3A_469 = tpu.vector_load %arg5[%swap3A_466, %swap3A_467, %swap3A_468] {strides = array<i32>} : memref<8x2x128xi32, #tpu.memory_space<vmem>>, vector<1x1x16xi32>,
        %swap3A_470 = vector.shape_cast %swap3A_469 : vector<1x1x16xi32> to vector<16xi32>
        %swap3A_471 = vector.shape_cast %add3A_464 : vector<16xi32> to vector<1x1x16xi32>
        tpu.vector_store %arg5[%swap3A_466, %swap3A_467, %swap3A_468], %swap3A_471 {strides = array<i32>} : memref<8x2x128xi32, #tpu.memory_space<vmem>>, vector<1x1x16xi32>,
      } else {
      }
      %and3A_363 = arith.constant 1 : i32
      %and3A_364 = arith.andi %scan3A_339, %and3A_363 : i32
      %mul3A_365 = arith.constant 128 : i32
      %mul3A_366 = arith.muli %and3A_364, %mul3A_365 : i32
      %multiple_of3A_367 = tpu.assume_multiple %mul3A_366, 128 : i32
      %and3A_368 = arith.constant 7 : i32
      %and3A_369 = arith.andi %scan3A_339, %and3A_368 : i32
      %run_scoped3A = arith.constant 1 : i32
      "tpu.region"() ({
        %run_scoped3A_384 = tpu.sem_alloc : memref<!tpu.dma_semaphore, #tpu.memory_space<semaphore_mem>>
        %dma_start3A_385 = arith.constant 0 : i32
        %dma_start3A_386 = tpu.memref_slice %arg6[%multiple_of3A_367, %dma_start3A_385] : memref<256x128xf32, #tpu.memory_space<vmem>> -> memref<128x128xf32, #tpu.memory_space<vmem>>
        %dma_start3A_387 = arith.constant 0 : i32
        %dma_start3A_388 = tpu.memref_slice %arg5[%and3A_369, %run_scoped3A, %dma_start3A_387] : memref<8x2x128xi32, #tpu.memory_space<vmem>> -> memref<1x1x128xi32, #tpu.memory_space<vmem>>
        %dma_start3A_389 = tpu.memref_squeeze %dma_start3A_388 : memref<1x1x128xi32, #tpu.memory_space<vmem>> -> memref<128xi32, #tpu.memory_space<vmem>>
        %dma_start3A_390 = arith.constant 0 : i32
        %dma_start3A_391 = arith.constant 0 : i32
        %dma_start3A_392 = tpu.memref_slice %arg7[%dma_start3A_390, %dma_start3A_391] : memref<10240x128xf32, #tpu.memory_space<vmem_shared>> -> memref<10240x128xf32, #tpu.memory_space<vmem_shared>>
        tpu.enqueue_indirect_dma source(%dma_start3A_386 : memref<128x128xf32, #tpu.memory_space<vmem>>) target(%dma_start3A_392 : memref<10240x128xf32, #tpu.memory_space<vmem_shared>>) offsets(%dma_start3A_389 : memref<128xi32, #tpu.memory_space<vmem>>) semaphore(%run_scoped3A_384 : memref<!tpu.dma_semaphore, #tpu.memory_space<semaphore_mem>>) {add = true}
        %dma_wait3A_393 = arith.constant 0 : i32
        %dma_wait3A_394 = tpu.memref_slice %arg6[%multiple_of3A_367, %dma_wait3A_393] : memref<256x128xf32, #tpu.memory_space<vmem>> -> memref<128x128xf32, #tpu.memory_space<vmem>>
        %dma_wait3A_395 = arith.constant 0 : i32
        %dma_wait3A_396 = tpu.memref_slice %arg5[%and3A_369, %run_scoped3A, %dma_wait3A_395] : memref<8x2x128xi32, #tpu.memory_space<vmem>> -> memref<1x1x128xi32, #tpu.memory_space<vmem>>
        %dma_wait3A_397 = tpu.memref_squeeze %dma_wait3A_396 : memref<1x1x128xi32, #tpu.memory_space<vmem>> -> memref<128xi32, #tpu.memory_space<vmem>>
        %dma_wait3A_398 = arith.constant 0 : i32
        %dma_wait3A_399 = arith.constant 0 : i32
        %dma_wait3A_400 = tpu.memref_slice %arg7[%dma_wait3A_398, %dma_wait3A_399] : memref<10240x128xf32, #tpu.memory_space<vmem_shared>> -> memref<10240x128xf32, #tpu.memory_space<vmem_shared>>
        tpu.wait_indirect_dma semaphore(%run_scoped3A_384 : memref<!tpu.dma_semaphore, #tpu.memory_space<semaphore_mem>>) src(%dma_wait3A_394 : memref<128x128xf32, #tpu.memory_space<vmem>>) dst(%dma_wait3A_400 : memref<10240x128xf32, #tpu.memory_space<vmem_shared>>)
        tpu.yield
      }) : () -> ()
      %add3A_370 = arith.constant 2 : i32
      %add3A_371 = arith.addi %scan3A_339, %add3A_370 : i32
      %lt3A_372 = arith.constant 79 : i32
      %lt3A_373 = arith.cmpi slt, %add3A_371, %lt3A_372 : i32
      %convert_element_type3A_374 = arith.extui %lt3A_373 : i1 to i32
      %cond3A_375 = arith.constant 0 : i32
      %cond3A_376 = arith.cmpi ne, %convert_element_type3A_374, %cond3A_375 : i32
      scf.if %cond3A_376 {
        %add3A_384 = arith.constant 2 : i32
        %add3A_385 = arith.addi %scan3A_339, %add3A_384 : i32
        %and3A_386 = arith.constant 7 : i32
        %and3A_387 = arith.andi %add3A_385, %and3A_386 : i32
        %and3A_388 = arith.constant 1 : i32
        %and3A_389 = arith.andi %add3A_385, %and3A_388 : i32
        %mul3A_390 = arith.constant 128 : i32
        %mul3A_391 = arith.muli %and3A_389, %mul3A_390 : i32
        %multiple_of3A_392 = tpu.assume_multiple %mul3A_391, 128 : i32
        %dma_start3A_393 = arith.constant 0 : i32
        %dma_start3A_394 = arith.constant 0 : i32
        %dma_start3A_395 = tpu.memref_slice %arg6[%multiple_of3A_392, %dma_start3A_394] : memref<256x128xf32, #tpu.memory_space<vmem>> -> memref<128x128xf32, #tpu.memory_space<vmem>>
        %dma_start3A_396 = arith.constant 0 : i32
        %dma_start3A_397 = tpu.memref_slice %arg5[%and3A_387, %dma_start3A_393, %dma_start3A_396] : memref<8x2x128xi32, #tpu.memory_space<vmem>> -> memref<1x1x128xi32, #tpu.memory_space<vmem>>
        %dma_start3A_398 = tpu.memref_squeeze %dma_start3A_397 : memref<1x1x128xi32, #tpu.memory_space<vmem>> -> memref<128xi32, #tpu.memory_space<vmem>>
        %dma_start3A_399 = arith.constant 0 : i32
        %dma_start3A_400 = arith.constant 0 : i32
        %dma_start3A_401 = tpu.memref_slice %arg3[%dma_start3A_399, %dma_start3A_400] : memref<10000x128xf32, #tpu.memory_space<hbm>> -> memref<10000x128xf32, #tpu.memory_space<hbm>>
        tpu.enqueue_indirect_dma source(%dma_start3A_401 : memref<10000x128xf32, #tpu.memory_space<hbm>>) target(%dma_start3A_395 : memref<128x128xf32, #tpu.memory_space<vmem>>) offsets(%dma_start3A_398 : memref<128xi32, #tpu.memory_space<vmem>>) semaphore(%arg9 : memref<!tpu.dma_semaphore, #tpu.memory_space<semaphore_mem>>)
      } else {
      }
      %add3A_377 = arith.constant 6 : i32
      %add3A_378 = arith.addi %scan3A_339, %add3A_377 : i32
      %lt3A_379 = arith.constant 79 : i32
      %lt3A_380 = arith.cmpi slt, %add3A_378, %lt3A_379 : i32
      %convert_element_type3A_381 = arith.extui %lt3A_380 : i1 to i32
      %cond3A_382 = arith.constant 0 : i32
      %cond3A_383 = arith.cmpi ne, %convert_element_type3A_381, %cond3A_382 : i32
      scf.if %cond3A_383 {
        %add3A_384 = arith.constant 6 : i32
        %add3A_385 = arith.addi %scan3A_339, %add3A_384 : i32
        %and3A_386 = arith.constant 7 : i32
        %and3A_387 = arith.andi %add3A_385, %and3A_386 : i32
        %add3A_388 = arith.addi %add3A_4, %add3A_385 : i32
        %min3A_389 = arith.constant 2499 : i32
        %min3A_390 = arith.minsi %add3A_388, %min3A_389 : i32
        %mul3A_391 = arith.constant 128 : i32
        %mul3A_392 = arith.muli %min3A_390, %mul3A_391 : i32
        %multiple_of3A_393 = tpu.assume_multiple %mul3A_392, 128 : i32
        %dma_start3A_394 = arith.constant 0 : i32
        %dma_start3A_395 = arith.constant 0 : i32
        %dma_start3A_396 = tpu.memref_slice %arg5[%and3A_387, %dma_start3A_394, %dma_start3A_395] : memref<8x2x128xi32, #tpu.memory_space<vmem>> -> memref<1x2x128xi32, #tpu.memory_space<vmem>>
        %dma_start3A_397 = tpu.memref_squeeze %dma_start3A_396 : memref<1x2x128xi32, #tpu.memory_space<vmem>> -> memref<2x128xi32, #tpu.memory_space<vmem>>
        %dma_start3A_398 = arith.constant 0 : i32
        %dma_start3A_399 = tpu.memref_slice %arg2[%dma_start3A_398, %multiple_of3A_393] : memref<2x320000xi32, #tpu.memory_space<hbm>> -> memref<2x128xi32, #tpu.memory_space<hbm>>
        %dma_start3A_400 = arith.constant 0 : i32
        %dma_start3A_401 = arith.constant 0 : i32
        %dma_start3A_402 = tpu.memref_slice %arg5[%and3A_387, %dma_start3A_400, %dma_start3A_401] : memref<8x2x128xi32, #tpu.memory_space<vmem>> -> memref<1x2x128xi32, #tpu.memory_space<vmem>>
        %dma_start3A_403 = tpu.memref_squeeze %dma_start3A_402 : memref<1x2x128xi32, #tpu.memory_space<vmem>> -> memref<2x128xi32, #tpu.memory_space<vmem>>
        %dma_start3A_404 = arith.constant 0 : i32
        %dma_start3A_405 = tpu.memref_slice %arg2[%dma_start3A_404, %multiple_of3A_393] : memref<2x320000xi32, #tpu.memory_space<hbm>> -> memref<2x128xi32, #tpu.memory_space<hbm>>
        tpu.enqueue_dma source(%dma_start3A_405 : memref<2x128xi32, #tpu.memory_space<hbm>>) target(%dma_start3A_403 : memref<2x128xi32, #tpu.memory_space<vmem>>) target_semaphore(%arg8 : memref<!tpu.dma_semaphore, #tpu.memory_space<semaphore_mem>>)
      } else {
      }
    }
    %scan3A_333 = arith.constant 79 : i32
    %barrier3A_334 = arith.constant 0 : index
    tpu.barrier barrier_id(%barrier3A_334)
    %mul3A_335 = arith.constant 640 : i32
    %mul3A_336 = arith.muli %arg1, %mul3A_335 : i32
    %mul3A_337 = arith.constant 640 : i32
    %mul3A_338 = arith.muli %arg1, %mul3A_337 : i32
    "tpu.region"() ({
      %run_scoped3A = tpu.sem_alloc : memref<!tpu.dma_semaphore, #tpu.memory_space<semaphore_mem>>
      %dma_start3A_339 = arith.constant 0 : i32
      %dma_start3A_340 = tpu.memref_slice %arg4[%arg0, %mul3A_338, %dma_start3A_339] : memref<2x10240x128xf32, #tpu.memory_space<hbm>> -> memref<1x640x128xf32, #tpu.memory_space<hbm>>
      %dma_start3A_341 = tpu.memref_squeeze %dma_start3A_340 : memref<1x640x128xf32, #tpu.memory_space<hbm>> -> memref<640x128xf32, #tpu.memory_space<hbm>>
      %dma_start3A_342 = arith.constant 0 : i32
      %dma_start3A_343 = tpu.memref_slice %arg7[%mul3A_336, %dma_start3A_342] : memref<10240x128xf32, #tpu.memory_space<vmem_shared>> -> memref<640x128xf32, #tpu.memory_space<vmem_shared>>
      tpu.enqueue_dma source(%dma_start3A_343 : memref<640x128xf32, #tpu.memory_space<vmem_shared>>) target(%dma_start3A_341 : memref<640x128xf32, #tpu.memory_space<hbm>>) target_semaphore(%run_scoped3A : memref<!tpu.dma_semaphore, #tpu.memory_space<semaphore_mem>>)
      %dma_wait3A_344 = arith.constant 0 : i32
      %dma_wait3A_345 = tpu.memref_slice %arg4[%arg0, %mul3A_338, %dma_wait3A_344] : memref<2x10240x128xf32, #tpu.memory_space<hbm>> -> memref<1x640x128xf32, #tpu.memory_space<hbm>>
      %dma_wait3A_346 = tpu.memref_squeeze %dma_wait3A_345 : memref<1x640x128xf32, #tpu.memory_space<hbm>> -> memref<640x128xf32, #tpu.memory_space<hbm>>
      %dma_wait3A_347 = arith.constant 0 : i32
      %dma_wait3A_348 = tpu.memref_slice %arg7[%mul3A_336, %dma_wait3A_347] : memref<10240x128xf32, #tpu.memory_space<vmem_shared>> -> memref<640x128xf32, #tpu.memory_space<vmem_shared>>
      tpu.wait_dma2 semaphore(%run_scoped3A : memref<!tpu.dma_semaphore, #tpu.memory_space<semaphore_mem>>) src(%dma_wait3A_348 : memref<640x128xf32, #tpu.memory_space<vmem_shared>>) dst(%dma_wait3A_346 : memref<640x128xf32, #tpu.memory_space<hbm>>)
      tpu.yield
    }) : () -> ()
    return
  }
}

#map = affine_map<(d0, d1) -> (0, 0)>
module attributes {stable_mosaic.version = 14 : i64} {
  func.func @_deg_kernel(%arg0: i32, %arg1: i32, %arg2: memref<2x320000xi32, #tpu.memory_space<hbm>>, %arg3: memref<32x10000xf32, #tpu.memory_space<hbm>>, %arg4: memref<2x10112xi32, #tpu.memory_space<vmem>>, %arg5: memref<10000xf32, #tpu.memory_space<vmem>>) attributes {dimension_semantics = [#tpu.dimension_semantics<core_parallel>, #tpu.dimension_semantics<subcore_parallel>], iteration_bounds = array<i64: 2, 16>, scalar_prefetch = 0 : i64, scratch_operands = 2 : i64, tpu.core_type = #tpu.core_type<sc_vector_subcore>, window_params = [{transform_indices = #map}, {transform_indices = #map}]} {
    %mul3A = arith.constant 16 : i32
    %mul3A_0 = arith.muli %arg0, %mul3A : i32
    %add3A = arith.addi %mul3A_0, %arg1 : i32
    %scan3A = arith.constant 0 : i32
    %scan3A_1 = arith.constant 0 : i32
    %scan3A_2 = arith.constant 625 : i32
    %scan3A_3 = arith.addi %scan3A_1, %scan3A_2 : i32
    %scan3A_4 = arith.constant 1 : i32
    scf.for %scan3A_28 = %scan3A_1 to %scan3A_3 step %scan3A_4  : i32 {
      %broadcast_in_dim3A_29 = arith.constant 0.000000e+00 : f32
      %broadcast_in_dim3A_30 = vector.broadcast %broadcast_in_dim3A_29 : f32 to vector<16xf32>
      %mul3A_31 = arith.constant 16 : i32
      %mul3A_32 = arith.muli %scan3A_28, %mul3A_31 : i32
      %swap3A = arith.index_cast %mul3A_32 : i32 to index
      %swap3A_33 = tpu.vector_load %arg5[%swap3A] {strides = array<i32>} : memref<10000xf32, #tpu.memory_space<vmem>>, vector<16xf32>,
      tpu.vector_store %arg5[%swap3A], %broadcast_in_dim3A_30 {strides = array<i32>} : memref<10000xf32, #tpu.memory_space<vmem>>, vector<16xf32>,
    }
    %scan3A_5 = arith.constant 625 : i32
    %mul3A_6 = arith.constant 78 : i32
    %mul3A_7 = arith.muli %add3A, %mul3A_6 : i32
    %min3A = arith.constant 4 : i32
    %min3A_8 = arith.minsi %add3A, %min3A : i32
    %add3A_9 = arith.addi %mul3A_7, %min3A_8 : i32
    %lt3A = arith.constant 4 : i32
    %lt3A_10 = arith.cmpi slt, %add3A, %lt3A : i32
    %mul3A_11 = arith.constant 128 : i32
    %mul3A_12 = arith.muli %add3A_9, %mul3A_11 : i32
    %multiple_of3A = tpu.assume_multiple %mul3A_12, 128 : i32
    %convert_element_type3A = arith.extui %lt3A_10 : i1 to i32
    %cond3A = arith.constant 0 : i32
    %cond3A_13 = arith.cmpi ne, %convert_element_type3A, %cond3A : i32
    scf.if %cond3A_13 {
      "tpu.region"() ({
        %run_scoped3A = tpu.sem_alloc : memref<!tpu.dma_semaphore, #tpu.memory_space<semaphore_mem>>
        %dma_start3A = arith.constant 0 : i32
        %dma_start3A_28 = tpu.memref_slice %arg2[%dma_start3A, %multiple_of3A] : memref<2x320000xi32, #tpu.memory_space<hbm>> -> memref<2x10112xi32, #tpu.memory_space<hbm>>
        %dma_start3A_29 = arith.constant 0 : i32
        %dma_start3A_30 = tpu.memref_slice %arg2[%dma_start3A_29, %multiple_of3A] : memref<2x320000xi32, #tpu.memory_space<hbm>> -> memref<2x10112xi32, #tpu.memory_space<hbm>>
        tpu.enqueue_dma source(%dma_start3A_30 : memref<2x10112xi32, #tpu.memory_space<hbm>>) target(%arg4 : memref<2x10112xi32, #tpu.memory_space<vmem>>) target_semaphore(%run_scoped3A : memref<!tpu.dma_semaphore, #tpu.memory_space<semaphore_mem>>)
        %dma_wait3A = arith.constant 0 : i32
        %dma_wait3A_31 = tpu.memref_slice %arg2[%dma_wait3A, %multiple_of3A] : memref<2x320000xi32, #tpu.memory_space<hbm>> -> memref<2x10112xi32, #tpu.memory_space<hbm>>
        %dma_wait3A_32 = arith.constant 0 : i32
        %dma_wait3A_33 = tpu.memref_slice %arg2[%dma_wait3A_32, %multiple_of3A] : memref<2x320000xi32, #tpu.memory_space<hbm>> -> memref<2x10112xi32, #tpu.memory_space<hbm>>
        tpu.wait_dma2 semaphore(%run_scoped3A : memref<!tpu.dma_semaphore, #tpu.memory_space<semaphore_mem>>) src(%dma_wait3A_33 : memref<2x10112xi32, #tpu.memory_space<hbm>>) dst(%arg4 : memref<2x10112xi32, #tpu.memory_space<vmem>>)
        tpu.yield
      }) : () -> ()
    } else {
    }
    %not3A = arith.constant true
    %not3A_14 = arith.xori %lt3A_10, %not3A : i1
    %convert_element_type3A_15 = arith.extui %not3A_14 : i1 to i32
    %cond3A_16 = arith.constant 0 : i32
    %cond3A_17 = arith.cmpi ne, %convert_element_type3A_15, %cond3A_16 : i32
    scf.if %cond3A_17 {
      "tpu.region"() ({
        %run_scoped3A = tpu.sem_alloc : memref<!tpu.dma_semaphore, #tpu.memory_space<semaphore_mem>>
        %dma_start3A = arith.constant 0 : i32
        %dma_start3A_28 = arith.constant 0 : i32
        %dma_start3A_29 = tpu.memref_slice %arg4[%dma_start3A, %dma_start3A_28] : memref<2x10112xi32, #tpu.memory_space<vmem>> -> memref<2x9984xi32, #tpu.memory_space<vmem>>
        %dma_start3A_30 = arith.constant 0 : i32
        %dma_start3A_31 = tpu.memref_slice %arg2[%dma_start3A_30, %multiple_of3A] : memref<2x320000xi32, #tpu.memory_space<hbm>> -> memref<2x9984xi32, #tpu.memory_space<hbm>>
        %dma_start3A_32 = arith.constant 0 : i32
        %dma_start3A_33 = arith.constant 0 : i32
        %dma_start3A_34 = tpu.memref_slice %arg4[%dma_start3A_32, %dma_start3A_33] : memref<2x10112xi32, #tpu.memory_space<vmem>> -> memref<2x9984xi32, #tpu.memory_space<vmem>>
        %dma_start3A_35 = arith.constant 0 : i32
        %dma_start3A_36 = tpu.memref_slice %arg2[%dma_start3A_35, %multiple_of3A] : memref<2x320000xi32, #tpu.memory_space<hbm>> -> memref<2x9984xi32, #tpu.memory_space<hbm>>
        tpu.enqueue_dma source(%dma_start3A_36 : memref<2x9984xi32, #tpu.memory_space<hbm>>) target(%dma_start3A_34 : memref<2x9984xi32, #tpu.memory_space<vmem>>) target_semaphore(%run_scoped3A : memref<!tpu.dma_semaphore, #tpu.memory_space<semaphore_mem>>)
        %dma_wait3A = arith.constant 0 : i32
        %dma_wait3A_37 = arith.constant 0 : i32
        %dma_wait3A_38 = tpu.memref_slice %arg4[%dma_wait3A, %dma_wait3A_37] : memref<2x10112xi32, #tpu.memory_space<vmem>> -> memref<2x9984xi32, #tpu.memory_space<vmem>>
        %dma_wait3A_39 = arith.constant 0 : i32
        %dma_wait3A_40 = tpu.memref_slice %arg2[%dma_wait3A_39, %multiple_of3A] : memref<2x320000xi32, #tpu.memory_space<hbm>> -> memref<2x9984xi32, #tpu.memory_space<hbm>>
        %dma_wait3A_41 = arith.constant 0 : i32
        %dma_wait3A_42 = arith.constant 0 : i32
        %dma_wait3A_43 = tpu.memref_slice %arg4[%dma_wait3A_41, %dma_wait3A_42] : memref<2x10112xi32, #tpu.memory_space<vmem>> -> memref<2x9984xi32, #tpu.memory_space<vmem>>
        %dma_wait3A_44 = arith.constant 0 : i32
        %dma_wait3A_45 = tpu.memref_slice %arg2[%dma_wait3A_44, %multiple_of3A] : memref<2x320000xi32, #tpu.memory_space<hbm>> -> memref<2x9984xi32, #tpu.memory_space<hbm>>
        tpu.wait_dma2 semaphore(%run_scoped3A : memref<!tpu.dma_semaphore, #tpu.memory_space<semaphore_mem>>) src(%dma_wait3A_45 : memref<2x9984xi32, #tpu.memory_space<hbm>>) dst(%dma_wait3A_43 : memref<2x9984xi32, #tpu.memory_space<vmem>>)
        tpu.yield
      }) : () -> ()
    } else {
    }
    %broadcast_in_dim3A = arith.constant 1.000000e+00 : f32
    %broadcast_in_dim3A_18 = vector.broadcast %broadcast_in_dim3A : f32 to vector<16xf32>
    %scan3A_19 = arith.constant 0 : i32
    %scan3A_20 = arith.constant 0 : i32
    %scan3A_21 = arith.constant 624 : i32
    %scan3A_22 = arith.addi %scan3A_20, %scan3A_21 : i32
    %scan3A_23 = arith.constant 1 : i32
    scf.for %scan3A_28 = %scan3A_20 to %scan3A_22 step %scan3A_23  : i32 {
      %mul3A_29 = arith.constant 16 : i32
      %mul3A_30 = arith.muli %scan3A_28, %mul3A_29 : i32
      %get3A = arith.constant 1 : i32
      %get3A_31 = arith.index_cast %get3A : i32 to index
      %get3A_32 = arith.index_cast %mul3A_30 : i32 to index
      %get3A_33 = tpu.vector_load %arg4[%get3A_31, %get3A_32] {strides = array<i32>} : memref<2x10112xi32, #tpu.memory_space<vmem>>, vector<16xi32>,
      tpu.vector_store_idx %arg5[%get3A_33], %broadcast_in_dim3A_18 {add = true} : memref<10000xf32, #tpu.memory_space<vmem>>[vector<16xi32>], vector<16xf32>,
    }
    %scan3A_24 = arith.constant 624 : i32
    %convert_element_type3A_25 = arith.extui %lt3A_10 : i1 to i32
    %cond3A_26 = arith.constant 0 : i32
    %cond3A_27 = arith.cmpi ne, %convert_element_type3A_25, %cond3A_26 : i32
    scf.if %cond3A_27 {
      %scan3A_28 = arith.constant 0 : i32
      %scan3A_29 = arith.constant 624 : i32
      %scan3A_30 = arith.constant 8 : i32
      %scan3A_31 = arith.addi %scan3A_29, %scan3A_30 : i32
      %scan3A_32 = arith.constant 1 : i32
      scf.for %scan3A_34 = %scan3A_29 to %scan3A_31 step %scan3A_32  : i32 {
        %mul3A_35 = arith.constant 16 : i32
        %mul3A_36 = arith.muli %scan3A_34, %mul3A_35 : i32
        %get3A = arith.constant 1 : i32
        %get3A_37 = arith.index_cast %get3A : i32 to index
        %get3A_38 = arith.index_cast %mul3A_36 : i32 to index
        %get3A_39 = tpu.vector_load %arg4[%get3A_37, %get3A_38] {strides = array<i32>} : memref<2x10112xi32, #tpu.memory_space<vmem>>, vector<16xi32>,
        tpu.vector_store_idx %arg5[%get3A_39], %broadcast_in_dim3A_18 {add = true} : memref<10000xf32, #tpu.memory_space<vmem>>[vector<16xi32>], vector<16xf32>,
      }
      %scan3A_33 = arith.constant 8 : i32
    } else {
    }
    "tpu.region"() ({
      %run_scoped3A = tpu.sem_alloc : memref<!tpu.dma_semaphore, #tpu.memory_space<semaphore_mem>>
      %dma_start3A = arith.constant 0 : i32
      %dma_start3A_28 = tpu.memref_slice %arg3[%add3A, %dma_start3A] : memref<32x10000xf32, #tpu.memory_space<hbm>> -> memref<1x10000xf32, #tpu.memory_space<hbm>>
      %dma_start3A_29 = tpu.memref_squeeze %dma_start3A_28 : memref<1x10000xf32, #tpu.memory_space<hbm>> -> memref<10000xf32, #tpu.memory_space<hbm>>
      %dma_start3A_30 = arith.constant 0 : i32
      %dma_start3A_31 = tpu.memref_slice %arg3[%add3A, %dma_start3A_30] : memref<32x10000xf32, #tpu.memory_space<hbm>> -> memref<1x10000xf32, #tpu.memory_space<hbm>>
      %dma_start3A_32 = tpu.memref_squeeze %dma_start3A_31 : memref<1x10000xf32, #tpu.memory_space<hbm>> -> memref<10000xf32, #tpu.memory_space<hbm>>
      tpu.enqueue_dma source(%arg5 : memref<10000xf32, #tpu.memory_space<vmem>>) target(%dma_start3A_32 : memref<10000xf32, #tpu.memory_space<hbm>>) target_semaphore(%run_scoped3A : memref<!tpu.dma_semaphore, #tpu.memory_space<semaphore_mem>>)
      %dma_wait3A = arith.constant 0 : i32
      %dma_wait3A_33 = tpu.memref_slice %arg3[%add3A, %dma_wait3A] : memref<32x10000xf32, #tpu.memory_space<hbm>> -> memref<1x10000xf32, #tpu.memory_space<hbm>>
      %dma_wait3A_34 = tpu.memref_squeeze %dma_wait3A_33 : memref<1x10000xf32, #tpu.memory_space<hbm>> -> memref<10000xf32, #tpu.memory_space<hbm>>
      %dma_wait3A_35 = arith.constant 0 : i32
      %dma_wait3A_36 = tpu.memref_slice %arg3[%add3A, %dma_wait3A_35] : memref<32x10000xf32, #tpu.memory_space<hbm>> -> memref<1x10000xf32, #tpu.memory_space<hbm>>
      %dma_wait3A_37 = tpu.memref_squeeze %dma_wait3A_36 : memref<1x10000xf32, #tpu.memory_space<hbm>> -> memref<10000xf32, #tpu.memory_space<hbm>>
      tpu.wait_dma2 semaphore(%run_scoped3A : memref<!tpu.dma_semaphore, #tpu.memory_space<semaphore_mem>>) src(%arg5 : memref<10000xf32, #tpu.memory_space<vmem>>) dst(%dma_wait3A_37 : memref<10000xf32, #tpu.memory_space<hbm>>)
      tpu.yield
    }) : () -> ()
    return
  }
}

#map = affine_map<(d0, d1) -> (0, 0)>
#map1 = affine_map<(d0, d1) -> (0, 0, 0)>
module attributes {stable_mosaic.version = 14 : i64} {
  func.func @_scatter_kernel(%arg0: i32, %arg1: i32, %arg2: memref<2x320000xi32, #tpu.memory_space<hbm>>, %arg3: memref<10000x128xf32, #tpu.memory_space<hbm>>, %arg4: memref<2x10240x128xf32, #tpu.memory_space<hbm>>, %arg5: memref<8x2x128xi32, #tpu.memory_space<vmem>>, %arg6: memref<256x128xf32, #tpu.memory_space<vmem>>, %arg7: memref<10240x128xf32, #tpu.memory_space<vmem_shared>>, %arg8: memref<!tpu.dma_semaphore, #tpu.memory_space<semaphore_mem>>, %arg9: memref<!tpu.dma_semaphore, #tpu.memory_space<semaphore_mem>>) attributes {dimension_semantics = [#tpu.dimension_semantics<core_parallel>, #tpu.dimension_semantics<subcore_parallel>], iteration_bounds = array<i64: 2, 16>, scalar_prefetch = 0 : i64, scratch_operands = 5 : i64, tpu.core_type = #tpu.core_type<sc_vector_subcore>, window_params = [{transform_indices = #map}, {transform_indices = #map}, {transform_indices = #map1}]} {
    %mul3A = arith.constant 16 : i32
    %mul3A_0 = arith.muli %arg0, %mul3A : i32
    %add3A = arith.addi %mul3A_0, %arg1 : i32
    %mul3A_1 = arith.constant 78 : i32
    %mul3A_2 = arith.muli %add3A, %mul3A_1 : i32
    %min3A = arith.constant 4 : i32
    %min3A_3 = arith.minsi %add3A, %min3A : i32
    %add3A_4 = arith.addi %mul3A_2, %min3A_3 : i32
    %lt3A = arith.constant 4 : i32
    %lt3A_5 = arith.cmpi slt, %add3A, %lt3A : i32
    %add3A_6 = arith.constant 0 : i32
    %add3A_7 = arith.addi %add3A_4, %add3A_6 : i32
    %min3A_8 = arith.constant 2499 : i32
    %min3A_9 = arith.minsi %add3A_7, %min3A_8 : i32
    %mul3A_10 = arith.constant 128 : i32
    %mul3A_11 = arith.muli %min3A_9, %mul3A_10 : i32
    %multiple_of3A = tpu.assume_multiple %mul3A_11, 128 : i32
    %dma_start3A = arith.constant 0 : i32
    %dma_start3A_12 = arith.constant 0 : i32
    %dma_start3A_13 = arith.constant 0 : i32
    %dma_start3A_14 = tpu.memref_slice %arg5[%dma_start3A, %dma_start3A_12, %dma_start3A_13] : memref<8x2x128xi32, #tpu.memory_space<vmem>> -> memref<1x2x128xi32, #tpu.memory_space<vmem>>
    %dma_start3A_15 = tpu.memref_squeeze %dma_start3A_14 : memref<1x2x128xi32, #tpu.memory_space<vmem>> -> memref<2x128xi32, #tpu.memory_space<vmem>>
    %dma_start3A_16 = arith.constant 0 : i32
    %dma_start3A_17 = tpu.memref_slice %arg2[%dma_start3A_16, %multiple_of3A] : memref<2x320000xi32, #tpu.memory_space<hbm>> -> memref<2x128xi32, #tpu.memory_space<hbm>>
    %dma_start3A_18 = arith.constant 0 : i32
    %dma_start3A_19 = arith.constant 0 : i32
    %dma_start3A_20 = tpu.memref_slice %arg5[%dma_start3A, %dma_start3A_18, %dma_start3A_19] : memref<8x2x128xi32, #tpu.memory_space<vmem>> -> memref<1x2x128xi32, #tpu.memory_space<vmem>>
    %dma_start3A_21 = tpu.memref_squeeze %dma_start3A_20 : memref<1x2x128xi32, #tpu.memory_space<vmem>> -> memref<2x128xi32, #tpu.memory_space<vmem>>
    %dma_start3A_22 = arith.constant 0 : i32
    %dma_start3A_23 = tpu.memref_slice %arg2[%dma_start3A_22, %multiple_of3A] : memref<2x320000xi32, #tpu.memory_space<hbm>> -> memref<2x128xi32, #tpu.memory_space<hbm>>
    tpu.enqueue_dma source(%dma_start3A_23 : memref<2x128xi32, #tpu.memory_space<hbm>>) target(%dma_start3A_21 : memref<2x128xi32, #tpu.memory_space<vmem>>) target_semaphore(%arg8 : memref<!tpu.dma_semaphore, #tpu.memory_space<semaphore_mem>>)
    %add3A_24 = arith.constant 1 : i32
    %add3A_25 = arith.addi %add3A_4, %add3A_24 : i32
    %min3A_26 = arith.constant 2499 : i32
    %min3A_27 = arith.minsi %add3A_25, %min3A_26 : i32
    %mul3A_28 = arith.constant 128 : i32
    %mul3A_29 = arith.muli %min3A_27, %mul3A_28 : i32
    %multiple_of3A_30 = tpu.assume_multiple %mul3A_29, 128 : i32
    %dma_start3A_31 = arith.constant 1 : i32
    %dma_start3A_32 = arith.constant 0 : i32
    %dma_start3A_33 = arith.constant 0 : i32
    %dma_start3A_34 = tpu.memref_slice %arg5[%dma_start3A_31, %dma_start3A_32, %dma_start3A_33] : memref<8x2x128xi32, #tpu.memory_space<vmem>> -> memref<1x2x128xi32, #tpu.memory_space<vmem>>
    %dma_start3A_35 = tpu.memref_squeeze %dma_start3A_34 : memref<1x2x128xi32, #tpu.memory_space<vmem>> -> memref<2x128xi32, #tpu.memory_space<vmem>>
    %dma_start3A_36 = arith.constant 0 : i32
    %dma_start3A_37 = tpu.memref_slice %arg2[%dma_start3A_36, %multiple_of3A_30] : memref<2x320000xi32, #tpu.memory_space<hbm>> -> memref<2x128xi32, #tpu.memory_space<hbm>>
    %dma_start3A_38 = arith.constant 0 : i32
    %dma_start3A_39 = arith.constant 0 : i32
    %dma_start3A_40 = tpu.memref_slice %arg5[%dma_start3A_31, %dma_start3A_38, %dma_start3A_39] : memref<8x2x128xi32, #tpu.memory_space<vmem>> -> memref<1x2x128xi32, #tpu.memory_space<vmem>>
    %dma_start3A_41 = tpu.memref_squeeze %dma_start3A_40 : memref<1x2x128xi32, #tpu.memory_space<vmem>> -> memref<2x128xi32, #tpu.memory_space<vmem>>
    %dma_start3A_42 = arith.constant 0 : i32
    %dma_start3A_43 = tpu.memref_slice %arg2[%dma_start3A_42, %multiple_of3A_30] : memref<2x320000xi32, #tpu.memory_space<hbm>> -> memref<2x128xi32, #tpu.memory_space<hbm>>
    tpu.enqueue_dma source(%dma_start3A_43 : memref<2x128xi32, #tpu.memory_space<hbm>>) target(%dma_start3A_41 : memref<2x128xi32, #tpu.memory_space<vmem>>) target_semaphore(%arg8 : memref<!tpu.dma_semaphore, #tpu.memory_space<semaphore_mem>>)
    %add3A_44 = arith.constant 2 : i32
    %add3A_45 = arith.addi %add3A_4, %add3A_44 : i32
    %min3A_46 = arith.constant 2499 : i32
    %min3A_47 = arith.minsi %add3A_45, %min3A_46 : i32
    %mul3A_48 = arith.constant 128 : i32
    %mul3A_49 = arith.muli %min3A_47, %mul3A_48 : i32
    %multiple_of3A_50 = tpu.assume_multiple %mul3A_49, 128 : i32
    %dma_start3A_51 = arith.constant 2 : i32
    %dma_start3A_52 = arith.constant 0 : i32
    %dma_start3A_53 = arith.constant 0 : i32
    %dma_start3A_54 = tpu.memref_slice %arg5[%dma_start3A_51, %dma_start3A_52, %dma_start3A_53] : memref<8x2x128xi32, #tpu.memory_space<vmem>> -> memref<1x2x128xi32, #tpu.memory_space<vmem>>
    %dma_start3A_55 = tpu.memref_squeeze %dma_start3A_54 : memref<1x2x128xi32, #tpu.memory_space<vmem>> -> memref<2x128xi32, #tpu.memory_space<vmem>>
    %dma_start3A_56 = arith.constant 0 : i32
    %dma_start3A_57 = tpu.memref_slice %arg2[%dma_start3A_56, %multiple_of3A_50] : memref<2x320000xi32, #tpu.memory_space<hbm>> -> memref<2x128xi32, #tpu.memory_space<hbm>>
    %dma_start3A_58 = arith.constant 0 : i32
    %dma_start3A_59 = arith.constant 0 : i32
    %dma_start3A_60 = tpu.memref_slice %arg5[%dma_start3A_51, %dma_start3A_58, %dma_start3A_59] : memref<8x2x128xi32, #tpu.memory_space<vmem>> -> memref<1x2x128xi32, #tpu.memory_space<vmem>>
    %dma_start3A_61 = tpu.memref_squeeze %dma_start3A_60 : memref<1x2x128xi32, #tpu.memory_space<vmem>> -> memref<2x128xi32, #tpu.memory_space<vmem>>
    %dma_start3A_62 = arith.constant 0 : i32
    %dma_start3A_63 = tpu.memref_slice %arg2[%dma_start3A_62, %multiple_of3A_50] : memref<2x320000xi32, #tpu.memory_space<hbm>> -> memref<2x128xi32, #tpu.memory_space<hbm>>
    tpu.enqueue_dma source(%dma_start3A_63 : memref<2x128xi32, #tpu.memory_space<hbm>>) target(%dma_start3A_61 : memref<2x128xi32, #tpu.memory_space<vmem>>) target_semaphore(%arg8 : memref<!tpu.dma_semaphore, #tpu.memory_space<semaphore_mem>>)
    %add3A_64 = arith.constant 3 : i32
    %add3A_65 = arith.addi %add3A_4, %add3A_64 : i32
    %min3A_66 = arith.constant 2499 : i32
    %min3A_67 = arith.minsi %add3A_65, %min3A_66 : i32
    %mul3A_68 = arith.constant 128 : i32
    %mul3A_69 = arith.muli %min3A_67, %mul3A_68 : i32
    %multiple_of3A_70 = tpu.assume_multiple %mul3A_69, 128 : i32
    %dma_start3A_71 = arith.constant 3 : i32
    %dma_start3A_72 = arith.constant 0 : i32
    %dma_start3A_73 = arith.constant 0 : i32
    %dma_start3A_74 = tpu.memref_slice %arg5[%dma_start3A_71, %dma_start3A_72, %dma_start3A_73] : memref<8x2x128xi32, #tpu.memory_space<vmem>> -> memref<1x2x128xi32, #tpu.memory_space<vmem>>
    %dma_start3A_75 = tpu.memref_squeeze %dma_start3A_74 : memref<1x2x128xi32, #tpu.memory_space<vmem>> -> memref<2x128xi32, #tpu.memory_space<vmem>>
    %dma_start3A_76 = arith.constant 0 : i32
    %dma_start3A_77 = tpu.memref_slice %arg2[%dma_start3A_76, %multiple_of3A_70] : memref<2x320000xi32, #tpu.memory_space<hbm>> -> memref<2x128xi32, #tpu.memory_space<hbm>>
    %dma_start3A_78 = arith.constant 0 : i32
    %dma_start3A_79 = arith.constant 0 : i32
    %dma_start3A_80 = tpu.memref_slice %arg5[%dma_start3A_71, %dma_start3A_78, %dma_start3A_79] : memref<8x2x128xi32, #tpu.memory_space<vmem>> -> memref<1x2x128xi32, #tpu.memory_space<vmem>>
    %dma_start3A_81 = tpu.memref_squeeze %dma_start3A_80 : memref<1x2x128xi32, #tpu.memory_space<vmem>> -> memref<2x128xi32, #tpu.memory_space<vmem>>
    %dma_start3A_82 = arith.constant 0 : i32
    %dma_start3A_83 = tpu.memref_slice %arg2[%dma_start3A_82, %multiple_of3A_70] : memref<2x320000xi32, #tpu.memory_space<hbm>> -> memref<2x128xi32, #tpu.memory_space<hbm>>
    tpu.enqueue_dma source(%dma_start3A_83 : memref<2x128xi32, #tpu.memory_space<hbm>>) target(%dma_start3A_81 : memref<2x128xi32, #tpu.memory_space<vmem>>) target_semaphore(%arg8 : memref<!tpu.dma_semaphore, #tpu.memory_space<semaphore_mem>>)
    %add3A_84 = arith.constant 4 : i32
    %add3A_85 = arith.addi %add3A_4, %add3A_84 : i32
    %min3A_86 = arith.constant 2499 : i32
    %min3A_87 = arith.minsi %add3A_85, %min3A_86 : i32
    %mul3A_88 = arith.constant 128 : i32
    %mul3A_89 = arith.muli %min3A_87, %mul3A_88 : i32
    %multiple_of3A_90 = tpu.assume_multiple %mul3A_89, 128 : i32
    %dma_start3A_91 = arith.constant 4 : i32
    %dma_start3A_92 = arith.constant 0 : i32
    %dma_start3A_93 = arith.constant 0 : i32
    %dma_start3A_94 = tpu.memref_slice %arg5[%dma_start3A_91, %dma_start3A_92, %dma_start3A_93] : memref<8x2x128xi32, #tpu.memory_space<vmem>> -> memref<1x2x128xi32, #tpu.memory_space<vmem>>
    %dma_start3A_95 = tpu.memref_squeeze %dma_start3A_94 : memref<1x2x128xi32, #tpu.memory_space<vmem>> -> memref<2x128xi32, #tpu.memory_space<vmem>>
    %dma_start3A_96 = arith.constant 0 : i32
    %dma_start3A_97 = tpu.memref_slice %arg2[%dma_start3A_96, %multiple_of3A_90] : memref<2x320000xi32, #tpu.memory_space<hbm>> -> memref<2x128xi32, #tpu.memory_space<hbm>>
    %dma_start3A_98 = arith.constant 0 : i32
    %dma_start3A_99 = arith.constant 0 : i32
    %dma_start3A_100 = tpu.memref_slice %arg5[%dma_start3A_91, %dma_start3A_98, %dma_start3A_99] : memref<8x2x128xi32, #tpu.memory_space<vmem>> -> memref<1x2x128xi32, #tpu.memory_space<vmem>>
    %dma_start3A_101 = tpu.memref_squeeze %dma_start3A_100 : memref<1x2x128xi32, #tpu.memory_space<vmem>> -> memref<2x128xi32, #tpu.memory_space<vmem>>
    %dma_start3A_102 = arith.constant 0 : i32
    %dma_start3A_103 = tpu.memref_slice %arg2[%dma_start3A_102, %multiple_of3A_90] : memref<2x320000xi32, #tpu.memory_space<hbm>> -> memref<2x128xi32, #tpu.memory_space<hbm>>
    tpu.enqueue_dma source(%dma_start3A_103 : memref<2x128xi32, #tpu.memory_space<hbm>>) target(%dma_start3A_101 : memref<2x128xi32, #tpu.memory_space<vmem>>) target_semaphore(%arg8 : memref<!tpu.dma_semaphore, #tpu.memory_space<semaphore_mem>>)
    %add3A_104 = arith.constant 5 : i32
    %add3A_105 = arith.addi %add3A_4, %add3A_104 : i32
    %min3A_106 = arith.constant 2499 : i32
    %min3A_107 = arith.minsi %add3A_105, %min3A_106 : i32
    %mul3A_108 = arith.constant 128 : i32
    %mul3A_109 = arith.muli %min3A_107, %mul3A_108 : i32
    %multiple_of3A_110 = tpu.assume_multiple %mul3A_109, 128 : i32
    %dma_start3A_111 = arith.constant 5 : i32
    %dma_start3A_112 = arith.constant 0 : i32
    %dma_start3A_113 = arith.constant 0 : i32
    %dma_start3A_114 = tpu.memref_slice %arg5[%dma_start3A_111, %dma_start3A_112, %dma_start3A_113] : memref<8x2x128xi32, #tpu.memory_space<vmem>> -> memref<1x2x128xi32, #tpu.memory_space<vmem>>
    %dma_start3A_115 = tpu.memref_squeeze %dma_start3A_114 : memref<1x2x128xi32, #tpu.memory_space<vmem>> -> memref<2x128xi32, #tpu.memory_space<vmem>>
    %dma_start3A_116 = arith.constant 0 : i32
    %dma_start3A_117 = tpu.memref_slice %arg2[%dma_start3A_116, %multiple_of3A_110] : memref<2x320000xi32, #tpu.memory_space<hbm>> -> memref<2x128xi32, #tpu.memory_space<hbm>>
    %dma_start3A_118 = arith.constant 0 : i32
    %dma_start3A_119 = arith.constant 0 : i32
    %dma_start3A_120 = tpu.memref_slice %arg5[%dma_start3A_111, %dma_start3A_118, %dma_start3A_119] : memref<8x2x128xi32, #tpu.memory_space<vmem>> -> memref<1x2x128xi32, #tpu.memory_space<vmem>>
    %dma_start3A_121 = tpu.memref_squeeze %dma_start3A_120 : memref<1x2x128xi32, #tpu.memory_space<vmem>> -> memref<2x128xi32, #tpu.memory_space<vmem>>
    %dma_start3A_122 = arith.constant 0 : i32
    %dma_start3A_123 = tpu.memref_slice %arg2[%dma_start3A_122, %multiple_of3A_110] : memref<2x320000xi32, #tpu.memory_space<hbm>> -> memref<2x128xi32, #tpu.memory_space<hbm>>
    tpu.enqueue_dma source(%dma_start3A_123 : memref<2x128xi32, #tpu.memory_space<hbm>>) target(%dma_start3A_121 : memref<2x128xi32, #tpu.memory_space<vmem>>) target_semaphore(%arg8 : memref<!tpu.dma_semaphore, #tpu.memory_space<semaphore_mem>>)
    %broadcast_in_dim3A = arith.constant 0.000000e+00 : f32
    %broadcast_in_dim3A_124 = vector.broadcast %broadcast_in_dim3A : f32 to vector<16xf32>
    %scan3A = arith.constant 0 : i32
    %scan3A_125 = arith.constant 0 : i32
    %scan3A_126 = arith.constant 128 : i32
    %scan3A_127 = arith.addi %scan3A_125, %scan3A_126 : i32
    %scan3A_128 = arith.constant 1 : i32
    scf.for %scan3A_339 = %scan3A_125 to %scan3A_127 step %scan3A_128  : i32 {
      %swap3A = arith.index_cast %scan3A_339 : i32 to index
      %swap3A_340 = arith.constant 0 : index
      %swap3A_341 = tpu.vector_load %arg6[%swap3A, %swap3A_340] {strides = array<i32>} : memref<256x128xf32, #tpu.memory_space<vmem>>, vector<1x16xf32>,
      %swap3A_342 = vector.shape_cast %swap3A_341 : vector<1x16xf32> to vector<16xf32>
      %swap3A_343 = vector.shape_cast %broadcast_in_dim3A_124 : vector<16xf32> to vector<1x16xf32>
      tpu.vector_store %arg6[%swap3A, %swap3A_340], %swap3A_343 {strides = array<i32>} : memref<256x128xf32, #tpu.memory_space<vmem>>, vector<1x16xf32>,
      %swap3A_344 = arith.index_cast %scan3A_339 : i32 to index
      %swap3A_345 = arith.constant 16 : index
      %swap3A_346 = tpu.vector_load %arg6[%swap3A_344, %swap3A_345] {strides = array<i32>} : memref<256x128xf32, #tpu.memory_space<vmem>>, vector<1x16xf32>,
      %swap3A_347 = vector.shape_cast %swap3A_346 : vector<1x16xf32> to vector<16xf32>
      %swap3A_348 = vector.shape_cast %broadcast_in_dim3A_124 : vector<16xf32> to vector<1x16xf32>
      tpu.vector_store %arg6[%swap3A_344, %swap3A_345], %swap3A_348 {strides = array<i32>} : memref<256x128xf32, #tpu.memory_space<vmem>>, vector<1x16xf32>,
      %swap3A_349 = arith.index_cast %scan3A_339 : i32 to index
      %swap3A_350 = arith.constant 32 : index
      %swap3A_351 = tpu.vector_load %arg6[%swap3A_349, %swap3A_350] {strides = array<i32>} : memref<256x128xf32, #tpu.memory_space<vmem>>, vector<1x16xf32>,
      %swap3A_352 = vector.shape_cast %swap3A_351 : vector<1x16xf32> to vector<16xf32>
      %swap3A_353 = vector.shape_cast %broadcast_in_dim3A_124 : vector<16xf32> to vector<1x16xf32>
      tpu.vector_store %arg6[%swap3A_349, %swap3A_350], %swap3A_353 {strides = array<i32>} : memref<256x128xf32, #tpu.memory_space<vmem>>, vector<1x16xf32>,
      %swap3A_354 = arith.index_cast %scan3A_339 : i32 to index
      %swap3A_355 = arith.constant 48 : index
      %swap3A_356 = tpu.vector_load %arg6[%swap3A_354, %swap3A_355] {strides = array<i32>} : memref<256x128xf32, #tpu.memory_space<vmem>>, vector<1x16xf32>,
      %swap3A_357 = vector.shape_cast %swap3A_356 : vector<1x16xf32> to vector<16xf32>
      %swap3A_358 = vector.shape_cast %broadcast_in_dim3A_124 : vector<16xf32> to vector<1x16xf32>
      tpu.vector_store %arg6[%swap3A_354, %swap3A_355], %swap3A_358 {strides = array<i32>} : memref<256x128xf32, #tpu.memory_space<vmem>>, vector<1x16xf32>,
      %swap3A_359 = arith.index_cast %scan3A_339 : i32 to index
      %swap3A_360 = arith.constant 64 : index
      %swap3A_361 = tpu.vector_load %arg6[%swap3A_359, %swap3A_360] {strides = array<i32>} : memref<256x128xf32, #tpu.memory_space<vmem>>, vector<1x16xf32>,
      %swap3A_362 = vector.shape_cast %swap3A_361 : vector<1x16xf32> to vector<16xf32>
      %swap3A_363 = vector.shape_cast %broadcast_in_dim3A_124 : vector<16xf32> to vector<1x16xf32>
      tpu.vector_store %arg6[%swap3A_359, %swap3A_360], %swap3A_363 {strides = array<i32>} : memref<256x128xf32, #tpu.memory_space<vmem>>, vector<1x16xf32>,
      %swap3A_364 = arith.index_cast %scan3A_339 : i32 to index
      %swap3A_365 = arith.constant 80 : index
      %swap3A_366 = tpu.vector_load %arg6[%swap3A_364, %swap3A_365] {strides = array<i32>} : memref<256x128xf32, #tpu.memory_space<vmem>>, vector<1x16xf32>,
      %swap3A_367 = vector.shape_cast %swap3A_366 : vector<1x16xf32> to vector<16xf32>
      %swap3A_368 = vector.shape_cast %broadcast_in_dim3A_124 : vector<16xf32> to vector<1x16xf32>
      tpu.vector_store %arg6[%swap3A_364, %swap3A_365], %swap3A_368 {strides = array<i32>} : memref<256x128xf32, #tpu.memory_space<vmem>>, vector<1x16xf32>,
      %swap3A_369 = arith.index_cast %scan3A_339 : i32 to index
      %swap3A_370 = arith.constant 96 : index
      %swap3A_371 = tpu.vector_load %arg6[%swap3A_369, %swap3A_370] {strides = array<i32>} : memref<256x128xf32, #tpu.memory_space<vmem>>, vector<1x16xf32>,
      %swap3A_372 = vector.shape_cast %swap3A_371 : vector<1x16xf32> to vector<16xf32>
      %swap3A_373 = vector.shape_cast %broadcast_in_dim3A_124 : vector<16xf32> to vector<1x16xf32>
      tpu.vector_store %arg6[%swap3A_369, %swap3A_370], %swap3A_373 {strides = array<i32>} : memref<256x128xf32, #tpu.memory_space<vmem>>, vector<1x16xf32>,
      %swap3A_374 = arith.index_cast %scan3A_339 : i32 to index
      %swap3A_375 = arith.constant 112 : index
      %swap3A_376 = tpu.vector_load %arg6[%swap3A_374, %swap3A_375] {strides = array<i32>} : memref<256x128xf32, #tpu.memory_space<vmem>>, vector<1x16xf32>,
      %swap3A_377 = vector.shape_cast %swap3A_376 : vector<1x16xf32> to vector<16xf32>
      %swap3A_378 = vector.shape_cast %broadcast_in_dim3A_124 : vector<16xf32> to vector<1x16xf32>
      tpu.vector_store %arg6[%swap3A_374, %swap3A_375], %swap3A_378 {strides = array<i32>} : memref<256x128xf32, #tpu.memory_space<vmem>>, vector<1x16xf32>,
    }
    %scan3A_129 = arith.constant 128 : i32
    %mul3A_130 = arith.constant 640 : i32
    %mul3A_131 = arith.muli %arg1, %mul3A_130 : i32
    %add3A_132 = arith.constant 0 : i32
    %add3A_133 = arith.addi %mul3A_131, %add3A_132 : i32
    %dma_start3A_134 = arith.constant 0 : i32
    %dma_start3A_135 = arith.constant 0 : i32
    %dma_start3A_136 = tpu.memref_slice %arg6[%dma_start3A_134, %dma_start3A_135] : memref<256x128xf32, #tpu.memory_space<vmem>> -> memref<128x128xf32, #tpu.memory_space<vmem>>
    %dma_start3A_137 = arith.constant 0 : i32
    %dma_start3A_138 = tpu.memref_slice %arg7[%add3A_133, %dma_start3A_137] : memref<10240x128xf32, #tpu.memory_space<vmem_shared>> -> memref<128x128xf32, #tpu.memory_space<vmem_shared>>
    %dma_start3A_139 = arith.constant 0 : i32
    %dma_start3A_140 = tpu.memref_slice %arg7[%add3A_133, %dma_start3A_139] : memref<10240x128xf32, #tpu.memory_space<vmem_shared>> -> memref<128x128xf32, #tpu.memory_space<vmem_shared>>
    %dma_start3A_141 = arith.constant 0 : i32
    %dma_start3A_142 = arith.constant 0 : i32
    %dma_start3A_143 = tpu.memref_slice %arg6[%dma_start3A_141, %dma_start3A_142] : memref<256x128xf32, #tpu.memory_space<vmem>> -> memref<128x128xf32, #tpu.memory_space<vmem>>
    tpu.enqueue_dma source(%dma_start3A_143 : memref<128x128xf32, #tpu.memory_space<vmem>>) target(%dma_start3A_140 : memref<128x128xf32, #tpu.memory_space<vmem_shared>>) target_semaphore(%arg9 : memref<!tpu.dma_semaphore, #tpu.memory_space<semaphore_mem>>)
    %mul3A_144 = arith.constant 640 : i32
    %mul3A_145 = arith.muli %arg1, %mul3A_144 : i32
    %add3A_146 = arith.constant 128 : i32
    %add3A_147 = arith.addi %mul3A_145, %add3A_146 : i32
    %dma_start3A_148 = arith.constant 0 : i32
    %dma_start3A_149 = arith.constant 0 : i32
    %dma_start3A_150 = tpu.memref_slice %arg6[%dma_start3A_148, %dma_start3A_149] : memref<256x128xf32, #tpu.memory_space<vmem>> -> memref<128x128xf32, #tpu.memory_space<vmem>>
    %dma_start3A_151 = arith.constant 0 : i32
    %dma_start3A_152 = tpu.memref_slice %arg7[%add3A_147, %dma_start3A_151] : memref<10240x128xf32, #tpu.memory_space<vmem_shared>> -> memref<128x128xf32, #tpu.memory_space<vmem_shared>>
    %dma_start3A_153 = arith.constant 0 : i32
    %dma_start3A_154 = tpu.memref_slice %arg7[%add3A_147, %dma_start3A_153] : memref<10240x128xf32, #tpu.memory_space<vmem_shared>> -> memref<128x128xf32, #tpu.memory_space<vmem_shared>>
    %dma_start3A_155 = arith.constant 0 : i32
    %dma_start3A_156 = arith.constant 0 : i32
    %dma_start3A_157 = tpu.memref_slice %arg6[%dma_start3A_155, %dma_start3A_156] : memref<256x128xf32, #tpu.memory_space<vmem>> -> memref<128x128xf32, #tpu.memory_space<vmem>>
    tpu.enqueue_dma source(%dma_start3A_157 : memref<128x128xf32, #tpu.memory_space<vmem>>) target(%dma_start3A_154 : memref<128x128xf32, #tpu.memory_space<vmem_shared>>) target_semaphore(%arg9 : memref<!tpu.dma_semaphore, #tpu.memory_space<semaphore_mem>>)
    %mul3A_158 = arith.constant 640 : i32
    %mul3A_159 = arith.muli %arg1, %mul3A_158 : i32
    %add3A_160 = arith.constant 256 : i32
    %add3A_161 = arith.addi %mul3A_159, %add3A_160 : i32
    %dma_start3A_162 = arith.constant 0 : i32
    %dma_start3A_163 = arith.constant 0 : i32
    %dma_start3A_164 = tpu.memref_slice %arg6[%dma_start3A_162, %dma_start3A_163] : memref<256x128xf32, #tpu.memory_space<vmem>> -> memref<128x128xf32, #tpu.memory_space<vmem>>
    %dma_start3A_165 = arith.constant 0 : i32
    %dma_start3A_166 = tpu.memref_slice %arg7[%add3A_161, %dma_start3A_165] : memref<10240x128xf32, #tpu.memory_space<vmem_shared>> -> memref<128x128xf32, #tpu.memory_space<vmem_shared>>
    %dma_start3A_167 = arith.constant 0 : i32
    %dma_start3A_168 = tpu.memref_slice %arg7[%add3A_161, %dma_start3A_167] : memref<10240x128xf32, #tpu.memory_space<vmem_shared>> -> memref<128x128xf32, #tpu.memory_space<vmem_shared>>
    %dma_start3A_169 = arith.constant 0 : i32
    %dma_start3A_170 = arith.constant 0 : i32
    %dma_start3A_171 = tpu.memref_slice %arg6[%dma_start3A_169, %dma_start3A_170] : memref<256x128xf32, #tpu.memory_space<vmem>> -> memref<128x128xf32, #tpu.memory_space<vmem>>
    tpu.enqueue_dma source(%dma_start3A_171 : memref<128x128xf32, #tpu.memory_space<vmem>>) target(%dma_start3A_168 : memref<128x128xf32, #tpu.memory_space<vmem_shared>>) target_semaphore(%arg9 : memref<!tpu.dma_semaphore, #tpu.memory_space<semaphore_mem>>)
    %mul3A_172 = arith.constant 640 : i32
    %mul3A_173 = arith.muli %arg1, %mul3A_172 : i32
    %add3A_174 = arith.constant 384 : i32
    %add3A_175 = arith.addi %mul3A_173, %add3A_174 : i32
    %dma_start3A_176 = arith.constant 0 : i32
    %dma_start3A_177 = arith.constant 0 : i32
    %dma_start3A_178 = tpu.memref_slice %arg6[%dma_start3A_176, %dma_start3A_177] : memref<256x128xf32, #tpu.memory_space<vmem>> -> memref<128x128xf32, #tpu.memory_space<vmem>>
    %dma_start3A_179 = arith.constant 0 : i32
    %dma_start3A_180 = tpu.memref_slice %arg7[%add3A_175, %dma_start3A_179] : memref<10240x128xf32, #tpu.memory_space<vmem_shared>> -> memref<128x128xf32, #tpu.memory_space<vmem_shared>>
    %dma_start3A_181 = arith.constant 0 : i32
    %dma_start3A_182 = tpu.memref_slice %arg7[%add3A_175, %dma_start3A_181] : memref<10240x128xf32, #tpu.memory_space<vmem_shared>> -> memref<128x128xf32, #tpu.memory_space<vmem_shared>>
    %dma_start3A_183 = arith.constant 0 : i32
    %dma_start3A_184 = arith.constant 0 : i32
    %dma_start3A_185 = tpu.memref_slice %arg6[%dma_start3A_183, %dma_start3A_184] : memref<256x128xf32, #tpu.memory_space<vmem>> -> memref<128x128xf32, #tpu.memory_space<vmem>>
    tpu.enqueue_dma source(%dma_start3A_185 : memref<128x128xf32, #tpu.memory_space<vmem>>) target(%dma_start3A_182 : memref<128x128xf32, #tpu.memory_space<vmem_shared>>) target_semaphore(%arg9 : memref<!tpu.dma_semaphore, #tpu.memory_space<semaphore_mem>>)
    %mul3A_186 = arith.constant 640 : i32
    %mul3A_187 = arith.muli %arg1, %mul3A_186 : i32
    %add3A_188 = arith.constant 512 : i32
    %add3A_189 = arith.addi %mul3A_187, %add3A_188 : i32
    %dma_start3A_190 = arith.constant 0 : i32
    %dma_start3A_191 = arith.constant 0 : i32
    %dma_start3A_192 = tpu.memref_slice %arg6[%dma_start3A_190, %dma_start3A_191] : memref<256x128xf32, #tpu.memory_space<vmem>> -> memref<128x128xf32, #tpu.memory_space<vmem>>
    %dma_start3A_193 = arith.constant 0 : i32
    %dma_start3A_194 = tpu.memref_slice %arg7[%add3A_189, %dma_start3A_193] : memref<10240x128xf32, #tpu.memory_space<vmem_shared>> -> memref<128x128xf32, #tpu.memory_space<vmem_shared>>
    %dma_start3A_195 = arith.constant 0 : i32
    %dma_start3A_196 = tpu.memref_slice %arg7[%add3A_189, %dma_start3A_195] : memref<10240x128xf32, #tpu.memory_space<vmem_shared>> -> memref<128x128xf32, #tpu.memory_space<vmem_shared>>
    %dma_start3A_197 = arith.constant 0 : i32
    %dma_start3A_198 = arith.constant 0 : i32
    %dma_start3A_199 = tpu.memref_slice %arg6[%dma_start3A_197, %dma_start3A_198] : memref<256x128xf32, #tpu.memory_space<vmem>> -> memref<128x128xf32, #tpu.memory_space<vmem>>
    tpu.enqueue_dma source(%dma_start3A_199 : memref<128x128xf32, #tpu.memory_space<vmem>>) target(%dma_start3A_196 : memref<128x128xf32, #tpu.memory_space<vmem_shared>>) target_semaphore(%arg9 : memref<!tpu.dma_semaphore, #tpu.memory_space<semaphore_mem>>)
    %dma_wait3A = arith.constant 0 : i32
    %dma_wait3A_200 = arith.constant 0 : i32
    %dma_wait3A_201 = arith.constant 0 : i32
    %dma_wait3A_202 = tpu.memref_slice %arg5[%dma_wait3A, %dma_wait3A_200, %dma_wait3A_201] : memref<8x2x128xi32, #tpu.memory_space<vmem>> -> memref<1x2x128xi32, #tpu.memory_space<vmem>>
    %dma_wait3A_203 = tpu.memref_squeeze %dma_wait3A_202 : memref<1x2x128xi32, #tpu.memory_space<vmem>> -> memref<2x128xi32, #tpu.memory_space<vmem>>
    %dma_wait3A_204 = arith.constant 0 : i32
    %dma_wait3A_205 = arith.constant 0 : i32
    %dma_wait3A_206 = tpu.memref_slice %arg2[%dma_wait3A_204, %dma_wait3A_205] : memref<2x320000xi32, #tpu.memory_space<hbm>> -> memref<2x128xi32, #tpu.memory_space<hbm>>
    %dma_wait3A_207 = arith.constant 0 : i32
    %dma_wait3A_208 = arith.constant 0 : i32
    %dma_wait3A_209 = tpu.memref_slice %arg5[%dma_wait3A, %dma_wait3A_207, %dma_wait3A_208] : memref<8x2x128xi32, #tpu.memory_space<vmem>> -> memref<1x2x128xi32, #tpu.memory_space<vmem>>
    %dma_wait3A_210 = tpu.memref_squeeze %dma_wait3A_209 : memref<1x2x128xi32, #tpu.memory_space<vmem>> -> memref<2x128xi32, #tpu.memory_space<vmem>>
    %dma_wait3A_211 = arith.constant 0 : i32
    %dma_wait3A_212 = arith.constant 0 : i32
    %dma_wait3A_213 = tpu.memref_slice %arg2[%dma_wait3A_211, %dma_wait3A_212] : memref<2x320000xi32, #tpu.memory_space<hbm>> -> memref<2x128xi32, #tpu.memory_space<hbm>>
    tpu.wait_dma2 semaphore(%arg8 : memref<!tpu.dma_semaphore, #tpu.memory_space<semaphore_mem>>) src(%dma_wait3A_213 : memref<2x128xi32, #tpu.memory_space<hbm>>) dst(%dma_wait3A_210 : memref<2x128xi32, #tpu.memory_space<vmem>>)
    %dma_wait3A_214 = arith.constant 0 : i32
    %dma_wait3A_215 = arith.constant 0 : i32
    %dma_wait3A_216 = arith.constant 0 : i32
    %dma_wait3A_217 = tpu.memref_slice %arg5[%dma_wait3A_214, %dma_wait3A_215, %dma_wait3A_216] : memref<8x2x128xi32, #tpu.memory_space<vmem>> -> memref<1x2x128xi32, #tpu.memory_space<vmem>>
    %dma_wait3A_218 = tpu.memref_squeeze %dma_wait3A_217 : memref<1x2x128xi32, #tpu.memory_space<vmem>> -> memref<2x128xi32, #tpu.memory_space<vmem>>
    %dma_wait3A_219 = arith.constant 0 : i32
    %dma_wait3A_220 = arith.constant 0 : i32
    %dma_wait3A_221 = tpu.memref_slice %arg2[%dma_wait3A_219, %dma_wait3A_220] : memref<2x320000xi32, #tpu.memory_space<hbm>> -> memref<2x128xi32, #tpu.memory_space<hbm>>
    %dma_wait3A_222 = arith.constant 0 : i32
    %dma_wait3A_223 = arith.constant 0 : i32
    %dma_wait3A_224 = tpu.memref_slice %arg5[%dma_wait3A_214, %dma_wait3A_222, %dma_wait3A_223] : memref<8x2x128xi32, #tpu.memory_space<vmem>> -> memref<1x2x128xi32, #tpu.memory_space<vmem>>
    %dma_wait3A_225 = tpu.memref_squeeze %dma_wait3A_224 : memref<1x2x128xi32, #tpu.memory_space<vmem>> -> memref<2x128xi32, #tpu.memory_space<vmem>>
    %dma_wait3A_226 = arith.constant 0 : i32
    %dma_wait3A_227 = arith.constant 0 : i32
    %dma_wait3A_228 = tpu.memref_slice %arg2[%dma_wait3A_226, %dma_wait3A_227] : memref<2x320000xi32, #tpu.memory_space<hbm>> -> memref<2x128xi32, #tpu.memory_space<hbm>>
    tpu.wait_dma2 semaphore(%arg8 : memref<!tpu.dma_semaphore, #tpu.memory_space<semaphore_mem>>) src(%dma_wait3A_228 : memref<2x128xi32, #tpu.memory_space<hbm>>) dst(%dma_wait3A_225 : memref<2x128xi32, #tpu.memory_space<vmem>>)
    %dma_wait3A_229 = arith.constant 0 : i32
    %dma_wait3A_230 = arith.constant 0 : i32
    %dma_wait3A_231 = arith.constant 0 : i32
    %dma_wait3A_232 = tpu.memref_slice %arg5[%dma_wait3A_229, %dma_wait3A_230, %dma_wait3A_231] : memref<8x2x128xi32, #tpu.memory_space<vmem>> -> memref<1x2x128xi32, #tpu.memory_space<vmem>>
    %dma_wait3A_233 = tpu.memref_squeeze %dma_wait3A_232 : memref<1x2x128xi32, #tpu.memory_space<vmem>> -> memref<2x128xi32, #tpu.memory_space<vmem>>
    %dma_wait3A_234 = arith.constant 0 : i32
    %dma_wait3A_235 = arith.constant 0 : i32
    %dma_wait3A_236 = tpu.memref_slice %arg2[%dma_wait3A_234, %dma_wait3A_235] : memref<2x320000xi32, #tpu.memory_space<hbm>> -> memref<2x128xi32, #tpu.memory_space<hbm>>
    %dma_wait3A_237 = arith.constant 0 : i32
    %dma_wait3A_238 = arith.constant 0 : i32
    %dma_wait3A_239 = tpu.memref_slice %arg5[%dma_wait3A_229, %dma_wait3A_237, %dma_wait3A_238] : memref<8x2x128xi32, #tpu.memory_space<vmem>> -> memref<1x2x128xi32, #tpu.memory_space<vmem>>
    %dma_wait3A_240 = tpu.memref_squeeze %dma_wait3A_239 : memref<1x2x128xi32, #tpu.memory_space<vmem>> -> memref<2x128xi32, #tpu.memory_space<vmem>>
    %dma_wait3A_241 = arith.constant 0 : i32
    %dma_wait3A_242 = arith.constant 0 : i32
    %dma_wait3A_243 = tpu.memref_slice %arg2[%dma_wait3A_241, %dma_wait3A_242] : memref<2x320000xi32, #tpu.memory_space<hbm>> -> memref<2x128xi32, #tpu.memory_space<hbm>>
    tpu.wait_dma2 semaphore(%arg8 : memref<!tpu.dma_semaphore, #tpu.memory_space<semaphore_mem>>) src(%dma_wait3A_243 : memref<2x128xi32, #tpu.memory_space<hbm>>) dst(%dma_wait3A_240 : memref<2x128xi32, #tpu.memory_space<vmem>>)
    %dma_wait3A_244 = arith.constant 0 : i32
    %dma_wait3A_245 = arith.constant 0 : i32
    %dma_wait3A_246 = tpu.memref_slice %arg6[%dma_wait3A_244, %dma_wait3A_245] : memref<256x128xf32, #tpu.memory_space<vmem>> -> memref<128x128xf32, #tpu.memory_space<vmem>>
    %dma_wait3A_247 = arith.constant 0 : i32
    %dma_wait3A_248 = arith.constant 0 : i32
    %dma_wait3A_249 = tpu.memref_slice %arg7[%dma_wait3A_247, %dma_wait3A_248] : memref<10240x128xf32, #tpu.memory_space<vmem_shared>> -> memref<128x128xf32, #tpu.memory_space<vmem_shared>>
    %dma_wait3A_250 = arith.constant 0 : i32
    %dma_wait3A_251 = arith.constant 0 : i32
    %dma_wait3A_252 = tpu.memref_slice %arg7[%dma_wait3A_250, %dma_wait3A_251] : memref<10240x128xf32, #tpu.memory_space<vmem_shared>> -> memref<128x128xf32, #tpu.memory_space<vmem_shared>>
    %dma_wait3A_253 = arith.constant 0 : i32
    %dma_wait3A_254 = arith.constant 0 : i32
    %dma_wait3A_255 = tpu.memref_slice %arg6[%dma_wait3A_253, %dma_wait3A_254] : memref<256x128xf32, #tpu.memory_space<vmem>> -> memref<128x128xf32, #tpu.memory_space<vmem>>
    tpu.wait_dma2 semaphore(%arg9 : memref<!tpu.dma_semaphore, #tpu.memory_space<semaphore_mem>>) src(%dma_wait3A_255 : memref<128x128xf32, #tpu.memory_space<vmem>>) dst(%dma_wait3A_252 : memref<128x128xf32, #tpu.memory_space<vmem_shared>>)
    %dma_wait3A_256 = arith.constant 0 : i32
    %dma_wait3A_257 = arith.constant 0 : i32
    %dma_wait3A_258 = tpu.memref_slice %arg6[%dma_wait3A_256, %dma_wait3A_257] : memref<256x128xf32, #tpu.memory_space<vmem>> -> memref<128x128xf32, #tpu.memory_space<vmem>>
    %dma_wait3A_259 = arith.constant 0 : i32
    %dma_wait3A_260 = arith.constant 0 : i32
    %dma_wait3A_261 = tpu.memref_slice %arg7[%dma_wait3A_259, %dma_wait3A_260] : memref<10240x128xf32, #tpu.memory_space<vmem_shared>> -> memref<128x128xf32, #tpu.memory_space<vmem_shared>>
    %dma_wait3A_262 = arith.constant 0 : i32
    %dma_wait3A_263 = arith.constant 0 : i32
    %dma_wait3A_264 = tpu.memref_slice %arg7[%dma_wait3A_262, %dma_wait3A_263] : memref<10240x128xf32, #tpu.memory_space<vmem_shared>> -> memref<128x128xf32, #tpu.memory_space<vmem_shared>>
    %dma_wait3A_265 = arith.constant 0 : i32
    %dma_wait3A_266 = arith.constant 0 : i32
    %dma_wait3A_267 = tpu.memref_slice %arg6[%dma_wait3A_265, %dma_wait3A_266] : memref<256x128xf32, #tpu.memory_space<vmem>> -> memref<128x128xf32, #tpu.memory_space<vmem>>
    tpu.wait_dma2 semaphore(%arg9 : memref<!tpu.dma_semaphore, #tpu.memory_space<semaphore_mem>>) src(%dma_wait3A_267 : memref<128x128xf32, #tpu.memory_space<vmem>>) dst(%dma_wait3A_264 : memref<128x128xf32, #tpu.memory_space<vmem_shared>>)
    %dma_wait3A_268 = arith.constant 0 : i32
    %dma_wait3A_269 = arith.constant 0 : i32
    %dma_wait3A_270 = tpu.memref_slice %arg6[%dma_wait3A_268, %dma_wait3A_269] : memref<256x128xf32, #tpu.memory_space<vmem>> -> memref<128x128xf32, #tpu.memory_space<vmem>>
    %dma_wait3A_271 = arith.constant 0 : i32
    %dma_wait3A_272 = arith.constant 0 : i32
    %dma_wait3A_273 = tpu.memref_slice %arg7[%dma_wait3A_271, %dma_wait3A_272] : memref<10240x128xf32, #tpu.memory_space<vmem_shared>> -> memref<128x128xf32, #tpu.memory_space<vmem_shared>>
    %dma_wait3A_274 = arith.constant 0 : i32
    %dma_wait3A_275 = arith.constant 0 : i32
    %dma_wait3A_276 = tpu.memref_slice %arg7[%dma_wait3A_274, %dma_wait3A_275] : memref<10240x128xf32, #tpu.memory_space<vmem_shared>> -> memref<128x128xf32, #tpu.memory_space<vmem_shared>>
    %dma_wait3A_277 = arith.constant 0 : i32
    %dma_wait3A_278 = arith.constant 0 : i32
    %dma_wait3A_279 = tpu.memref_slice %arg6[%dma_wait3A_277, %dma_wait3A_278] : memref<256x128xf32, #tpu.memory_space<vmem>> -> memref<128x128xf32, #tpu.memory_space<vmem>>
    tpu.wait_dma2 semaphore(%arg9 : memref<!tpu.dma_semaphore, #tpu.memory_space<semaphore_mem>>) src(%dma_wait3A_279 : memref<128x128xf32, #tpu.memory_space<vmem>>) dst(%dma_wait3A_276 : memref<128x128xf32, #tpu.memory_space<vmem_shared>>)
    %dma_wait3A_280 = arith.constant 0 : i32
    %dma_wait3A_281 = arith.constant 0 : i32
    %dma_wait3A_282 = tpu.memref_slice %arg6[%dma_wait3A_280, %dma_wait3A_281] : memref<256x128xf32, #tpu.memory_space<vmem>> -> memref<128x128xf32, #tpu.memory_space<vmem>>
    %dma_wait3A_283 = arith.constant 0 : i32
    %dma_wait3A_284 = arith.constant 0 : i32
    %dma_wait3A_285 = tpu.memref_slice %arg7[%dma_wait3A_283, %dma_wait3A_284] : memref<10240x128xf32, #tpu.memory_space<vmem_shared>> -> memref<128x128xf32, #tpu.memory_space<vmem_shared>>
    %dma_wait3A_286 = arith.constant 0 : i32
    %dma_wait3A_287 = arith.constant 0 : i32
    %dma_wait3A_288 = tpu.memref_slice %arg7[%dma_wait3A_286, %dma_wait3A_287] : memref<10240x128xf32, #tpu.memory_space<vmem_shared>> -> memref<128x128xf32, #tpu.memory_space<vmem_shared>>
    %dma_wait3A_289 = arith.constant 0 : i32
    %dma_wait3A_290 = arith.constant 0 : i32
    %dma_wait3A_291 = tpu.memref_slice %arg6[%dma_wait3A_289, %dma_wait3A_290] : memref<256x128xf32, #tpu.memory_space<vmem>> -> memref<128x128xf32, #tpu.memory_space<vmem>>
    tpu.wait_dma2 semaphore(%arg9 : memref<!tpu.dma_semaphore, #tpu.memory_space<semaphore_mem>>) src(%dma_wait3A_291 : memref<128x128xf32, #tpu.memory_space<vmem>>) dst(%dma_wait3A_288 : memref<128x128xf32, #tpu.memory_space<vmem_shared>>)
    %dma_wait3A_292 = arith.constant 0 : i32
    %dma_wait3A_293 = arith.constant 0 : i32
    %dma_wait3A_294 = tpu.memref_slice %arg6[%dma_wait3A_292, %dma_wait3A_293] : memref<256x128xf32, #tpu.memory_space<vmem>> -> memref<128x128xf32, #tpu.memory_space<vmem>>
    %dma_wait3A_295 = arith.constant 0 : i32
    %dma_wait3A_296 = arith.constant 0 : i32
    %dma_wait3A_297 = tpu.memref_slice %arg7[%dma_wait3A_295, %dma_wait3A_296] : memref<10240x128xf32, #tpu.memory_space<vmem_shared>> -> memref<128x128xf32, #tpu.memory_space<vmem_shared>>
    %dma_wait3A_298 = arith.constant 0 : i32
    %dma_wait3A_299 = arith.constant 0 : i32
    %dma_wait3A_300 = tpu.memref_slice %arg7[%dma_wait3A_298, %dma_wait3A_299] : memref<10240x128xf32, #tpu.memory_space<vmem_shared>> -> memref<128x128xf32, #tpu.memory_space<vmem_shared>>
    %dma_wait3A_301 = arith.constant 0 : i32
    %dma_wait3A_302 = arith.constant 0 : i32
    %dma_wait3A_303 = tpu.memref_slice %arg6[%dma_wait3A_301, %dma_wait3A_302] : memref<256x128xf32, #tpu.memory_space<vmem>> -> memref<128x128xf32, #tpu.memory_space<vmem>>
    tpu.wait_dma2 semaphore(%arg9 : memref<!tpu.dma_semaphore, #tpu.memory_space<semaphore_mem>>) src(%dma_wait3A_303 : memref<128x128xf32, #tpu.memory_space<vmem>>) dst(%dma_wait3A_300 : memref<128x128xf32, #tpu.memory_space<vmem_shared>>)
    %multiple_of3A_304 = arith.constant 0 : i32
    %multiple_of3A_305 = tpu.assume_multiple %multiple_of3A_304, 128 : i32
    %dma_start3A_306 = arith.constant 0 : i32
    %dma_start3A_307 = arith.constant 0 : i32
    %dma_start3A_308 = arith.constant 0 : i32
    %dma_start3A_309 = tpu.memref_slice %arg6[%multiple_of3A_305, %dma_start3A_308] : memref<256x128xf32, #tpu.memory_space<vmem>> -> memref<128x128xf32, #tpu.memory_space<vmem>>
    %dma_start3A_310 = arith.constant 0 : i32
    %dma_start3A_311 = tpu.memref_slice %arg5[%dma_start3A_306, %dma_start3A_307, %dma_start3A_310] : memref<8x2x128xi32, #tpu.memory_space<vmem>> -> memref<1x1x128xi32, #tpu.memory_space<vmem>>
    %dma_start3A_312 = tpu.memref_squeeze %dma_start3A_311 : memref<1x1x128xi32, #tpu.memory_space<vmem>> -> memref<128xi32, #tpu.memory_space<vmem>>
    %dma_start3A_313 = arith.constant 0 : i32
    %dma_start3A_314 = arith.constant 0 : i32
    %dma_start3A_315 = tpu.memref_slice %arg3[%dma_start3A_313, %dma_start3A_314] : memref<10000x128xf32, #tpu.memory_space<hbm>> -> memref<10000x128xf32, #tpu.memory_space<hbm>>
    tpu.enqueue_indirect_dma source(%dma_start3A_315 : memref<10000x128xf32, #tpu.memory_space<hbm>>) target(%dma_start3A_309 : memref<128x128xf32, #tpu.memory_space<vmem>>) offsets(%dma_start3A_312 : memref<128xi32, #tpu.memory_space<vmem>>) semaphore(%arg9 : memref<!tpu.dma_semaphore, #tpu.memory_space<semaphore_mem>>)
    %multiple_of3A_316 = arith.constant 128 : i32
    %multiple_of3A_317 = tpu.assume_multiple %multiple_of3A_316, 128 : i32
    %dma_start3A_318 = arith.constant 1 : i32
    %dma_start3A_319 = arith.constant 0 : i32
    %dma_start3A_320 = arith.constant 0 : i32
    %dma_start3A_321 = tpu.memref_slice %arg6[%multiple_of3A_317, %dma_start3A_320] : memref<256x128xf32, #tpu.memory_space<vmem>> -> memref<128x128xf32, #tpu.memory_space<vmem>>
    %dma_start3A_322 = arith.constant 0 : i32
    %dma_start3A_323 = tpu.memref_slice %arg5[%dma_start3A_318, %dma_start3A_319, %dma_start3A_322] : memref<8x2x128xi32, #tpu.memory_space<vmem>> -> memref<1x1x128xi32, #tpu.memory_space<vmem>>
    %dma_start3A_324 = tpu.memref_squeeze %dma_start3A_323 : memref<1x1x128xi32, #tpu.memory_space<vmem>> -> memref<128xi32, #tpu.memory_space<vmem>>
    %dma_start3A_325 = arith.constant 0 : i32
    %dma_start3A_326 = arith.constant 0 : i32
    %dma_start3A_327 = tpu.memref_slice %arg3[%dma_start3A_325, %dma_start3A_326] : memref<10000x128xf32, #tpu.memory_space<hbm>> -> memref<10000x128xf32, #tpu.memory_space<hbm>>
    tpu.enqueue_indirect_dma source(%dma_start3A_327 : memref<10000x128xf32, #tpu.memory_space<hbm>>) target(%dma_start3A_321 : memref<128x128xf32, #tpu.memory_space<vmem>>) offsets(%dma_start3A_324 : memref<128xi32, #tpu.memory_space<vmem>>) semaphore(%arg9 : memref<!tpu.dma_semaphore, #tpu.memory_space<semaphore_mem>>)
    %barrier3A = arith.constant 0 : index
    tpu.barrier barrier_id(%barrier3A)
    %scan3A_328 = arith.constant 0 : i32
    %scan3A_329 = arith.constant 0 : i32
    %scan3A_330 = arith.constant 79 : i32
    %scan3A_331 = arith.addi %scan3A_329, %scan3A_330 : i32
    %scan3A_332 = arith.constant 1 : i32
    scf.for %scan3A_339 = %scan3A_329 to %scan3A_331 step %scan3A_332  : i32 {
      %lt3A_340 = arith.constant 76 : i32
      %lt3A_341 = arith.cmpi slt, %scan3A_339, %lt3A_340 : i32
      %convert_element_type3A = arith.extui %lt3A_341 : i1 to i32
      %cond3A = arith.constant 0 : i32
      %cond3A_342 = arith.cmpi ne, %convert_element_type3A, %cond3A : i32
      scf.if %cond3A_342 {
        %dma_wait3A_384 = arith.constant 0 : i32
        %dma_wait3A_385 = arith.constant 0 : i32
        %dma_wait3A_386 = arith.constant 0 : i32
        %dma_wait3A_387 = tpu.memref_slice %arg5[%dma_wait3A_384, %dma_wait3A_385, %dma_wait3A_386] : memref<8x2x128xi32, #tpu.memory_space<vmem>> -> memref<1x2x128xi32, #tpu.memory_space<vmem>>
        %dma_wait3A_388 = tpu.memref_squeeze %dma_wait3A_387 : memref<1x2x128xi32, #tpu.memory_space<vmem>> -> memref<2x128xi32, #tpu.memory_space<vmem>>
        %dma_wait3A_389 = arith.constant 0 : i32
        %dma_wait3A_390 = arith.constant 0 : i32
        %dma_wait3A_391 = tpu.memref_slice %arg2[%dma_wait3A_389, %dma_wait3A_390] : memref<2x320000xi32, #tpu.memory_space<hbm>> -> memref<2x128xi32, #tpu.memory_space<hbm>>
        %dma_wait3A_392 = arith.constant 0 : i32
        %dma_wait3A_393 = arith.constant 0 : i32
        %dma_wait3A_394 = tpu.memref_slice %arg5[%dma_wait3A_384, %dma_wait3A_392, %dma_wait3A_393] : memref<8x2x128xi32, #tpu.memory_space<vmem>> -> memref<1x2x128xi32, #tpu.memory_space<vmem>>
        %dma_wait3A_395 = tpu.memref_squeeze %dma_wait3A_394 : memref<1x2x128xi32, #tpu.memory_space<vmem>> -> memref<2x128xi32, #tpu.memory_space<vmem>>
        %dma_wait3A_396 = arith.constant 0 : i32
        %dma_wait3A_397 = arith.constant 0 : i32
        %dma_wait3A_398 = tpu.memref_slice %arg2[%dma_wait3A_396, %dma_wait3A_397] : memref<2x320000xi32, #tpu.memory_space<hbm>> -> memref<2x128xi32, #tpu.memory_space<hbm>>
        tpu.wait_dma2 semaphore(%arg8 : memref<!tpu.dma_semaphore, #tpu.memory_space<semaphore_mem>>) src(%dma_wait3A_398 : memref<2x128xi32, #tpu.memory_space<hbm>>) dst(%dma_wait3A_395 : memref<2x128xi32, #tpu.memory_space<vmem>>)
      } else {
      }
      %and3A = arith.constant 1 : i32
      %and3A_343 = arith.andi %scan3A_339, %and3A : i32
      %mul3A_344 = arith.constant 128 : i32
      %mul3A_345 = arith.muli %and3A_343, %mul3A_344 : i32
      %multiple_of3A_346 = tpu.assume_multiple %mul3A_345, 128 : i32
      %dma_wait3A_347 = arith.constant 0 : i32
      %dma_wait3A_348 = arith.constant 0 : i32
      %dma_wait3A_349 = arith.constant 0 : i32
      %dma_wait3A_350 = tpu.memref_slice %arg6[%multiple_of3A_346, %dma_wait3A_349] : memref<256x128xf32, #tpu.memory_space<vmem>> -> memref<128x128xf32, #tpu.memory_space<vmem>>
      %dma_wait3A_351 = arith.constant 0 : i32
      %dma_wait3A_352 = tpu.memref_slice %arg5[%dma_wait3A_347, %dma_wait3A_348, %dma_wait3A_351] : memref<8x2x128xi32, #tpu.memory_space<vmem>> -> memref<1x1x128xi32, #tpu.memory_space<vmem>>
      %dma_wait3A_353 = tpu.memref_squeeze %dma_wait3A_352 : memref<1x1x128xi32, #tpu.memory_space<vmem>> -> memref<128xi32, #tpu.memory_space<vmem>>
      %dma_wait3A_354 = arith.constant 0 : i32
      %dma_wait3A_355 = arith.constant 0 : i32
      %dma_wait3A_356 = tpu.memref_slice %arg3[%dma_wait3A_354, %dma_wait3A_355] : memref<10000x128xf32, #tpu.memory_space<hbm>> -> memref<10000x128xf32, #tpu.memory_space<hbm>>
      tpu.wait_indirect_dma semaphore(%arg9 : memref<!tpu.dma_semaphore, #tpu.memory_space<semaphore_mem>>) src(%dma_wait3A_356 : memref<10000x128xf32, #tpu.memory_space<hbm>>) dst(%dma_wait3A_350 : memref<128x128xf32, #tpu.memory_space<vmem>>)
      %eq3A = arith.constant 78 : i32
      %eq3A_357 = arith.cmpi eq, %scan3A_339, %eq3A : i32
      %not3A = arith.constant true
      %not3A_358 = arith.xori %lt3A_5, %not3A : i1
      %and3A_359 = arith.andi %eq3A_357, %not3A_358 : i1
      %convert_element_type3A_360 = arith.extui %and3A_359 : i1 to i32
      %cond3A_361 = arith.constant 0 : i32
      %cond3A_362 = arith.cmpi ne, %convert_element_type3A_360, %cond3A_361 : i32
      scf.if %cond3A_362 {
        %and3A_384 = arith.constant 7 : i32
        %and3A_385 = arith.andi %scan3A_339, %and3A_384 : i32
        %iota3A = tpu.iota {dimensions = array<i32: 0>} : vector<16xi32>
        %add3A_386 = arith.constant 10000 : i32
        %add3A_387 = vector.broadcast %add3A_386 : i32 to vector<16xi32>
        %add3A_388 = arith.addi %iota3A, %add3A_387 : vector<16xi32>
        %swap3A = arith.constant 1 : i32
        %swap3A_389 = arith.index_cast %and3A_385 : i32 to index
        %swap3A_390 = arith.index_cast %swap3A : i32 to index
        %swap3A_391 = arith.constant 0 : index
        %swap3A_392 = tpu.vector_load %arg5[%swap3A_389, %swap3A_390, %swap3A_391] {strides = array<i32>} : memref<8x2x128xi32, #tpu.memory_space<vmem>>, vector<1x1x16xi32>,
        %swap3A_393 = vector.shape_cast %swap3A_392 : vector<1x1x16xi32> to vector<16xi32>
        %swap3A_394 = vector.shape_cast %add3A_388 : vector<16xi32> to vector<1x1x16xi32>
        tpu.vector_store %arg5[%swap3A_389, %swap3A_390, %swap3A_391], %swap3A_394 {strides = array<i32>} : memref<8x2x128xi32, #tpu.memory_space<vmem>>, vector<1x1x16xi32>,
        %iota3A_395 = tpu.iota {dimensions = array<i32: 0>} : vector<16xi32>
        %add3A_396 = arith.constant 10016 : i32
        %add3A_397 = vector.broadcast %add3A_396 : i32 to vector<16xi32>
        %add3A_398 = arith.addi %iota3A_395, %add3A_397 : vector<16xi32>
        %swap3A_399 = arith.constant 1 : i32
        %swap3A_400 = arith.index_cast %and3A_385 : i32 to index
        %swap3A_401 = arith.index_cast %swap3A_399 : i32 to index
        %swap3A_402 = arith.constant 16 : index
        %swap3A_403 = tpu.vector_load %arg5[%swap3A_400, %swap3A_401, %swap3A_402] {strides = array<i32>} : memref<8x2x128xi32, #tpu.memory_space<vmem>>, vector<1x1x16xi32>,
        %swap3A_404 = vector.shape_cast %swap3A_403 : vector<1x1x16xi32> to vector<16xi32>
        %swap3A_405 = vector.shape_cast %add3A_398 : vector<16xi32> to vector<1x1x16xi32>
        tpu.vector_store %arg5[%swap3A_400, %swap3A_401, %swap3A_402], %swap3A_405 {strides = array<i32>} : memref<8x2x128xi32, #tpu.memory_space<vmem>>, vector<1x1x16xi32>,
        %iota3A_406 = tpu.iota {dimensions = array<i32: 0>} : vector<16xi32>
        %add3A_407 = arith.constant 10032 : i32
        %add3A_408 = vector.broadcast %add3A_407 : i32 to vector<16xi32>
        %add3A_409 = arith.addi %iota3A_406, %add3A_408 : vector<16xi32>
        %swap3A_410 = arith.constant 1 : i32
        %swap3A_411 = arith.index_cast %and3A_385 : i32 to index
        %swap3A_412 = arith.index_cast %swap3A_410 : i32 to index
        %swap3A_413 = arith.constant 32 : index
        %swap3A_414 = tpu.vector_load %arg5[%swap3A_411, %swap3A_412, %swap3A_413] {strides = array<i32>} : memref<8x2x128xi32, #tpu.memory_space<vmem>>, vector<1x1x16xi32>,
        %swap3A_415 = vector.shape_cast %swap3A_414 : vector<1x1x16xi32> to vector<16xi32>
        %swap3A_416 = vector.shape_cast %add3A_409 : vector<16xi32> to vector<1x1x16xi32>
        tpu.vector_store %arg5[%swap3A_411, %swap3A_412, %swap3A_413], %swap3A_416 {strides = array<i32>} : memref<8x2x128xi32, #tpu.memory_space<vmem>>, vector<1x1x16xi32>,
        %iota3A_417 = tpu.iota {dimensions = array<i32: 0>} : vector<16xi32>
        %add3A_418 = arith.constant 10048 : i32
        %add3A_419 = vector.broadcast %add3A_418 : i32 to vector<16xi32>
        %add3A_420 = arith.addi %iota3A_417, %add3A_419 : vector<16xi32>
        %swap3A_421 = arith.constant 1 : i32
        %swap3A_422 = arith.index_cast %and3A_385 : i32 to index
        %swap3A_423 = arith.index_cast %swap3A_421 : i32 to index
        %swap3A_424 = arith.constant 48 : index
        %swap3A_425 = tpu.vector_load %arg5[%swap3A_422, %swap3A_423, %swap3A_424] {strides = array<i32>} : memref<8x2x128xi32, #tpu.memory_space<vmem>>, vector<1x1x16xi32>,
        %swap3A_426 = vector.shape_cast %swap3A_425 : vector<1x1x16xi32> to vector<16xi32>
        %swap3A_427 = vector.shape_cast %add3A_420 : vector<16xi32> to vector<1x1x16xi32>
        tpu.vector_store %arg5[%swap3A_422, %swap3A_423, %swap3A_424], %swap3A_427 {strides = array<i32>} : memref<8x2x128xi32, #tpu.memory_space<vmem>>, vector<1x1x16xi32>,
        %iota3A_428 = tpu.iota {dimensions = array<i32: 0>} : vector<16xi32>
        %add3A_429 = arith.constant 10064 : i32
        %add3A_430 = vector.broadcast %add3A_429 : i32 to vector<16xi32>
        %add3A_431 = arith.addi %iota3A_428, %add3A_430 : vector<16xi32>
        %swap3A_432 = arith.constant 1 : i32
        %swap3A_433 = arith.index_cast %and3A_385 : i32 to index
        %swap3A_434 = arith.index_cast %swap3A_432 : i32 to index
        %swap3A_435 = arith.constant 64 : index
        %swap3A_436 = tpu.vector_load %arg5[%swap3A_433, %swap3A_434, %swap3A_435] {strides = array<i32>} : memref<8x2x128xi32, #tpu.memory_space<vmem>>, vector<1x1x16xi32>,
        %swap3A_437 = vector.shape_cast %swap3A_436 : vector<1x1x16xi32> to vector<16xi32>
        %swap3A_438 = vector.shape_cast %add3A_431 : vector<16xi32> to vector<1x1x16xi32>
        tpu.vector_store %arg5[%swap3A_433, %swap3A_434, %swap3A_435], %swap3A_438 {strides = array<i32>} : memref<8x2x128xi32, #tpu.memory_space<vmem>>, vector<1x1x16xi32>,
        %iota3A_439 = tpu.iota {dimensions = array<i32: 0>} : vector<16xi32>
        %add3A_440 = arith.constant 10080 : i32
        %add3A_441 = vector.broadcast %add3A_440 : i32 to vector<16xi32>
        %add3A_442 = arith.addi %iota3A_439, %add3A_441 : vector<16xi32>
        %swap3A_443 = arith.constant 1 : i32
        %swap3A_444 = arith.index_cast %and3A_385 : i32 to index
        %swap3A_445 = arith.index_cast %swap3A_443 : i32 to index
        %swap3A_446 = arith.constant 80 : index
        %swap3A_447 = tpu.vector_load %arg5[%swap3A_444, %swap3A_445, %swap3A_446] {strides = array<i32>} : memref<8x2x128xi32, #tpu.memory_space<vmem>>, vector<1x1x16xi32>,
        %swap3A_448 = vector.shape_cast %swap3A_447 : vector<1x1x16xi32> to vector<16xi32>
        %swap3A_449 = vector.shape_cast %add3A_442 : vector<16xi32> to vector<1x1x16xi32>
        tpu.vector_store %arg5[%swap3A_444, %swap3A_445, %swap3A_446], %swap3A_449 {strides = array<i32>} : memref<8x2x128xi32, #tpu.memory_space<vmem>>, vector<1x1x16xi32>,
        %iota3A_450 = tpu.iota {dimensions = array<i32: 0>} : vector<16xi32>
        %add3A_451 = arith.constant 10096 : i32
        %add3A_452 = vector.broadcast %add3A_451 : i32 to vector<16xi32>
        %add3A_453 = arith.addi %iota3A_450, %add3A_452 : vector<16xi32>
        %swap3A_454 = arith.constant 1 : i32
        %swap3A_455 = arith.index_cast %and3A_385 : i32 to index
        %swap3A_456 = arith.index_cast %swap3A_454 : i32 to index
        %swap3A_457 = arith.constant 96 : index
        %swap3A_458 = tpu.vector_load %arg5[%swap3A_455, %swap3A_456, %swap3A_457] {strides = array<i32>} : memref<8x2x128xi32, #tpu.memory_space<vmem>>, vector<1x1x16xi32>,
        %swap3A_459 = vector.shape_cast %swap3A_458 : vector<1x1x16xi32> to vector<16xi32>
        %swap3A_460 = vector.shape_cast %add3A_453 : vector<16xi32> to vector<1x1x16xi32>
        tpu.vector_store %arg5[%swap3A_455, %swap3A_456, %swap3A_457], %swap3A_460 {strides = array<i32>} : memref<8x2x128xi32, #tpu.memory_space<vmem>>, vector<1x1x16xi32>,
        %iota3A_461 = tpu.iota {dimensions = array<i32: 0>} : vector<16xi32>
        %add3A_462 = arith.constant 10112 : i32
        %add3A_463 = vector.broadcast %add3A_462 : i32 to vector<16xi32>
        %add3A_464 = arith.addi %iota3A_461, %add3A_463 : vector<16xi32>
        %swap3A_465 = arith.constant 1 : i32
        %swap3A_466 = arith.index_cast %and3A_385 : i32 to index
        %swap3A_467 = arith.index_cast %swap3A_465 : i32 to index
        %swap3A_468 = arith.constant 112 : index
        %swap3A_469 = tpu.vector_load %arg5[%swap3A_466, %swap3A_467, %swap3A_468] {strides = array<i32>} : memref<8x2x128xi32, #tpu.memory_space<vmem>>, vector<1x1x16xi32>,
        %swap3A_470 = vector.shape_cast %swap3A_469 : vector<1x1x16xi32> to vector<16xi32>
        %swap3A_471 = vector.shape_cast %add3A_464 : vector<16xi32> to vector<1x1x16xi32>
        tpu.vector_store %arg5[%swap3A_466, %swap3A_467, %swap3A_468], %swap3A_471 {strides = array<i32>} : memref<8x2x128xi32, #tpu.memory_space<vmem>>, vector<1x1x16xi32>,
      } else {
      }
      %and3A_363 = arith.constant 1 : i32
      %and3A_364 = arith.andi %scan3A_339, %and3A_363 : i32
      %mul3A_365 = arith.constant 128 : i32
      %mul3A_366 = arith.muli %and3A_364, %mul3A_365 : i32
      %multiple_of3A_367 = tpu.assume_multiple %mul3A_366, 128 : i32
      %and3A_368 = arith.constant 7 : i32
      %and3A_369 = arith.andi %scan3A_339, %and3A_368 : i32
      %run_scoped3A = arith.constant 1 : i32
      "tpu.region"() ({
        %run_scoped3A_384 = tpu.sem_alloc : memref<!tpu.dma_semaphore, #tpu.memory_space<semaphore_mem>>
        %dma_start3A_385 = arith.constant 0 : i32
        %dma_start3A_386 = tpu.memref_slice %arg6[%multiple_of3A_367, %dma_start3A_385] : memref<256x128xf32, #tpu.memory_space<vmem>> -> memref<128x128xf32, #tpu.memory_space<vmem>>
        %dma_start3A_387 = arith.constant 0 : i32
        %dma_start3A_388 = tpu.memref_slice %arg5[%and3A_369, %run_scoped3A, %dma_start3A_387] : memref<8x2x128xi32, #tpu.memory_space<vmem>> -> memref<1x1x128xi32, #tpu.memory_space<vmem>>
        %dma_start3A_389 = tpu.memref_squeeze %dma_start3A_388 : memref<1x1x128xi32, #tpu.memory_space<vmem>> -> memref<128xi32, #tpu.memory_space<vmem>>
        %dma_start3A_390 = arith.constant 0 : i32
        %dma_start3A_391 = arith.constant 0 : i32
        %dma_start3A_392 = tpu.memref_slice %arg7[%dma_start3A_390, %dma_start3A_391] : memref<10240x128xf32, #tpu.memory_space<vmem_shared>> -> memref<10240x128xf32, #tpu.memory_space<vmem_shared>>
        tpu.enqueue_indirect_dma source(%dma_start3A_386 : memref<128x128xf32, #tpu.memory_space<vmem>>) target(%dma_start3A_392 : memref<10240x128xf32, #tpu.memory_space<vmem_shared>>) offsets(%dma_start3A_389 : memref<128xi32, #tpu.memory_space<vmem>>) semaphore(%run_scoped3A_384 : memref<!tpu.dma_semaphore, #tpu.memory_space<semaphore_mem>>) {add = true}
        %dma_wait3A_393 = arith.constant 0 : i32
        %dma_wait3A_394 = tpu.memref_slice %arg6[%multiple_of3A_367, %dma_wait3A_393] : memref<256x128xf32, #tpu.memory_space<vmem>> -> memref<128x128xf32, #tpu.memory_space<vmem>>
        %dma_wait3A_395 = arith.constant 0 : i32
        %dma_wait3A_396 = tpu.memref_slice %arg5[%and3A_369, %run_scoped3A, %dma_wait3A_395] : memref<8x2x128xi32, #tpu.memory_space<vmem>> -> memref<1x1x128xi32, #tpu.memory_space<vmem>>
        %dma_wait3A_397 = tpu.memref_squeeze %dma_wait3A_396 : memref<1x1x128xi32, #tpu.memory_space<vmem>> -> memref<128xi32, #tpu.memory_space<vmem>>
        %dma_wait3A_398 = arith.constant 0 : i32
        %dma_wait3A_399 = arith.constant 0 : i32
        %dma_wait3A_400 = tpu.memref_slice %arg7[%dma_wait3A_398, %dma_wait3A_399] : memref<10240x128xf32, #tpu.memory_space<vmem_shared>> -> memref<10240x128xf32, #tpu.memory_space<vmem_shared>>
        tpu.wait_indirect_dma semaphore(%run_scoped3A_384 : memref<!tpu.dma_semaphore, #tpu.memory_space<semaphore_mem>>) src(%dma_wait3A_394 : memref<128x128xf32, #tpu.memory_space<vmem>>) dst(%dma_wait3A_400 : memref<10240x128xf32, #tpu.memory_space<vmem_shared>>)
        tpu.yield
      }) : () -> ()
      %add3A_370 = arith.constant 2 : i32
      %add3A_371 = arith.addi %scan3A_339, %add3A_370 : i32
      %lt3A_372 = arith.constant 79 : i32
      %lt3A_373 = arith.cmpi slt, %add3A_371, %lt3A_372 : i32
      %convert_element_type3A_374 = arith.extui %lt3A_373 : i1 to i32
      %cond3A_375 = arith.constant 0 : i32
      %cond3A_376 = arith.cmpi ne, %convert_element_type3A_374, %cond3A_375 : i32
      scf.if %cond3A_376 {
        %add3A_384 = arith.constant 2 : i32
        %add3A_385 = arith.addi %scan3A_339, %add3A_384 : i32
        %and3A_386 = arith.constant 7 : i32
        %and3A_387 = arith.andi %add3A_385, %and3A_386 : i32
        %and3A_388 = arith.constant 1 : i32
        %and3A_389 = arith.andi %add3A_385, %and3A_388 : i32
        %mul3A_390 = arith.constant 128 : i32
        %mul3A_391 = arith.muli %and3A_389, %mul3A_390 : i32
        %multiple_of3A_392 = tpu.assume_multiple %mul3A_391, 128 : i32
        %dma_start3A_393 = arith.constant 0 : i32
        %dma_start3A_394 = arith.constant 0 : i32
        %dma_start3A_395 = tpu.memref_slice %arg6[%multiple_of3A_392, %dma_start3A_394] : memref<256x128xf32, #tpu.memory_space<vmem>> -> memref<128x128xf32, #tpu.memory_space<vmem>>
        %dma_start3A_396 = arith.constant 0 : i32
        %dma_start3A_397 = tpu.memref_slice %arg5[%and3A_387, %dma_start3A_393, %dma_start3A_396] : memref<8x2x128xi32, #tpu.memory_space<vmem>> -> memref<1x1x128xi32, #tpu.memory_space<vmem>>
        %dma_start3A_398 = tpu.memref_squeeze %dma_start3A_397 : memref<1x1x128xi32, #tpu.memory_space<vmem>> -> memref<128xi32, #tpu.memory_space<vmem>>
        %dma_start3A_399 = arith.constant 0 : i32
        %dma_start3A_400 = arith.constant 0 : i32
        %dma_start3A_401 = tpu.memref_slice %arg3[%dma_start3A_399, %dma_start3A_400] : memref<10000x128xf32, #tpu.memory_space<hbm>> -> memref<10000x128xf32, #tpu.memory_space<hbm>>
        tpu.enqueue_indirect_dma source(%dma_start3A_401 : memref<10000x128xf32, #tpu.memory_space<hbm>>) target(%dma_start3A_395 : memref<128x128xf32, #tpu.memory_space<vmem>>) offsets(%dma_start3A_398 : memref<128xi32, #tpu.memory_space<vmem>>) semaphore(%arg9 : memref<!tpu.dma_semaphore, #tpu.memory_space<semaphore_mem>>)
      } else {
      }
      %add3A_377 = arith.constant 6 : i32
      %add3A_378 = arith.addi %scan3A_339, %add3A_377 : i32
      %lt3A_379 = arith.constant 79 : i32
      %lt3A_380 = arith.cmpi slt, %add3A_378, %lt3A_379 : i32
      %convert_element_type3A_381 = arith.extui %lt3A_380 : i1 to i32
      %cond3A_382 = arith.constant 0 : i32
      %cond3A_383 = arith.cmpi ne, %convert_element_type3A_381, %cond3A_382 : i32
      scf.if %cond3A_383 {
        %add3A_384 = arith.constant 6 : i32
        %add3A_385 = arith.addi %scan3A_339, %add3A_384 : i32
        %and3A_386 = arith.constant 7 : i32
        %and3A_387 = arith.andi %add3A_385, %and3A_386 : i32
        %add3A_388 = arith.addi %add3A_4, %add3A_385 : i32
        %min3A_389 = arith.constant 2499 : i32
        %min3A_390 = arith.minsi %add3A_388, %min3A_389 : i32
        %mul3A_391 = arith.constant 128 : i32
        %mul3A_392 = arith.muli %min3A_390, %mul3A_391 : i32
        %multiple_of3A_393 = tpu.assume_multiple %mul3A_392, 128 : i32
        %dma_start3A_394 = arith.constant 0 : i32
        %dma_start3A_395 = arith.constant 0 : i32
        %dma_start3A_396 = tpu.memref_slice %arg5[%and3A_387, %dma_start3A_394, %dma_start3A_395] : memref<8x2x128xi32, #tpu.memory_space<vmem>> -> memref<1x2x128xi32, #tpu.memory_space<vmem>>
        %dma_start3A_397 = tpu.memref_squeeze %dma_start3A_396 : memref<1x2x128xi32, #tpu.memory_space<vmem>> -> memref<2x128xi32, #tpu.memory_space<vmem>>
        %dma_start3A_398 = arith.constant 0 : i32
        %dma_start3A_399 = tpu.memref_slice %arg2[%dma_start3A_398, %multiple_of3A_393] : memref<2x320000xi32, #tpu.memory_space<hbm>> -> memref<2x128xi32, #tpu.memory_space<hbm>>
        %dma_start3A_400 = arith.constant 0 : i32
        %dma_start3A_401 = arith.constant 0 : i32
        %dma_start3A_402 = tpu.memref_slice %arg5[%and3A_387, %dma_start3A_400, %dma_start3A_401] : memref<8x2x128xi32, #tpu.memory_space<vmem>> -> memref<1x2x128xi32, #tpu.memory_space<vmem>>
        %dma_start3A_403 = tpu.memref_squeeze %dma_start3A_402 : memref<1x2x128xi32, #tpu.memory_space<vmem>> -> memref<2x128xi32, #tpu.memory_space<vmem>>
        %dma_start3A_404 = arith.constant 0 : i32
        %dma_start3A_405 = tpu.memref_slice %arg2[%dma_start3A_404, %multiple_of3A_393] : memref<2x320000xi32, #tpu.memory_space<hbm>> -> memref<2x128xi32, #tpu.memory_space<hbm>>
        tpu.enqueue_dma source(%dma_start3A_405 : memref<2x128xi32, #tpu.memory_space<hbm>>) target(%dma_start3A_403 : memref<2x128xi32, #tpu.memory_space<vmem>>) target_semaphore(%arg8 : memref<!tpu.dma_semaphore, #tpu.memory_space<semaphore_mem>>)
      } else {
      }
    }
    %scan3A_333 = arith.constant 79 : i32
    %barrier3A_334 = arith.constant 0 : index
    tpu.barrier barrier_id(%barrier3A_334)
    %mul3A_335 = arith.constant 640 : i32
    %mul3A_336 = arith.muli %arg1, %mul3A_335 : i32
    %mul3A_337 = arith.constant 640 : i32
    %mul3A_338 = arith.muli %arg1, %mul3A_337 : i32
    "tpu.region"() ({
      %run_scoped3A = tpu.sem_alloc : memref<!tpu.dma_semaphore, #tpu.memory_space<semaphore_mem>>
      %dma_start3A_339 = arith.constant 0 : i32
      %dma_start3A_340 = tpu.memref_slice %arg4[%arg0, %mul3A_338, %dma_start3A_339] : memref<2x10240x128xf32, #tpu.memory_space<hbm>> -> memref<1x640x128xf32, #tpu.memory_space<hbm>>
      %dma_start3A_341 = tpu.memref_squeeze %dma_start3A_340 : memref<1x640x128xf32, #tpu.memory_space<hbm>> -> memref<640x128xf32, #tpu.memory_space<hbm>>
      %dma_start3A_342 = arith.constant 0 : i32
      %dma_start3A_343 = tpu.memref_slice %arg7[%mul3A_336, %dma_start3A_342] : memref<10240x128xf32, #tpu.memory_space<vmem_shared>> -> memref<640x128xf32, #tpu.memory_space<vmem_shared>>
      tpu.enqueue_dma source(%dma_start3A_343 : memref<640x128xf32, #tpu.memory_space<vmem_shared>>) target(%dma_start3A_341 : memref<640x128xf32, #tpu.memory_space<hbm>>) target_semaphore(%run_scoped3A : memref<!tpu.dma_semaphore, #tpu.memory_space<semaphore_mem>>)
      %dma_wait3A_344 = arith.constant 0 : i32
      %dma_wait3A_345 = tpu.memref_slice %arg4[%arg0, %mul3A_338, %dma_wait3A_344] : memref<2x10240x128xf32, #tpu.memory_space<hbm>> -> memref<1x640x128xf32, #tpu.memory_space<hbm>>
      %dma_wait3A_346 = tpu.memref_squeeze %dma_wait3A_345 : memref<1x640x128xf32, #tpu.memory_space<hbm>> -> memref<640x128xf32, #tpu.memory_space<hbm>>
      %dma_wait3A_347 = arith.constant 0 : i32
      %dma_wait3A_348 = tpu.memref_slice %arg7[%mul3A_336, %dma_wait3A_347] : memref<10240x128xf32, #tpu.memory_space<vmem_shared>> -> memref<640x128xf32, #tpu.memory_space<vmem_shared>>
      tpu.wait_dma2 semaphore(%run_scoped3A : memref<!tpu.dma_semaphore, #tpu.memory_space<semaphore_mem>>) src(%dma_wait3A_348 : memref<640x128xf32, #tpu.memory_space<vmem_shared>>) dst(%dma_wait3A_346 : memref<640x128xf32, #tpu.memory_space<hbm>>)
      tpu.yield
    }) : () -> ()
    return
  }
}

module attributes {stable_mosaic.version = 14 : i64} {
  func.func @_tc3_body(%arg0: memref<2x10240x128xf32, #tpu.memory_space<vmem>>, %arg1: memref<10000x128xf32, #tpu.memory_space<vmem>>, %arg2: memref<10000x1xf32, #tpu.memory_space<vmem>>, %arg3: memref<1x128xf32, #tpu.memory_space<vmem>>, %arg4: memref<10000x128xf32, #tpu.memory_space<vmem>>) attributes {dimension_semantics = [], scalar_prefetch = 0 : i64, scratch_operands = 0 : i64, tpu.core_type = #tpu.core_type<tc>} {
    %get3A = arith.constant 0 : index
    %get3A_0 = arith.constant 0 : index
    %get3A_1 = arith.constant 0 : index
    %get3A_2 = vector.load %arg0[%get3A, %get3A_0, %get3A_1] : memref<2x10240x128xf32, #tpu.memory_space<vmem>>, vector<1x10240x128xf32>
    %get3A_3 = vector.shape_cast %get3A_2 : vector<1x10240x128xf32> to vector<10240x128xf32>
    %get3A_4 = arith.constant 1 : index
    %get3A_5 = arith.constant 0 : index
    %get3A_6 = arith.constant 0 : index
    %get3A_7 = vector.load %arg0[%get3A_4, %get3A_5, %get3A_6] : memref<2x10240x128xf32, #tpu.memory_space<vmem>>, vector<1x10240x128xf32>
    %get3A_8 = vector.shape_cast %get3A_7 : vector<1x10240x128xf32> to vector<10240x128xf32>
    %add3A = arith.addf %get3A_3, %get3A_8 : vector<10240x128xf32>
    %slice3A = vector.extract_strided_slice %add3A {offsets = [0, 0], sizes = [10000, 128], strides = [1, 1]} : vector<10240x128xf32> to vector<10000x128xf32>
    %get3A_9 = arith.constant 0 : index
    %get3A_10 = arith.constant 0 : index
    %get3A_11 = vector.load %arg1[%get3A_9, %get3A_10] : memref<10000x128xf32, #tpu.memory_space<vmem>>, vector<10000x128xf32>
    %add3A_12 = arith.addf %slice3A, %get3A_11 : vector<10000x128xf32>
    %get3A_13 = arith.constant 0 : index
    %get3A_14 = arith.constant 0 : index
    %get3A_15 = vector.load %arg2[%get3A_13, %get3A_14] : memref<10000x1xf32, #tpu.memory_space<vmem>>, vector<10000x1xf32>
    %mul3A = vector.broadcast %get3A_15 : vector<10000x1xf32> to vector<10000x128xf32>
    %mul3A_16 = arith.mulf %add3A_12, %mul3A : vector<10000x128xf32>
    %get3A_17 = arith.constant 0 : index
    %get3A_18 = arith.constant 0 : index
    %get3A_19 = vector.load %arg3[%get3A_17, %get3A_18] : memref<1x128xf32, #tpu.memory_space<vmem>>, vector<1x128xf32>
    %add3A_20 = vector.broadcast %get3A_19 : vector<1x128xf32> to vector<10000x128xf32>
    %add3A_21 = arith.addf %mul3A_16, %add3A_20 : vector<10000x128xf32>
    %swap3A = arith.constant 0 : index
    %swap3A_22 = arith.constant 0 : index
    %swap3A_23 = vector.load %arg4[%swap3A, %swap3A_22] : memref<10000x128xf32, #tpu.memory_space<vmem>>, vector<10000x128xf32>
    tpu.vector_store %arg4[%swap3A, %swap3A_22], %add3A_21 {strides = array<i32>} : memref<10000x128xf32, #tpu.memory_space<vmem>>, vector<10000x128xf32>,
    return
  }
}

module attributes {stable_mosaic.version = 14 : i64} {
  func.func @_tc2_body(%arg0: memref<2x10240x128xf32, #tpu.memory_space<vmem>>, %arg1: memref<10000x128xf32, #tpu.memory_space<vmem>>, %arg2: memref<10000x1xf32, #tpu.memory_space<vmem>>, %arg3: memref<1x128xf32, #tpu.memory_space<vmem>>, %arg4: memref<128x128xf32, #tpu.memory_space<vmem>>, %arg5: memref<10000x128xf32, #tpu.memory_space<vmem>>) attributes {dimension_semantics = [], scalar_prefetch = 0 : i64, scratch_operands = 0 : i64, tpu.core_type = #tpu.core_type<tc>} {
    %get3A = arith.constant 0 : index
    %get3A_0 = arith.constant 0 : index
    %get3A_1 = vector.load %arg2[%get3A, %get3A_0] : memref<10000x1xf32, #tpu.memory_space<vmem>>, vector<10000x1xf32>
    %get3A_2 = arith.constant 0 : index
    %get3A_3 = arith.constant 0 : index
    %get3A_4 = arith.constant 0 : index
    %get3A_5 = vector.load %arg0[%get3A_2, %get3A_3, %get3A_4] : memref<2x10240x128xf32, #tpu.memory_space<vmem>>, vector<1x10240x128xf32>
    %get3A_6 = vector.shape_cast %get3A_5 : vector<1x10240x128xf32> to vector<10240x128xf32>
    %get3A_7 = arith.constant 1 : index
    %get3A_8 = arith.constant 0 : index
    %get3A_9 = arith.constant 0 : index
    %get3A_10 = vector.load %arg0[%get3A_7, %get3A_8, %get3A_9] : memref<2x10240x128xf32, #tpu.memory_space<vmem>>, vector<1x10240x128xf32>
    %get3A_11 = vector.shape_cast %get3A_10 : vector<1x10240x128xf32> to vector<10240x128xf32>
    %add3A = arith.addf %get3A_6, %get3A_11 : vector<10240x128xf32>
    %slice3A = vector.extract_strided_slice %add3A {offsets = [0, 0], sizes = [10000, 128], strides = [1, 1]} : vector<10240x128xf32> to vector<10000x128xf32>
    %get3A_12 = arith.constant 0 : index
    %get3A_13 = arith.constant 0 : index
    %get3A_14 = vector.load %arg1[%get3A_12, %get3A_13] : memref<10000x128xf32, #tpu.memory_space<vmem>>, vector<10000x128xf32>
    %add3A_15 = arith.addf %slice3A, %get3A_14 : vector<10000x128xf32>
    %mul3A = vector.broadcast %get3A_1 : vector<10000x1xf32> to vector<10000x128xf32>
    %mul3A_16 = arith.mulf %add3A_15, %mul3A : vector<10000x128xf32>
    %get3A_17 = arith.constant 0 : index
    %get3A_18 = arith.constant 0 : index
    %get3A_19 = vector.load %arg3[%get3A_17, %get3A_18] : memref<1x128xf32, #tpu.memory_space<vmem>>, vector<1x128xf32>
    %add3A_20 = vector.broadcast %get3A_19 : vector<1x128xf32> to vector<10000x128xf32>
    %add3A_21 = arith.addf %mul3A_16, %add3A_20 : vector<10000x128xf32>
    %max3A = arith.constant 0.000000e+00 : f32
    %max3A_22 = vector.broadcast %max3A : f32 to vector<10000x128xf32>
    %max3A_23 = arith.maximumf %add3A_21, %max3A_22 : vector<10000x128xf32>
    %get3A_24 = arith.constant 0 : index
    %get3A_25 = arith.constant 0 : index
    %get3A_26 = vector.load %arg4[%get3A_24, %get3A_25] : memref<128x128xf32, #tpu.memory_space<vmem>>, vector<128x128xf32>
    %dot_general3A = arith.constant dense<0.000000e+00> : vector<10000x128xf32>
    %dot_general3A_27 = tpu.matmul %max3A_23, %get3A_26, %dot_general3A {dimension_numbers = #tpu.dot_dimension_numbers<[1], [0], [0], [1], [0, 0, 1, 1], [], []>, transpose_lhs_hint = false} : vector<10000x128xf32>, vector<128x128xf32>, vector<10000x128xf32> -> vector<10000x128xf32>
    %mul3A_28 = vector.broadcast %get3A_1 : vector<10000x1xf32> to vector<10000x128xf32>
    %mul3A_29 = arith.mulf %dot_general3A_27, %mul3A_28 : vector<10000x128xf32>
    %swap3A = arith.constant 0 : index
    %swap3A_30 = arith.constant 0 : index
    %swap3A_31 = vector.load %arg5[%swap3A, %swap3A_30] : memref<10000x128xf32, #tpu.memory_space<vmem>>, vector<10000x128xf32>
    tpu.vector_store %arg5[%swap3A, %swap3A_30], %mul3A_29 {strides = array<i32>} : memref<10000x128xf32, #tpu.memory_space<vmem>>, vector<10000x128xf32>,
    return
  }
}

module attributes {stable_mosaic.version = 14 : i64} {
  func.func @_tc1_body(%arg0: memref<32x10000xf32, #tpu.memory_space<vmem>>, %arg1: memref<10000x128xf32, #tpu.memory_space<vmem>>, %arg2: memref<128x128xf32, #tpu.memory_space<vmem>>, %arg3: memref<10000x1xf32, #tpu.memory_space<vmem>>, %arg4: memref<10000x128xf32, #tpu.memory_space<vmem>>) attributes {dimension_semantics = [], scalar_prefetch = 0 : i64, scratch_operands = 0 : i64, tpu.core_type = #tpu.core_type<tc>} {
    %get3A = arith.constant 0 : index
    %get3A_0 = arith.constant 0 : index
    %get3A_1 = vector.load %arg0[%get3A, %get3A_0] : memref<32x10000xf32, #tpu.memory_space<vmem>>, vector<32x10000xf32>
    %reduce_sum3A = arith.constant dense<0.000000e+00> : vector<10000xf32>
    %reduce_sum3A_2 = vector.multi_reduction <add>, %get3A_1, %reduce_sum3A [0] : vector<32x10000xf32> to vector<10000xf32>
    %broadcast_in_dim3A = vector.shape_cast %reduce_sum3A_2 : vector<10000xf32> to vector<10000x1xf32>
    %add3A = arith.constant 1.000000e+00 : f32
    %add3A_3 = vector.broadcast %add3A : f32 to vector<10000x1xf32>
    %add3A_4 = arith.addf %broadcast_in_dim3A, %add3A_3 : vector<10000x1xf32>
    %rsqrt3A = math.rsqrt %add3A_4 : vector<10000x1xf32>
    %swap3A = arith.constant 0 : index
    %swap3A_5 = arith.constant 0 : index
    %swap3A_6 = vector.load %arg3[%swap3A, %swap3A_5] : memref<10000x1xf32, #tpu.memory_space<vmem>>, vector<10000x1xf32>
    tpu.vector_store %arg3[%swap3A, %swap3A_5], %rsqrt3A {strides = array<i32>} : memref<10000x1xf32, #tpu.memory_space<vmem>>, vector<10000x1xf32>,
    %get3A_7 = arith.constant 0 : index
    %get3A_8 = arith.constant 0 : index
    %get3A_9 = vector.load %arg1[%get3A_7, %get3A_8] : memref<10000x128xf32, #tpu.memory_space<vmem>>, vector<10000x128xf32>
    %get3A_10 = arith.constant 0 : index
    %get3A_11 = arith.constant 0 : index
    %get3A_12 = vector.load %arg2[%get3A_10, %get3A_11] : memref<128x128xf32, #tpu.memory_space<vmem>>, vector<128x128xf32>
    %dot_general3A = arith.constant dense<0.000000e+00> : vector<10000x128xf32>
    %dot_general3A_13 = tpu.matmul %get3A_9, %get3A_12, %dot_general3A {dimension_numbers = #tpu.dot_dimension_numbers<[1], [0], [0], [1], [0, 0, 1, 1], [], []>, transpose_lhs_hint = false} : vector<10000x128xf32>, vector<128x128xf32>, vector<10000x128xf32> -> vector<10000x128xf32>
    %mul3A = vector.broadcast %rsqrt3A : vector<10000x1xf32> to vector<10000x128xf32>
    %mul3A_14 = arith.mulf %dot_general3A_13, %mul3A : vector<10000x128xf32>
    %swap3A_15 = arith.constant 0 : index
    %swap3A_16 = arith.constant 0 : index
    %swap3A_17 = vector.load %arg4[%swap3A_15, %swap3A_16] : memref<10000x128xf32, #tpu.memory_space<vmem>>, vector<10000x128xf32>
    tpu.vector_store %arg4[%swap3A_15, %swap3A_16], %mul3A_14 {strides = array<i32>} : memref<10000x128xf32, #tpu.memory_space<vmem>>, vector<10000x128xf32>,
    return
  }
}

</mosaic_0001>

<sc_bundles>
// kernel: kernel.11.cloned.1.call-start
scs
__scs_entry_jumppad:
0x0: {  	(pc) =	sbr.rel $0x88, $3  }
0x1: {  	(tag) =	ssettag $0x0;
	lr =	simm.s32 $0x1  }
0x2: {  	[smem:$0x3F9B] =	sst lr;
	_ =	strace $0xD0000000  }
0x3: {  	_ = 	snop  }
0x4: {  	_ = 	snop  }
0x5: {  	_ = 	snop  }
0x6: {  	_ = 	snop  }
0x7: {  	_ = 	snop  }
__scs_overlays_trampoline_lowered:
0x8: {  	[smem:$0x3FAA] =	sst s0  }
0x9: {  	[smem:$0x3FAB] =	sst s1  }
0xa: {  	[smem:$0x3FAC] =	sst s2  }
0xb: {  	[smem:$0x3FAD] =	sst s3  }
0xc: {  	[smem:$0x3FAE] =	sst s4  }
0xd: {  	[smem:$0x3FAF] =	sst s5  }
0xe: {  	[smem:$0x3FB0] =	sst s6  }
0xf: {  	[smem:$0x3FB1] =	sst s7  }
0x10: {  	[smem:$0x3FB2] =	sst s8  }
0x11: {  	[smem:$0x3FB3] =	sst s9;
	s0 =	simm.s32 @!p0 $0x0  }
0x12: {  	s1 =	sld [smem:$0x3F99];
	s0 =	simm.s32 @p0 $0x1  }
0x13: {  	[smem:$0x3FB4] =	sst s0;
	s0 =	simm.s32 @!p1 $0x0  }
0x14: {  	s2 =	sld [smem:$0x3F98];
	s0 =	simm.s32 @p1 $0x1  }
0x15: {  	[smem:$0x3FB5] =	sst s0;
	s0 =	simm.s32 @!p2 $0x0  }
0x16: {  	s3 =	sld [smem:$0x3FDB];
	s0 =	simm.s32 @p2 $0x1  }
0x17: {  	s4 =	simm.s32 $0x1BF5;
	[smem:$0x3FB7] =	sst s0  }
0x18: {  	s0 =	sld [smem:$0x3F9A];
	_ =	swait.ge [sflag:s4], $0x0  }
0x19: {  	s7 =	sld [smem:$0x3F9B]  }
0x1a: {  	s8 =	sadd.s32 $0xFFFFE003, lr  }
0x1b: {  	s9 =	sadd.s32 $0xFFFFFEF7, lr;
	s5 =	simm.s32 $0xFFFFFFFF;
	p2 =	slt.u32 s8, $0xFFFFF086  }
0x1c: {  	p1 =	slt.u32 s9, $0xF7A;
	s5 =	simm.s32 @!p2 $0x0  }
0x1d: {  	s5 =	simm.s32 @p1 $0x1;
	p0 =	seq.s32 s7, s2  }
0x1e: {  	s7 =	smul.u32 @!p0 $0xF7A, s2;
	p2 =	seq.s32 @!p0 s5, $0x0  }
0x1f: {  	s9 =	smul.u32 $0xF7A, s1;
	s8 =	simm.s32 @!p0 $0x1BF5;
	p2 =	por !p2, p0  }
0x20: {  	[sflag:s8] =	ssyncset.s32 @!p0 $0xFFFFF086;
	s6 =	sadd.s32 @!p0 s3, s7;
	s7 =	simm.s32 @!p0 $0x108  }
0x21: {  	s3 =	sadd.s32 s3, s9;
	s6 =	sadd.s32 @!p0 $0x88, s6;
	s7 =	simm.s32 @p2 $0x1082  }
0x22: {  	[simem:s7], [sflag:s8] =	dma.local @!p0 [hbm:s6], $0xF7A  }
0x23: {  	s9 =	sor.u32 $0xD0000000, s2;
	s6 =	simm.s32 $0x108;
	_ =	swait.ge @!p0 [sflag:s8], $0x0  }
0x24: {  	s3 =	sadd.s32 $0x88, s3;
	s6 =	simm.s32 @!p1 $0x1082;
	[sflag:s4] =	ssyncset.s32 $0xFFFFF086  }
0x25: {  	[simem:s6], [sflag:s4] =	dma.local [hbm:s3], $0xF7A  }
0x26: {  	[smem:$0x3F9B] =	sst s1;
	(tag) =	ssettag s2;
	_ =	strace s9  }
0x27: {  	s1 =	sld [smem:$0x3FAB]  }
0x28: {  	s2 =	sld [smem:$0x3FAC]  }
0x29: {  	s4 =	sld [smem:$0x3FAE]  }
0x2a: {  	p0 =	seq.s32 s5, $0x0;
	s5 =	sld [smem:$0x3FAF]  }
0x2b: {  	s6 =	sld [smem:$0x3FB0]  }
0x2c: {  	s7 =	sld [smem:$0x3FB1]  }
0x2d: {  	s3 =	simm.s32 $0x108;
	s8 =	sld [smem:$0x3FB2]  }
0x2e: {  	s3 =	simm.s32 @!p0 $0x1082;
	s9 =	sld [smem:$0x3FB3]  }
0x2f: {  	lr =	sadd.s32 s0, s3;
	s0 =	sld [smem:$0x3FAA]  }
0x30: {  	s3 =	sld [smem:$0x3FAD]  }
0x31: {  	[smem:$0x3FB6] =	sst s10  }
0x32: {  	s10 =	sld [smem:$0x3FB4];
	_ =	sdelay $0x3  }
0x33: {  	p0 =	seq.s32 s10, $0x1;
	s10 =	sld [smem:$0x3FB6];
	_ =	sdelay $0x3  }
0x34: {  	[smem:$0x3FB6] =	sst s10  }
0x35: {  	s10 =	sld [smem:$0x3FB5];
	_ =	sdelay $0x3  }
0x36: {  	p1 =	seq.s32 s10, $0x1;
	s10 =	sld [smem:$0x3FB6];
	_ =	sdelay $0x3  }
0x37: {  	[smem:$0x3FB6] =	sst s10  }
0x38: {  	s10 =	sld [smem:$0x3FB7]  }
0x39: {  	_ = 	snop;
	(pc) =	sbr.ind lr, $3  }
0x3a: {  	_ = 	snop  }
0x3b: {  	_ = 	snop  }
0x3c: {  	p2 =	seq.s32 s10, $0x1;
	s10 =	sld [smem:$0x3FB6]  }
0x3d: {  	_ =	shalt  }
0x3e: {  	_ =	shalt  }
0x3f: {  	_ =	shalt  }
0x40: {  	_ =	shalt  }
0x41: {  	_ =	shalt  }
0x42: {  	_ =	shalt  }
0x43: {  	_ =	shalt  }
0x44: {  	_ =	shalt  }
0x45: {  	_ =	shalt  }
0x46: {  	_ =	shalt  }
0x47: {  	_ =	shalt  }
0x48: {  	_ =	shalt  }
0x49: {  	_ =	shalt  }
0x4a: {  	_ =	shalt  }
0x4b: {  	_ =	shalt  }
0x4c: {  	_ =	shalt  }
0x4d: {  	_ =	shalt  }
0x4e: {  	_ =	shalt  }
0x4f: {  	_ =	shalt  }
0x50: {  	_ =	shalt  }
0x51: {  	_ =	shalt  }
0x52: {  	_ =	shalt  }
0x53: {  	_ =	shalt  }
0x54: {  	_ =	shalt  }
0x55: {  	_ =	shalt  }
0x56: {  	_ =	shalt  }
0x57: {  	_ =	shalt  }
0x58: {  	_ =	shalt  }
0x59: {  	_ =	shalt  }
0x5a: {  	_ =	shalt  }
0x5b: {  	_ =	shalt  }
0x5c: {  	_ =	shalt  }
0x5d: {  	_ =	shalt  }
0x5e: {  	_ =	shalt  }
0x5f: {  	_ =	shalt  }
0x60: {  	_ =	shalt  }
0x61: {  	_ =	shalt  }
0x62: {  	_ =	shalt  }
0x63: {  	_ =	shalt  }
0x64: {  	_ =	shalt  }
0x65: {  	_ =	shalt  }
0x66: {  	_ =	shalt  }
0x67: {  	_ =	shalt  }
0x68: {  	_ =	shalt  }
0x69: {  	_ =	shalt  }
0x6a: {  	_ =	shalt  }
0x6b: {  	_ =	shalt  }
0x6c: {  	_ =	shalt  }
0x6d: {  	_ =	shalt  }
0x6e: {  	_ =	shalt  }
0x6f: {  	_ =	shalt  }
0x70: {  	_ =	shalt  }
0x71: {  	_ =	shalt  }
0x72: {  	_ =	shalt  }
0x73: {  	_ =	shalt  }
0x74: {  	_ =	shalt  }
0x75: {  	_ =	shalt  }
0x76: {  	_ =	shalt  }
0x77: {  	_ =	shalt  }
0x78: {  	_ =	shalt  }
0x79: {  	_ =	shalt  }
0x7a: {  	_ =	shalt  }
0x7b: {  	_ =	shalt  }
0x7c: {  	_ =	shalt  }
0x7d: {  	_ =	shalt  }
0x7e: {  	_ =	shalt  }
0x7f: {  	_ =	shalt  }
0x80: {  	_ =	shalt  }
0x81: {  	_ =	shalt  }
0x82: {  	_ =	shalt  }
0x83: {  	_ =	shalt  }
0x84: {  	_ =	shalt  }
0x85: {  	_ =	shalt  }
0x86: {  	_ =	shalt  }
0x87: {  	_ =	shalt  }
.Lfunc_end0:
.L_simem_size_0:
called_computation.1_lowered:
.L_overlay_start_0:
0x88: {  	s2 =	sld [smem:$0x3FD9]  }
0x89: {  	s3 =	sld [smem:$0x3FFE];
	_ =	sdelay $0x1  }
0x8a: {  	s1 =	srdreg.scid  }
0x8b: {  	s0 =	sand.u32 $0x1, s1  }
0x8c: {  	s17 =	sshll.u32 s0, $0xA;
	s2 =	sadd.s32 s3, s2  }
0x8d: {  	s2 =	sadd.s32 s2, s17  }
0x8e: {  	[smem:$0x3FC2] =	sst s2  }
0x8f: {  	_ = 	snop  }
0x90: {  	s2 =	sld [smem:$0x3FC8]  }
0x91: {  	s18 =	sld [smem:$0x3FD0];
	(tm) =	ssettm $0x1  }
0x92: {  	s4 =	sld [smem:$0x3FFB];
	_ =	sdelay $0x3  }
0x93: {  	_ =	strace s4  }
0x94: {  	s4 =	sld [smem:$0x3FFC];
	_ =	sdelay $0x3  }
0x95: {  	_ =	strace s4  }
0x96: {  	s4 =	sld [smem:$0x3FFD];
	_ =	sdelay $0x3  }
0x97: {  	_ =	strace s4  }
0x98: {  	_ =	strace $0x8FFFFFFF  }
0x99: {  	s19 =	sld [smem:$0x3FDB];
	_ =	sdelay $0x1  }
0x9a: {  	s5 =	simm.s32 $_scs_section_size  }
0x9b: {  	s6 =	simm.s32 $_size__tile_overlayer_lowered;
	s7 =	simm.s32 $_tile_overlayer_lowered  }
0x9c: {  	s22 =	simm.s32 $0x1BFF;
	s21 =	sshll.u32 s7, $0x1;
	s4 =	sadd.s32 s5, s19  }
0x9d: {  	s8 =	simm.s32 $0x0;
	s20 =	sshll.u32 s6, $0x1;
	s6 =	sadd.s32 s21, s4  }
0x9e: {  	[timem:s8], [sflag:s22] =	dma.local [hbm:s6], s20  }
0x9f: {  	_ =	swait.ge [sflag:s22], s20  }
0xa0: {  	s5 =	ssub.s32 $0x0, s20;
	[sflag:s22] =	ssyncset.done $0x0  }
0xa1: {  	[sflag:s22] =	ssyncadd.s32 s5;
	_ =	sdelay $0x1  }
0xa2: {  	s23 =	simm.s32 $0x1B8B  }
0xa3: {  	_ =	swait.ge [sflag:s23], $0x1  }
0xa4: {  	[sflag:s23] =	ssyncset.done $0x0  }
0xa5: {  	s25 =	simm.s32 $0x1B8E;
	s24 =	sld [smem:$0x3FFE];
	[sflag:s23] =	ssyncadd.s32 $0xFFFFFFFF  }
0xa6: {  	s26 =	simm.s32 $execute0_lowered;
	[smem:$0x3FD2] =	sst s25  }
0xa7: {  	s6 =	sshll.u32 s26, $0x1;
	_ =	strace $0x80000049;
	[dreg:$0x1] =	wrdreg $0xFFFFFFFF  }
0xa8: {  	s28 =	simm.s32 $_size_execute0_lowered;
	s4 =	sadd.s32 s4, s6;
	[dreg:$0x0] =	wrdreg $0x0  }
0xa9: {  	s6 =	sshll.u32 s28, $0x1;
	[dreg:$0x2] =	wrdreg s4  }
0xaa: {  	[dreg:$0x3] =	wrdreg s6  }
0xab: {  	[dreg:$0x4] =	wrdreg $0xC0  }
0xac: {  	_ =	task [dreg:s8], $0x5FFFF  }
0xad: {  	[dreg:$0x1] =	wrdreg $0xFFFFFFFF  }
0xae: {  	[dreg:$0x0] =	wrdreg $0x60  }
0xaf: {  	[dreg:$0x2] =	wrdreg s2  }
0xb0: {  	[dreg:$0x3] =	wrdreg s18  }
0xb1: {  	[dreg:$0x4] =	wrdreg s24  }
0xb2: {  	[dreg:$0x5] =	wrdreg $0x88000  }
0xb3: {  	[dreg:$0x6] =	wrdreg $0x9  }
0xb4: {  	_ =	task.clear_ibuf [dreg:s8], $0x7FFFF;
	_ =	strace $0x90000049  }
0xb5: {  	s29 =	simm.s32 $0x9;
	_ =	strace $0x8000004B  }
0xb6: {  	_ =	swait.ge [sflag:s29], $0x1  }
0xb7: {  	[sflag:s29] =	ssyncadd.s32 $0xFFFFFFFF  }
0xb8: {  	_ =	strace $0x9000004B  }
0xb9: {  	_ =	sfence  }
0xba: {  	s30 =	sld [smem:$0x0];
	_ =	sdelay $0x2  }
0xbb: {  	s31 =	sshll.u32 s1, $0xD;
	s1 =	sshrl.u32 s1, $0x2  }
0xbc: {  	s3 =	sand.u32 $0x4000, s31;
	s1 =	sadd.s32 s1, s30  }
0xbd: {  	s0 =	sor.u32 s3, s0;
	s1 =	sshll.u32 s1, $0x11  }
0xbe: {  	s0 =	sor.u32 s1, s0  }
0xbf: {  	s0 =	sadd.s32 $0x8F2B, s0  }
0xc0: {  	[sflag:s0] =	ssyncadd.remote.s32 $0x1  }
0xc1: {  	_ =	sfence.sel $0xFFFF  }
0xc2: {  	[dreg:$0x0] =	wrdreg $0xFFFFFFFF;
	(pc) =	sbr.abs _section_cstart, $3  }
0xc3: {  	[dreg:$0x1] =	wrdreg $0xFFFFFFFF  }
0xc4: {  	_ =	task.clear_ibuf [dreg:s8], $0x2FFFF;
	_ =	strace $0x9FFFFFFF  }
0xc5: {  	(tm) =	ssettm $0x7FFFFFFF  }
tec
execute0_lowered:
.L_overlay_start_1:
0x0: {  	(tag) =	ssettag $0x1  }
0x1: {  	s0 =	rddreg [dreg:$0x0]  }
0x2: {  	s2 =	rddreg [dreg:$0x1]  }
0x3: {  	s1 =	srdreg.scid;
	s13 =	stileid.u32  }
0x4: {  	s3 =	rddreg [dreg:$0x2];
	s7 =	smul.u32 $0x14000, s13  }
0x5: {  	s4 =	rddreg [dreg:$0x3];
	s28 =	simm.s32 $0x2;
	s24 =	smul.u32 $0x50000, s13  }
0x6: {  	s29 =	simm.s32 $0x80;
	s1 =	sand.u32 $0x1, s1;
	s26 =	smul.u32 $0x4E, s13  }
0x7: {  	s30 =	simm.s32 $0x4800;
	s31 =	simm.s32 $0x3;
	s6 =	smul.u32 $0x140000, s1  }
0x8: {  	s5 =	sshll.u32 s1, $0x4;
	s17 =	ssub.s32 $0x2, s1;
	s1 =	smul.u32 $0x4E0, s1  }
0x9: {  	s8 =	sor.u32 s13, s5;
	s5 =	simm.s32 $0x0;
	s18 =	sshrl.u32 s17, $0x1  }
0xa: {  	s12 =	sshrl.u32 s24, $0x2;
	s9 =	smul.u32 $0x4E, s8;
	[smem:$0x7FF] =	sst s5  }
0xb: {  	s15 =	smin.u32 s8, $0x4;
	s6 =	sadd.s32 s7, s6;
	s12 =	sadd.s32 s12, s4  }
0xc: {  	p0 =	slt.u32 s8, $0x4;
	_ =	strace $0x8000004A;
	s6 =	sshrl.u32 s6, $0x3  }
0xd: {  	s13 =	sadd.s32 $0x4000, s12;
	s14 =	sadd.s32 $0x8000, s12;
	s1 =	sor.u32 s1, s15  }
0xe: {  	s16 =	sadd.s32 s15, s9;
	s3 =	sadd.s32 s6, s3;
	s6 =	ssub.s32 s17, s18  }
0xf: {  	s15 =	sadd.s32 $0xC000, s12;
	s1 =	sadd.s32 s26, s1;
	s26 =	simm.s32 $0x1  }
0x10: {  	s7 =	sshll.u32 s16, $0x5;
	s16 =	sadd.s32 $0x10000, s12;
	s17 =	sadd.s32 $0x2400, s3  }
0x11: {  	s18 =	smax.u32 s6, $0x1;
	s10 =	sadd.s32 $0x20, s7;
	s20 =	sadd.s32 $0x40, s7  }
0x12: {  	s11 =	sadd.s32 s0, s7;
	s22 =	sadd.s32 $0x60, s7;
	s23 =	sadd.s32 $0x80, s7  }
0x13: {  	s7 =	sadd.s32 $0xA0, s7;
	s19 =	sand.u32 $0x1FFFFFE0, s10;
	[dreg:$0x5] =	wrdreg s11  }
0x14: {  	s21 =	sand.u32 $0x1FFFFFE0, s20;
	s10 =	sand.u32 $0x1FFFFFE0, s23;
	s9 =	sadd.s32 s0, s19  }
0x15: {  	s7 =	sand.u32 $0x1FFFFFE0, s7;
	s25 =	sadd.s32 s0, s10;
	[dreg:$0x6] =	wrdreg s9  }
0x16: {  	s20 =	simm.s32 $0x100;
	s9 =	sadd.s32 s0, s21;
	[dreg:$0x9] =	wrdreg s25  }
0x17: {  	s7 =	sadd.s32 s0, s7;
	[dreg:$0x7] =	wrdreg s9;
	s9 =	sand.u32 $0x1FFFFFE0, s22  }
0x18: {  	s19 =	sadd.s32 $0x6, s1;
	[dreg:$0xa] =	wrdreg s7;
	s9 =	sadd.s32 s0, s9  }
0x19: {  	v0 =	vimm.f32 $0.0e+00;
	s25 =	simm.s32 $0x800;
	s21 =	simm.s32 $0x0;
	[dreg:$0x8] =	wrdreg s9  }
.LBB2_1:
0x1a: {  	s1 =	rddreg [dreg:$0x5]  }
0x1b: {  	s7 =	rddreg [dreg:$0x6]  }
0x1c: {  	[tilespmem:s5], [sflag:$0x1] =	stream.linear.gather [hbm4b:s1+s5], $0x100, $0x38;
	[tilespmem:$0x1C800] =	vst v63  }
0x1d: {  	s8 =	rddreg [dreg:$0x7]  }
0x1e: {  	[tilespmem:s20], [sflag:$0x1] =	stream.linear.gather [hbm4b:s7+s5], $0x100, $0x38;
	[tilespmem:$0x1C800] =	vst v63  }
0x1f: {  	s3 =	simm.s32 $0x200;
	s9 =	rddreg [dreg:$0x8]  }
0x20: {  	[tilespmem:s3], [sflag:$0x1] =	stream.linear.gather [hbm4b:s8+s5], $0x100, $0x38;
	[tilespmem:$0x1C800] =	vst v63  }
0x21: {  	s10 =	simm.s32 $0x300;
	s11 =	rddreg [dreg:$0x9]  }
0x22: {  	[tilespmem:s10], [sflag:$0x1] =	stream.linear.gather [hbm4b:s9+s5], $0x100, $0x38;
	[tilespmem:$0x1C800] =	vst v63  }
0x23: {  	s22 =	simm.s32 $0x400;
	s23 =	rddreg [dreg:$0xa]  }
0x24: {  	[tilespmem:s22], [sflag:$0x1] =	stream.linear.gather [hbm4b:s11+s5], $0x100, $0x38;
	[tilespmem:$0x1C800] =	vst v63  }
0x25: {  	s24 =	simm.s32 $0x500;
	s1 =	simm.s32 $0x0;
	s3 =	simm.s32 $0x200  }
0x26: {  	[tilespmem:s24], [sflag:$0x1] =	stream.linear.gather [hbm4b:s23+s5], $0x100, $0x38;
	[tilespmem:$0x1C800] =	vst v63  }
.LBB2_2:
0x27: {  	p1 =	sne.s32 s3, $0xFE00;
	[tilespmem:s1+$0x870] =	vst v0  }
0x28: {  	[tilespmem:s1+$0x800] =	vst v0  }
0x29: {  	[tilespmem:s1+$0x810] =	vst v0  }
.Ltmp0:
0x2a: {  	[tilespmem:s1+$0x820] =	vst v0;
	(pc) =	sbr.rel @p1 .LBB2_2-.Ltmp0, $4  }
0x2b: {  	[tilespmem:s1+$0x830] =	vst v0  }
0x2c: {  	[tilespmem:s1+$0x840] =	vst v0  }
0x2d: {  	[tilespmem:s1+$0x850] =	vst v0  }
0x2e: {  	[tilespmem:s1+$0x860] =	vst v0;
	s1 =	sshra.s32 s3, $0x2;
	s3 =	sadd.s32 $0x200, s3  }
0x2f: {  	[tilespmem:s1+$0x870] =	vst v0  }
0x30: {  	[tilespmem:s1+$0x800] =	vst v0  }
0x31: {  	[tilespmem:s1+$0x810] =	vst v0  }
0x32: {  	[tilespmem:s1+$0x820] =	vst v0  }
0x33: {  	[tilespmem:s1+$0x830] =	vst v0  }
0x34: {  	[tilespmem:s1+$0x840] =	vst v0  }
0x35: {  	[tilespmem:s1+$0x850] =	vst v0  }
0x36: {  	[tilespmem:s1+$0x860] =	vst v0  }
0x37: {  	[spmem:s12] =	stream.linear.scatter [tilespmem:s25], [sflag:$0x2], $0x4000, $0x38;
	[tilespmem:$0x1C800] =	vst v63  }
0x38: {  	_ = 	snop  }
0x39: {  	[spmem:s13] =	stream.linear.scatter [tilespmem:s25], [sflag:$0x2], $0x4000, $0x38;
	[tilespmem:$0x1C800] =	vst v63  }
0x3a: {  	_ = 	snop  }
0x3b: {  	[spmem:s14] =	stream.linear.scatter [tilespmem:s25], [sflag:$0x2], $0x4000, $0x38;
	[tilespmem:$0x1C800] =	vst v63  }
0x3c: {  	_ = 	snop  }
0x3d: {  	[spmem:s15] =	stream.linear.scatter [tilespmem:s25], [sflag:$0x2], $0x4000, $0x38;
	[tilespmem:$0x1C800] =	vst v63  }
0x3e: {  	_ = 	snop  }
0x3f: {  	[spmem:s16] =	stream.linear.scatter [tilespmem:s25], [sflag:$0x2], $0x4000, $0x38;
	[tilespmem:$0x1C800] =	vst v63  }
0x40: {  	_ =	swait.ge [sflag:s26], $0x100  }
0x41: {  	[sflag:s26] =	ssyncset.done $0x0  }
0x42: {  	[sflag:s26] =	ssyncadd.s32 $0xFFFFFF00  }
0x43: {  	_ =	swait.ge [sflag:s26], $0x100  }
0x44: {  	[sflag:s26] =	ssyncset.done $0x0  }
0x45: {  	[sflag:s26] =	ssyncadd.s32 $0xFFFFFF00  }
0x46: {  	_ =	swait.ge [sflag:s26], $0x100  }
0x47: {  	[sflag:s26] =	ssyncset.done $0x0  }
0x48: {  	[sflag:s26] =	ssyncadd.s32 $0xFFFFFF00  }
0x49: {  	_ =	swait.ge [sflag:s28], $0x4000  }
0x4a: {  	[sflag:s28] =	ssyncset.done $0x0  }
0x4b: {  	[sflag:s28] =	ssyncadd.s32 $0xFFFFC000  }
0x4c: {  	_ =	swait.ge [sflag:s28], $0x4000  }
0x4d: {  	[sflag:s28] =	ssyncset.done $0x0  }
0x4e: {  	[sflag:s28] =	ssyncadd.s32 $0xFFFFC000  }
0x4f: {  	_ =	swait.ge [sflag:s28], $0x4000  }
0x50: {  	[sflag:s28] =	ssyncset.done $0x0  }
0x51: {  	[sflag:s28] =	ssyncadd.s32 $0xFFFFC000  }
0x52: {  	_ =	swait.ge [sflag:s28], $0x4000  }
0x53: {  	[sflag:s28] =	ssyncset.done $0x0  }
0x54: {  	[sflag:s28] =	ssyncadd.s32 $0xFFFFC000  }
0x55: {  	_ =	swait.ge [sflag:s28], $0x4000  }
0x56: {  	[sflag:s28] =	ssyncset.done $0x0  }
0x57: {  	s9 =	simm.s32 $0x0;
	[sflag:s28] =	ssyncadd.s32 $0xFFFFC000  }
0x58: {  	[tilespmem:s25], [sflag:$0x2] =	stream.indirect.gather [hbm4b:s2+s29], $0x80, s9, s29, $0xb8;
	[tilespmem:$0x1C800] =	vst v63  }
0x59: {  	p1 =	por $0x0, $0x0;
	s7 =	simm.s32 $0x600  }
0x5a: {  	[tilespmem:s30], [sflag:$0x2] =	stream.indirect.gather [hbm4b:s2+s29], $0x80, s20, s29, $0xb8;
	[tilespmem:$0x1C800] =	vst v63  }
0x5b: {  	s3 =	simm.s32 @!p1 $0x1;
	p2 =	por p1, p1;
	[bflag:$0x0] =	sbarrier.arrive $0xFFFF  }
0x5c: {  	s22 =	simm.s32 $0x1;
	s24 =	simm.s32 $0x2;
	_ =	swait.ge @!p2 [sflag:s3], $0x100  }
0x5d: {  	s10 =	simm.s32 $0x0;
	s23 =	simm.s32 $0x700;
	[sflag:s3] =	ssyncset.done @!p2 $0x0  }
0x5e: {  	s11 =	simm.s32 $0x200;
	s1 =	sand.u32 $0x4000, s9;
	[sflag:s3] =	ssyncadd.s32 @!p2 $0xFFFFFF00  }
0x5f: {  	p1 =	por $0x0, $0x0;
	s1 =	sor.u32 $0x800, s1;
	_ =	swait.ge [sflag:s28], $0x4000  }
0x60: {  	p2 =	por $0x0, $0x0;
	s3 =	sand.u32 $0x700, s10;
	[sflag:s28] =	ssyncset.done $0x0  }
0x61: {  	s3 =	sor.u32 $0x80, s3;
	s8 =	sadd.s32 @!p2 $0x0, s19;
	[sflag:s28] =	ssyncadd.s32 $0xFFFFC000  }
0x62: {  	[spmem:s4] =	stream.indirect.scatter.add.f32 [tilespmem:s1], [sflag:$0x3], $0x80, s3, s29, $0xb8;
	[tilespmem:$0x1C800] =	vst v63  }
0x63: {  	s6 =	simm.s32 @!p1 $0x1;
	p3 =	slt.s32 @!p2 s8, $0x9C3;
	_ =	swait.ge [sflag:s31], $0x4000  }
0x64: {  	s7 =	sand.u32 @!p2 $0x700, s7;
	p3 =	por !p3, p2;
	[sflag:s31] =	ssyncset.done $0x0  }
0x65: {  	s3 =	sand.u32 $0x700, s11;
	s8 =	simm.s32 @p3 $0x9C3;
	[sflag:s31] =	ssyncadd.s32 $0xFFFFC000  }
0x66: {  	[tilespmem:s1], [sflag:$0x2] =	stream.indirect.gather [hbm4b:s2+s29], $0x80, s3, s29, $0xb8;
	[tilespmem:$0x1C800] =	vst v63  }
0x67: {  	s8 =	sshll.u32 @!p2 s8, $0x5;
	s3 =	simm.s32 $0x4000;
	s1 =	simm.s32 @!p2 $0x0  }
.LBB2_4:
0x68: {  	s8 =	sadd.s32 @!p2 s0, s8  }
0x69: {  	s9 =	smov.u32 s22;
	s22 =	smov.u32 s24;
	s10 =	smov.u32 s23  }
0x6a: {  	p4 =	por p1, p1;
	p1 =	sgt.u32 s24, $0x4B;
	s24 =	sadd.s32 $0x1, s24  }
0x6b: {  	[tilespmem:s7], [sflag:$0x1] =	stream.linear.gather @!p2 [hbm4b:s8+s1], $0x100, $0x38;
	[tilespmem:$0x1C800] =	vst v63  }
0x6c: {  	p3 =	sne.s32 s24, $0x4D;
	s1 =	smov.u32 s3;
	_ =	swait.ge @!p4 [sflag:s6], $0x100  }
0x6d: {  	s23 =	sadd.s32 $0x100, s23;
	s3 =	sadd.s32 $0x4000, s3;
	[sflag:s6] =	ssyncset.done @!p4 $0x0  }
0x6e: {  	p2 =	sgt.u32 s9, $0x48;
	s1 =	sand.u32 $0x4000, s1;
	[sflag:s6] =	ssyncadd.s32 @!p4 $0xFFFFFF00  }
0x6f: {  	s11 =	sor.u32 $0x800, s1;
	s1 =	sadd.s32 $0xFFFFFA00, s10;
	_ =	swait.ge [sflag:s28], $0x4000  }
0x70: {  	s6 =	sand.u32 $0x700, s1;
	s1 =	simm.s32 @!p2 $0x0;
	[sflag:s28] =	ssyncset.done $0x0  }
0x71: {  	s8 =	sadd.s32 @!p2 s9, s19;
	s6 =	sor.u32 $0x80, s6;
	[sflag:s28] =	ssyncadd.s32 $0xFFFFC000  }
0x72: {  	[spmem:s4] =	stream.indirect.scatter.add.f32 [tilespmem:s11], [sflag:$0x3], $0x80, s6, s29, $0xb8;
	[tilespmem:$0x1C800] =	vst v63  }
.Ltmp1:
0x73: {  	p4 =	slt.s32 @!p2 s8, $0x9C3;
	_ =	swait.ge [sflag:s31], $0x4000;
	(pc) =	sbr.rel @p3 .LBB2_4-.Ltmp1, $4  }
0x74: {  	s7 =	sadd.s32 $0xFFFFFC00, s10;
	p4 =	por !p4, p2;
	[sflag:s31] =	ssyncset.done $0x0  }
0x75: {  	s8 =	simm.s32 @p4 $0x9C3;
	s6 =	simm.s32 @!p1 $0x1;
	[sflag:s31] =	ssyncadd.s32 $0xFFFFC000  }
0x76: {  	s9 =	sand.u32 $0x700, s7;
	s7 =	sand.u32 @!p2 $0x700, s10;
	s8 =	sshll.u32 @!p2 s8, $0x5  }
0x77: {  	[tilespmem:s11], [sflag:$0x2] =	stream.indirect.gather [hbm4b:s2+s29], $0x80, s9, s29, $0xb8;
	[tilespmem:$0x1C800] =	vst v63  }
0x78: {  	s8 =	sadd.s32 @!p2 s0, s8;
	p1 =	por p1, p1  }
0x79: {  	[tilespmem:s7], [sflag:$0x1] =	stream.linear.gather @!p2 [hbm4b:s8+s1], $0x100, $0x38;
	[tilespmem:$0x1C800] =	vst v63  }
0x7a: {  	_ =	swait.ge @!p1 [sflag:s6], $0x100  }
0x7b: {  	[sflag:s6] =	ssyncset.done @!p1 $0x0  }
0x7c: {  	s9 =	sadd.s32 $0xFFFFFA00, s23;
	s8 =	sand.u32 $0x4000, s3;
	[sflag:s6] =	ssyncadd.s32 @!p1 $0xFFFFFF00  }
0x7d: {  	s3 =	sand.u32 $0x700, s9;
	p1 =	sgt.u32 s22, $0x48;
	_ =	swait.ge [sflag:s28], $0x4000  }
0x7e: {  	s1 =	sor.u32 $0x800, s8;
	s6 =	sadd.s32 @!p1 s22, s19;
	[sflag:s28] =	ssyncset.done $0x0  }
0x7f: {  	s3 =	sor.u32 $0x80, s3;
	p2 =	slt.s32 @!p1 s6, $0x9C3;
	[sflag:s28] =	ssyncadd.s32 $0xFFFFC000  }
0x80: {  	[spmem:s4] =	stream.indirect.scatter.add.f32 [tilespmem:s1], [sflag:$0x3], $0x80, s3, s29, $0xb8;
	[tilespmem:$0x1C800] =	vst v63  }
0x81: {  	p2 =	por !p2, p1;
	_ =	swait.ge [sflag:s31], $0x4000  }
0x82: {  	s10 =	sadd.s32 $0xFFFFFC00, s23;
	s6 =	simm.s32 @p2 $0x9C3;
	[sflag:s31] =	ssyncset.done $0x0  }
0x83: {  	s3 =	sand.u32 $0x700, s10;
	s6 =	sshll.u32 @!p1 s6, $0x5;
	[sflag:s31] =	ssyncadd.s32 $0xFFFFC000  }
0x84: {  	[tilespmem:s1], [sflag:$0x2] =	stream.indirect.gather [hbm4b:s2+s29], $0x80, s3, s29, $0xb8;
	[tilespmem:$0x1C800] =	vst v63  }
0x85: {  	s6 =	sadd.s32 @!p1 s0, s6;
	s1 =	simm.s32 @!p1 $0x0;
	s3 =	sand.u32 @!p1 $0x700, s23  }
0x86: {  	[tilespmem:s3], [sflag:$0x1] =	stream.linear.gather @!p1 [hbm4b:s6+s1], $0x100, $0x38;
	[tilespmem:$0x1C800] =	vst v63  }
0x87: {  	_ =	swait.ge [sflag:s28], $0x4000  }
0x88: {  	[sflag:s28] =	ssyncset.done $0x0  }
0x89: {  	s11 =	simm.s32 $0x580;
	[sflag:s28] =	ssyncadd.s32 $0xFFFFC000  }
0x8a: {  	[spmem:s4] =	stream.indirect.scatter.add.f32 [tilespmem:s30], [sflag:$0x3], $0x80, s11, s29, $0xb8;
	[tilespmem:$0x1C800] =	vst v63  }
0x8b: {  	_ =	swait.ge [sflag:s31], $0x4000  }
0x8c: {  	[sflag:s31] =	ssyncset.done $0x0  }
0x8d: {  	[sflag:s31] =	ssyncadd.s32 $0xFFFFC000  }
0x8e: {  	_ =	swait.ge [sflag:s28], $0x4000  }
0x8f: {  	v1 =	vlaneseq.u32 @!p0;
	[sflag:s28] =	ssyncset.done $0x0  }
0x90: {  	v2 =	vor.u32 @!p0 $0x2710, v1;
	[sflag:s28] =	ssyncadd.s32 $0xFFFFC000  }
0x91: {  	[tilespmem:$0x680] =	vst @!p0 v2;
	v2 =	vor.u32 @!p0 $0x2720, v1  }
0x92: {  	[tilespmem:$0x690] =	vst @!p0 v2;
	v2 =	vor.u32 @!p0 $0x2730, v1  }
0x93: {  	[tilespmem:$0x6A0] =	vst @!p0 v2;
	v2 =	vor.u32 @!p0 $0x2740, v1  }
0x94: {  	[tilespmem:$0x6B0] =	vst @!p0 v2;
	v2 =	vor.u32 @!p0 $0x2750, v1  }
0x95: {  	[tilespmem:$0x6C0] =	vst @!p0 v2;
	v2 =	vor.u32 @!p0 $0x2760, v1  }
0x96: {  	[tilespmem:$0x6D0] =	vst @!p0 v2;
	v2 =	vor.u32 @!p0 $0x2770, v1  }
0x97: {  	v1 =	vor.u32 @!p0 $0x2780, v1;
	[tilespmem:$0x6E0] =	vst @!p0 v2  }
0x98: {  	s22 =	simm.s32 $0x680;
	[tilespmem:$0x6F0] =	vst @!p0 v1  }
0x99: {  	[spmem:s4] =	stream.indirect.scatter.add.f32 [tilespmem:s25], [sflag:$0x3], $0x80, s22, s29, $0xb8;
	[tilespmem:$0x1C800] =	vst v63  }
0x9a: {  	s24 =	sshrl.u32 s12, $0x3;
	_ =	swait.ge [sflag:s31], $0x4000  }
0x9b: {  	s21 =	sadd.s32 $0x1, s21;
	s23 =	stileid.u32;
	[sflag:s31] =	ssyncset.done $0x0  }
0x9c: {  	s1 =	sshll.u32 s23, $0x6;
	p1 =	sne.s32 s21, s18;
	[sflag:s31] =	ssyncadd.s32 $0xFFFFC000  }
.Ltmp2:
0x9d: {  	s1 =	sor.u32 $0x1C03, s1;
	[bflag:$0x0] =	sbarrier.arrive $0xFFFF;
	(pc) =	sbr.rel @p1 .LBB2_1-.Ltmp2, $4  }
0x9e: {  	[hbm:s17], [sflag:s1] =	dma.local [spmem:s24], $0x2800  }
0x9f: {  	_ =	swait.ge [sflag:s31], $0x2800  }
0xa0: {  	[sflag:s31] =	ssyncset.done $0x0  }
0xa1: {  	[sflag:s31] =	ssyncadd.s32 $0xFFFFD800  }
0xa2: {  	_ =	sfence.sel $0x180000  }
0xa3: {  	[bflag:$0x0] =	sbarrier.arrive $0xFFFF  }
0xa4: {  	_ =	strace $0x9000004A  }
0xa5: {  	s0 =	stileid.u32;
	[bflag:$0x2] =	sbarrier.arrive $0xFFFF  }
0xa6: {  	p0 =	sne.s32 s0, $0x0;
	s0 =	rddreg [dreg:$0x4]  }
0xa7: {  	s0 =	sadd.s32 @!p0 $0x100000, s0  }
0xa8: {  	[sflag:s0] =	ssyncadd.tile.s32 @!p0 $0x1;
	_ =	shalt  }
.Lfunc_end2:
_tile_overlayer_lowered:
.L_overlay_start_2:
0xa9: {  	(tag) =	ssettag $0x2  }
0xaa: {  	s0 =	rddreg [dreg:$0x0];
	s2 =	stileid.u32  }
0xab: {  	s1 =	rddreg [dreg:$0x1];
	p0 =	sne.s32 s2, $0x0  }
0xac: {  	s3 =	rddreg [dreg:$0x2];
	[bflag:$0x3] =	sbarrier.arrive $0xFFFF;
	s2 =	simm.s32 @!p0 $0x1C03  }
0xad: {  	[timem:s3], [sflag:s2] =	dma.local @!p0 [hbm:s0], s1  }
0xae: {  	s0 =	simm.s32 @!p0 $0x3  }
0xaf: {  	_ =	swait.ge @!p0 [sflag:s0], s1  }
0xb0: {  	s1 =	ssub.s32 @!p0 $0x0, s1;
	[sflag:s0] =	ssyncset.done @!p0 $0x0  }
0xb1: {  	[sflag:s0] =	ssyncadd.s32 @!p0 s1  }
0xb2: {  	[bflag:$0x3] =	sbarrier.arrive $0xFFFF  }
0xb3: {  	_ =	shalt  }

// kernel: kernel.14.cloned.1.call-start
scs
__scs_entry_jumppad:
0x0: {  	(pc) =	sbr.rel $0x88, $3  }
0x1: {  	(tag) =	ssettag $0x0;
	lr =	simm.s32 $0x1  }
0x2: {  	[smem:$0x3F9B] =	sst lr;
	_ =	strace $0xD0000000  }
0x3: {  	_ = 	snop  }
0x4: {  	_ = 	snop  }
0x5: {  	_ = 	snop  }
0x6: {  	_ = 	snop  }
0x7: {  	_ = 	snop  }
__scs_overlays_trampoline_lowered:
0x8: {  	[smem:$0x3FAA] =	sst s0  }
0x9: {  	[smem:$0x3FAB] =	sst s1  }
0xa: {  	[smem:$0x3FAC] =	sst s2  }
0xb: {  	[smem:$0x3FAD] =	sst s3  }
0xc: {  	[smem:$0x3FAE] =	sst s4  }
0xd: {  	[smem:$0x3FAF] =	sst s5  }
0xe: {  	[smem:$0x3FB0] =	sst s6  }
0xf: {  	[smem:$0x3FB1] =	sst s7  }
0x10: {  	[smem:$0x3FB2] =	sst s8  }
0x11: {  	[smem:$0x3FB3] =	sst s9;
	s0 =	simm.s32 @!p0 $0x0  }
0x12: {  	s1 =	sld [smem:$0x3F99];
	s0 =	simm.s32 @p0 $0x1  }
0x13: {  	[smem:$0x3FB4] =	sst s0;
	s0 =	simm.s32 @!p1 $0x0  }
0x14: {  	s2 =	sld [smem:$0x3F98];
	s0 =	simm.s32 @p1 $0x1  }
0x15: {  	[smem:$0x3FB5] =	sst s0;
	s0 =	simm.s32 @!p2 $0x0  }
0x16: {  	s3 =	sld [smem:$0x3FDB];
	s0 =	simm.s32 @p2 $0x1  }
0x17: {  	s4 =	simm.s32 $0x1BF5;
	[smem:$0x3FB7] =	sst s0  }
0x18: {  	s0 =	sld [smem:$0x3F9A];
	_ =	swait.ge [sflag:s4], $0x0  }
0x19: {  	s7 =	sld [smem:$0x3F9B]  }
0x1a: {  	s8 =	sadd.s32 $0xFFFFE003, lr  }
0x1b: {  	s9 =	sadd.s32 $0xFFFFFEF7, lr;
	s5 =	simm.s32 $0xFFFFFFFF;
	p2 =	slt.u32 s8, $0xFFFFF086  }
0x1c: {  	p1 =	slt.u32 s9, $0xF7A;
	s5 =	simm.s32 @!p2 $0x0  }
0x1d: {  	s5 =	simm.s32 @p1 $0x1;
	p0 =	seq.s32 s7, s2  }
0x1e: {  	s7 =	smul.u32 @!p0 $0xF7A, s2;
	p2 =	seq.s32 @!p0 s5, $0x0  }
0x1f: {  	s9 =	smul.u32 $0xF7A, s1;
	s8 =	simm.s32 @!p0 $0x1BF5;
	p2 =	por !p2, p0  }
0x20: {  	[sflag:s8] =	ssyncset.s32 @!p0 $0xFFFFF086;
	s6 =	sadd.s32 @!p0 s3, s7;
	s7 =	simm.s32 @!p0 $0x108  }
0x21: {  	s3 =	sadd.s32 s3, s9;
	s6 =	sadd.s32 @!p0 $0x88, s6;
	s7 =	simm.s32 @p2 $0x1082  }
0x22: {  	[simem:s7], [sflag:s8] =	dma.local @!p0 [hbm:s6], $0xF7A  }
0x23: {  	s9 =	sor.u32 $0xD0000000, s2;
	s6 =	simm.s32 $0x108;
	_ =	swait.ge @!p0 [sflag:s8], $0x0  }
0x24: {  	s3 =	sadd.s32 $0x88, s3;
	s6 =	simm.s32 @!p1 $0x1082;
	[sflag:s4] =	ssyncset.s32 $0xFFFFF086  }
0x25: {  	[simem:s6], [sflag:s4] =	dma.local [hbm:s3], $0xF7A  }
0x26: {  	[smem:$0x3F9B] =	sst s1;
	(tag) =	ssettag s2;
	_ =	strace s9  }
0x27: {  	s1 =	sld [smem:$0x3FAB]  }
0x28: {  	s2 =	sld [smem:$0x3FAC]  }
0x29: {  	s4 =	sld [smem:$0x3FAE]  }
0x2a: {  	p0 =	seq.s32 s5, $0x0;
	s5 =	sld [smem:$0x3FAF]  }
0x2b: {  	s6 =	sld [smem:$0x3FB0]  }
0x2c: {  	s7 =	sld [smem:$0x3FB1]  }
0x2d: {  	s3 =	simm.s32 $0x108;
	s8 =	sld [smem:$0x3FB2]  }
0x2e: {  	s3 =	simm.s32 @!p0 $0x1082;
	s9 =	sld [smem:$0x3FB3]  }
0x2f: {  	lr =	sadd.s32 s0, s3;
	s0 =	sld [smem:$0x3FAA]  }
0x30: {  	s3 =	sld [smem:$0x3FAD]  }
0x31: {  	[smem:$0x3FB6] =	sst s10  }
0x32: {  	s10 =	sld [smem:$0x3FB4];
	_ =	sdelay $0x3  }
0x33: {  	p0 =	seq.s32 s10, $0x1;
	s10 =	sld [smem:$0x3FB6];
	_ =	sdelay $0x3  }
0x34: {  	[smem:$0x3FB6] =	sst s10  }
0x35: {  	s10 =	sld [smem:$0x3FB5];
	_ =	sdelay $0x3  }
0x36: {  	p1 =	seq.s32 s10, $0x1;
	s10 =	sld [smem:$0x3FB6];
	_ =	sdelay $0x3  }
0x37: {  	[smem:$0x3FB6] =	sst s10  }
0x38: {  	s10 =	sld [smem:$0x3FB7]  }
0x39: {  	_ = 	snop;
	(pc) =	sbr.ind lr, $3  }
0x3a: {  	_ = 	snop  }
0x3b: {  	_ = 	snop  }
0x3c: {  	p2 =	seq.s32 s10, $0x1;
	s10 =	sld [smem:$0x3FB6]  }
0x3d: {  	_ =	shalt  }
0x3e: {  	_ =	shalt  }
0x3f: {  	_ =	shalt  }
0x40: {  	_ =	shalt  }
0x41: {  	_ =	shalt  }
0x42: {  	_ =	shalt  }
0x43: {  	_ =	shalt  }
0x44: {  	_ =	shalt  }
0x45: {  	_ =	shalt  }
0x46: {  	_ =	shalt  }
0x47: {  	_ =	shalt  }
0x48: {  	_ =	shalt  }
0x49: {  	_ =	shalt  }
0x4a: {  	_ =	shalt  }
0x4b: {  	_ =	shalt  }
0x4c: {  	_ =	shalt  }
0x4d: {  	_ =	shalt  }
0x4e: {  	_ =	shalt  }
0x4f: {  	_ =	shalt  }
0x50: {  	_ =	shalt  }
0x51: {  	_ =	shalt  }
0x52: {  	_ =	shalt  }
0x53: {  	_ =	shalt  }
0x54: {  	_ =	shalt  }
0x55: {  	_ =	shalt  }
0x56: {  	_ =	shalt  }
0x57: {  	_ =	shalt  }
0x58: {  	_ =	shalt  }
0x59: {  	_ =	shalt  }
0x5a: {  	_ =	shalt  }
0x5b: {  	_ =	shalt  }
0x5c: {  	_ =	shalt  }
0x5d: {  	_ =	shalt  }
0x5e: {  	_ =	shalt  }
0x5f: {  	_ =	shalt  }
0x60: {  	_ =	shalt  }
0x61: {  	_ =	shalt  }
0x62: {  	_ =	shalt  }
0x63: {  	_ =	shalt  }
0x64: {  	_ =	shalt  }
0x65: {  	_ =	shalt  }
0x66: {  	_ =	shalt  }
0x67: {  	_ =	shalt  }
0x68: {  	_ =	shalt  }
0x69: {  	_ =	shalt  }
0x6a: {  	_ =	shalt  }
0x6b: {  	_ =	shalt  }
0x6c: {  	_ =	shalt  }
0x6d: {  	_ =	shalt  }
0x6e: {  	_ =	shalt  }
0x6f: {  	_ =	shalt  }
0x70: {  	_ =	shalt  }
0x71: {  	_ =	shalt  }
0x72: {  	_ =	shalt  }
0x73: {  	_ =	shalt  }
0x74: {  	_ =	shalt  }
0x75: {  	_ =	shalt  }
0x76: {  	_ =	shalt  }
0x77: {  	_ =	shalt  }
0x78: {  	_ =	shalt  }
0x79: {  	_ =	shalt  }
0x7a: {  	_ =	shalt  }
0x7b: {  	_ =	shalt  }
0x7c: {  	_ =	shalt  }
0x7d: {  	_ =	shalt  }
0x7e: {  	_ =	shalt  }
0x7f: {  	_ =	shalt  }
0x80: {  	_ =	shalt  }
0x81: {  	_ =	shalt  }
0x82: {  	_ =	shalt  }
0x83: {  	_ =	shalt  }
0x84: {  	_ =	shalt  }
0x85: {  	_ =	shalt  }
0x86: {  	_ =	shalt  }
0x87: {  	_ =	shalt  }
.Lfunc_end0:
.L_simem_size_0:
called_computation.2_lowered:
.L_overlay_start_0:
0x88: {  	s2 =	sld [smem:$0x3FD9]  }
0x89: {  	s3 =	sld [smem:$0x3FFE];
	_ =	sdelay $0x1  }
0x8a: {  	s1 =	srdreg.scid  }
0x8b: {  	s0 =	sand.u32 $0x1, s1  }
0x8c: {  	s17 =	sshll.u32 s0, $0xA;
	s2 =	sadd.s32 s3, s2  }
0x8d: {  	s2 =	sadd.s32 s2, s17  }
0x8e: {  	[smem:$0x3FC2] =	sst s2  }
0x8f: {  	_ = 	snop  }
0x90: {  	s2 =	sld [smem:$0x3FC8]  }
0x91: {  	s18 =	sld [smem:$0x3FD0];
	(tm) =	ssettm $0x1  }
0x92: {  	s4 =	sld [smem:$0x3FFB];
	_ =	sdelay $0x3  }
0x93: {  	_ =	strace s4  }
0x94: {  	s4 =	sld [smem:$0x3FFC];
	_ =	sdelay $0x3  }
0x95: {  	_ =	strace s4  }
0x96: {  	s4 =	sld [smem:$0x3FFD];
	_ =	sdelay $0x3  }
0x97: {  	_ =	strace s4  }
0x98: {  	_ =	strace $0x8FFFFFFF  }
0x99: {  	s19 =	sld [smem:$0x3FDB];
	_ =	sdelay $0x1  }
0x9a: {  	s5 =	simm.s32 $_scs_section_size  }
0x9b: {  	s6 =	simm.s32 $_size__tile_overlayer_lowered;
	s7 =	simm.s32 $_tile_overlayer_lowered  }
0x9c: {  	s22 =	simm.s32 $0x1BFF;
	s21 =	sshll.u32 s7, $0x1;
	s4 =	sadd.s32 s5, s19  }
0x9d: {  	s8 =	simm.s32 $0x0;
	s20 =	sshll.u32 s6, $0x1;
	s6 =	sadd.s32 s21, s4  }
0x9e: {  	[timem:s8], [sflag:s22] =	dma.local [hbm:s6], s20  }
0x9f: {  	_ =	swait.ge [sflag:s22], s20  }
0xa0: {  	s5 =	ssub.s32 $0x0, s20;
	[sflag:s22] =	ssyncset.done $0x0  }
0xa1: {  	[sflag:s22] =	ssyncadd.s32 s5;
	_ =	sdelay $0x1  }
0xa2: {  	s23 =	simm.s32 $0x1B8B  }
0xa3: {  	_ =	swait.ge [sflag:s23], $0x1  }
0xa4: {  	[sflag:s23] =	ssyncset.done $0x0  }
0xa5: {  	s25 =	simm.s32 $0x1B8E;
	s24 =	sld [smem:$0x3FFE];
	[sflag:s23] =	ssyncadd.s32 $0xFFFFFFFF  }
0xa6: {  	s26 =	simm.s32 $execute0_lowered;
	[smem:$0x3FD2] =	sst s25  }
0xa7: {  	s6 =	sshll.u32 s26, $0x1;
	_ =	strace $0x8000004C;
	[dreg:$0x1] =	wrdreg $0xFFFFFFFF  }
0xa8: {  	s28 =	simm.s32 $_size_execute0_lowered;
	s4 =	sadd.s32 s4, s6;
	[dreg:$0x0] =	wrdreg $0x0  }
0xa9: {  	s6 =	sshll.u32 s28, $0x1;
	[dreg:$0x2] =	wrdreg s4  }
0xaa: {  	[dreg:$0x3] =	wrdreg s6  }
0xab: {  	[dreg:$0x4] =	wrdreg $0xC0  }
0xac: {  	_ =	task [dreg:s8], $0x5FFFF  }
0xad: {  	[dreg:$0x1] =	wrdreg $0xFFFFFFFF  }
0xae: {  	[dreg:$0x0] =	wrdreg $0x60  }
0xaf: {  	[dreg:$0x2] =	wrdreg s2  }
0xb0: {  	[dreg:$0x3] =	wrdreg s18  }
0xb1: {  	[dreg:$0x4] =	wrdreg s24  }
0xb2: {  	[dreg:$0x5] =	wrdreg $0x88000  }
0xb3: {  	[dreg:$0x6] =	wrdreg $0x9  }
0xb4: {  	_ =	task.clear_ibuf [dreg:s8], $0x7FFFF;
	_ =	strace $0x9000004C  }
0xb5: {  	s29 =	simm.s32 $0x9;
	_ =	strace $0x8000004E  }
0xb6: {  	_ =	swait.ge [sflag:s29], $0x1  }
0xb7: {  	[sflag:s29] =	ssyncadd.s32 $0xFFFFFFFF  }
0xb8: {  	_ =	strace $0x9000004E  }
0xb9: {  	_ =	sfence  }
0xba: {  	s30 =	sld [smem:$0x0];
	_ =	sdelay $0x2  }
0xbb: {  	s31 =	sshll.u32 s1, $0xD;
	s1 =	sshrl.u32 s1, $0x2  }
0xbc: {  	s3 =	sand.u32 $0x4000, s31;
	s1 =	sadd.s32 s1, s30  }
0xbd: {  	s0 =	sor.u32 s3, s0;
	s1 =	sshll.u32 s1, $0x11  }
0xbe: {  	s0 =	sor.u32 s1, s0  }
0xbf: {  	s0 =	sadd.s32 $0x8F2B, s0  }
0xc0: {  	[sflag:s0] =	ssyncadd.remote.s32 $0x1  }
0xc1: {  	_ =	sfence.sel $0xFFFF  }
0xc2: {  	[dreg:$0x0] =	wrdreg $0xFFFFFFFF;
	(pc) =	sbr.abs _section_cstart, $3  }
0xc3: {  	[dreg:$0x1] =	wrdreg $0xFFFFFFFF  }
0xc4: {  	_ =	task.clear_ibuf [dreg:s8], $0x2FFFF;
	_ =	strace $0x9FFFFFFF  }
0xc5: {  	(tm) =	ssettm $0x7FFFFFFF  }
tec
execute0_lowered:
.L_overlay_start_1:
0x0: {  	(tag) =	ssettag $0x1  }
0x1: {  	s0 =	rddreg [dreg:$0x0]  }
0x2: {  	s2 =	rddreg [dreg:$0x1]  }
0x3: {  	s1 =	srdreg.scid;
	s13 =	stileid.u32  }
0x4: {  	s3 =	rddreg [dreg:$0x2];
	s7 =	smul.u32 $0x14000, s13  }
0x5: {  	s4 =	rddreg [dreg:$0x3];
	s28 =	simm.s32 $0x2;
	s24 =	smul.u32 $0x50000, s13  }
0x6: {  	s29 =	simm.s32 $0x80;
	s1 =	sand.u32 $0x1, s1;
	s26 =	smul.u32 $0x4E, s13  }
0x7: {  	s30 =	simm.s32 $0x4800;
	s31 =	simm.s32 $0x3;
	s6 =	smul.u32 $0x140000, s1  }
0x8: {  	s5 =	sshll.u32 s1, $0x4;
	s17 =	ssub.s32 $0x2, s1;
	s1 =	smul.u32 $0x4E0, s1  }
0x9: {  	s8 =	sor.u32 s13, s5;
	s5 =	simm.s32 $0x0;
	s18 =	sshrl.u32 s17, $0x1  }
0xa: {  	s12 =	sshrl.u32 s24, $0x2;
	s9 =	smul.u32 $0x4E, s8;
	[smem:$0x7FF] =	sst s5  }
0xb: {  	s15 =	smin.u32 s8, $0x4;
	s6 =	sadd.s32 s7, s6;
	s12 =	sadd.s32 s12, s4  }
0xc: {  	p0 =	slt.u32 s8, $0x4;
	_ =	strace $0x8000004D;
	s6 =	sshrl.u32 s6, $0x3  }
0xd: {  	s13 =	sadd.s32 $0x4000, s12;
	s14 =	sadd.s32 $0x8000, s12;
	s1 =	sor.u32 s1, s15  }
0xe: {  	s16 =	sadd.s32 s15, s9;
	s3 =	sadd.s32 s6, s3;
	s6 =	ssub.s32 s17, s18  }
0xf: {  	s15 =	sadd.s32 $0xC000, s12;
	s1 =	sadd.s32 s26, s1;
	s26 =	simm.s32 $0x1  }
0x10: {  	s7 =	sshll.u32 s16, $0x5;
	s16 =	sadd.s32 $0x10000, s12;
	s17 =	sadd.s32 $0x2400, s3  }
0x11: {  	s18 =	smax.u32 s6, $0x1;
	s10 =	sadd.s32 $0x20, s7;
	s20 =	sadd.s32 $0x40, s7  }
0x12: {  	s11 =	sadd.s32 s0, s7;
	s22 =	sadd.s32 $0x60, s7;
	s23 =	sadd.s32 $0x80, s7  }
0x13: {  	s7 =	sadd.s32 $0xA0, s7;
	s19 =	sand.u32 $0x1FFFFFE0, s10;
	[dreg:$0x5] =	wrdreg s11  }
0x14: {  	s21 =	sand.u32 $0x1FFFFFE0, s20;
	s10 =	sand.u32 $0x1FFFFFE0, s23;
	s9 =	sadd.s32 s0, s19  }
0x15: {  	s7 =	sand.u32 $0x1FFFFFE0, s7;
	s25 =	sadd.s32 s0, s10;
	[dreg:$0x6] =	wrdreg s9  }
0x16: {  	s20 =	simm.s32 $0x100;
	s9 =	sadd.s32 s0, s21;
	[dreg:$0x9] =	wrdreg s25  }
0x17: {  	s7 =	sadd.s32 s0, s7;
	[dreg:$0x7] =	wrdreg s9;
	s9 =	sand.u32 $0x1FFFFFE0, s22  }
0x18: {  	s19 =	sadd.s32 $0x6, s1;
	[dreg:$0xa] =	wrdreg s7;
	s9 =	sadd.s32 s0, s9  }
0x19: {  	v0 =	vimm.f32 $0.0e+00;
	s25 =	simm.s32 $0x800;
	s21 =	simm.s32 $0x0;
	[dreg:$0x8] =	wrdreg s9  }
.LBB2_1:
0x1a: {  	s1 =	rddreg [dreg:$0x5]  }
0x1b: {  	s7 =	rddreg [dreg:$0x6]  }
0x1c: {  	[tilespmem:s5], [sflag:$0x1] =	stream.linear.gather [hbm4b:s1+s5], $0x100, $0x38;
	[tilespmem:$0x1C800] =	vst v63  }
0x1d: {  	s8 =	rddreg [dreg:$0x7]  }
0x1e: {  	[tilespmem:s20], [sflag:$0x1] =	stream.linear.gather [hbm4b:s7+s5], $0x100, $0x38;
	[tilespmem:$0x1C800] =	vst v63  }
0x1f: {  	s3 =	simm.s32 $0x200;
	s9 =	rddreg [dreg:$0x8]  }
0x20: {  	[tilespmem:s3], [sflag:$0x1] =	stream.linear.gather [hbm4b:s8+s5], $0x100, $0x38;
	[tilespmem:$0x1C800] =	vst v63  }
0x21: {  	s10 =	simm.s32 $0x300;
	s11 =	rddreg [dreg:$0x9]  }
0x22: {  	[tilespmem:s10], [sflag:$0x1] =	stream.linear.gather [hbm4b:s9+s5], $0x100, $0x38;
	[tilespmem:$0x1C800] =	vst v63  }
0x23: {  	s22 =	simm.s32 $0x400;
	s23 =	rddreg [dreg:$0xa]  }
0x24: {  	[tilespmem:s22], [sflag:$0x1] =	stream.linear.gather [hbm4b:s11+s5], $0x100, $0x38;
	[tilespmem:$0x1C800] =	vst v63  }
0x25: {  	s24 =	simm.s32 $0x500;
	s1 =	simm.s32 $0x0;
	s3 =	simm.s32 $0x200  }
0x26: {  	[tilespmem:s24], [sflag:$0x1] =	stream.linear.gather [hbm4b:s23+s5], $0x100, $0x38;
	[tilespmem:$0x1C800] =	vst v63  }
.LBB2_2:
0x27: {  	p1 =	sne.s32 s3, $0xFE00;
	[tilespmem:s1+$0x870] =	vst v0  }
0x28: {  	[tilespmem:s1+$0x800] =	vst v0  }
0x29: {  	[tilespmem:s1+$0x810] =	vst v0  }
.Ltmp0:
0x2a: {  	[tilespmem:s1+$0x820] =	vst v0;
	(pc) =	sbr.rel @p1 .LBB2_2-.Ltmp0, $4  }
0x2b: {  	[tilespmem:s1+$0x830] =	vst v0  }
0x2c: {  	[tilespmem:s1+$0x840] =	vst v0  }
0x2d: {  	[tilespmem:s1+$0x850] =	vst v0  }
0x2e: {  	[tilespmem:s1+$0x860] =	vst v0;
	s1 =	sshra.s32 s3, $0x2;
	s3 =	sadd.s32 $0x200, s3  }
0x2f: {  	[tilespmem:s1+$0x870] =	vst v0  }
0x30: {  	[tilespmem:s1+$0x800] =	vst v0  }
0x31: {  	[tilespmem:s1+$0x810] =	vst v0  }
0x32: {  	[tilespmem:s1+$0x820] =	vst v0  }
0x33: {  	[tilespmem:s1+$0x830] =	vst v0  }
0x34: {  	[tilespmem:s1+$0x840] =	vst v0  }
0x35: {  	[tilespmem:s1+$0x850] =	vst v0  }
0x36: {  	[tilespmem:s1+$0x860] =	vst v0  }
0x37: {  	[spmem:s12] =	stream.linear.scatter [tilespmem:s25], [sflag:$0x2], $0x4000, $0x38;
	[tilespmem:$0x1C800] =	vst v63  }
0x38: {  	_ = 	snop  }
0x39: {  	[spmem:s13] =	stream.linear.scatter [tilespmem:s25], [sflag:$0x2], $0x4000, $0x38;
	[tilespmem:$0x1C800] =	vst v63  }
0x3a: {  	_ = 	snop  }
0x3b: {  	[spmem:s14] =	stream.linear.scatter [tilespmem:s25], [sflag:$0x2], $0x4000, $0x38;
	[tilespmem:$0x1C800] =	vst v63  }
0x3c: {  	_ = 	snop  }
0x3d: {  	[spmem:s15] =	stream.linear.scatter [tilespmem:s25], [sflag:$0x2], $0x4000, $0x38;
	[tilespmem:$0x1C800] =	vst v63  }
0x3e: {  	_ = 	snop  }
0x3f: {  	[spmem:s16] =	stream.linear.scatter [tilespmem:s25], [sflag:$0x2], $0x4000, $0x38;
	[tilespmem:$0x1C800] =	vst v63  }
0x40: {  	_ =	swait.ge [sflag:s26], $0x100  }
0x41: {  	[sflag:s26] =	ssyncset.done $0x0  }
0x42: {  	[sflag:s26] =	ssyncadd.s32 $0xFFFFFF00  }
0x43: {  	_ =	swait.ge [sflag:s26], $0x100  }
0x44: {  	[sflag:s26] =	ssyncset.done $0x0  }
0x45: {  	[sflag:s26] =	ssyncadd.s32 $0xFFFFFF00  }
0x46: {  	_ =	swait.ge [sflag:s26], $0x100  }
0x47: {  	[sflag:s26] =	ssyncset.done $0x0  }
0x48: {  	[sflag:s26] =	ssyncadd.s32 $0xFFFFFF00  }
0x49: {  	_ =	swait.ge [sflag:s28], $0x4000  }
0x4a: {  	[sflag:s28] =	ssyncset.done $0x0  }
0x4b: {  	[sflag:s28] =	ssyncadd.s32 $0xFFFFC000  }
0x4c: {  	_ =	swait.ge [sflag:s28], $0x4000  }
0x4d: {  	[sflag:s28] =	ssyncset.done $0x0  }
0x4e: {  	[sflag:s28] =	ssyncadd.s32 $0xFFFFC000  }
0x4f: {  	_ =	swait.ge [sflag:s28], $0x4000  }
0x50: {  	[sflag:s28] =	ssyncset.done $0x0  }
0x51: {  	[sflag:s28] =	ssyncadd.s32 $0xFFFFC000  }
0x52: {  	_ =	swait.ge [sflag:s28], $0x4000  }
0x53: {  	[sflag:s28] =	ssyncset.done $0x0  }
0x54: {  	[sflag:s28] =	ssyncadd.s32 $0xFFFFC000  }
0x55: {  	_ =	swait.ge [sflag:s28], $0x4000  }
0x56: {  	[sflag:s28] =	ssyncset.done $0x0  }
0x57: {  	s9 =	simm.s32 $0x0;
	[sflag:s28] =	ssyncadd.s32 $0xFFFFC000  }
0x58: {  	[tilespmem:s25], [sflag:$0x2] =	stream.indirect.gather [hbm4b:s2+s29], $0x80, s9, s29, $0xb8;
	[tilespmem:$0x1C800] =	vst v63  }
0x59: {  	p1 =	por $0x0, $0x0;
	s7 =	simm.s32 $0x600  }
0x5a: {  	[tilespmem:s30], [sflag:$0x2] =	stream.indirect.gather [hbm4b:s2+s29], $0x80, s20, s29, $0xb8;
	[tilespmem:$0x1C800] =	vst v63  }
0x5b: {  	s3 =	simm.s32 @!p1 $0x1;
	p2 =	por p1, p1;
	[bflag:$0x0] =	sbarrier.arrive $0xFFFF  }
0x5c: {  	s22 =	simm.s32 $0x1;
	s24 =	simm.s32 $0x2;
	_ =	swait.ge @!p2 [sflag:s3], $0x100  }
0x5d: {  	s10 =	simm.s32 $0x0;
	s23 =	simm.s32 $0x700;
	[sflag:s3] =	ssyncset.done @!p2 $0x0  }
0x5e: {  	s11 =	simm.s32 $0x200;
	s1 =	sand.u32 $0x4000, s9;
	[sflag:s3] =	ssyncadd.s32 @!p2 $0xFFFFFF00  }
0x5f: {  	p1 =	por $0x0, $0x0;
	s1 =	sor.u32 $0x800, s1;
	_ =	swait.ge [sflag:s28], $0x4000  }
0x60: {  	p2 =	por $0x0, $0x0;
	s3 =	sand.u32 $0x700, s10;
	[sflag:s28] =	ssyncset.done $0x0  }
0x61: {  	s3 =	sor.u32 $0x80, s3;
	s8 =	sadd.s32 @!p2 $0x0, s19;
	[sflag:s28] =	ssyncadd.s32 $0xFFFFC000  }
0x62: {  	[spmem:s4] =	stream.indirect.scatter.add.f32 [tilespmem:s1], [sflag:$0x3], $0x80, s3, s29, $0xb8;
	[tilespmem:$0x1C800] =	vst v63  }
0x63: {  	s6 =	simm.s32 @!p1 $0x1;
	p3 =	slt.s32 @!p2 s8, $0x9C3;
	_ =	swait.ge [sflag:s31], $0x4000  }
0x64: {  	s7 =	sand.u32 @!p2 $0x700, s7;
	p3 =	por !p3, p2;
	[sflag:s31] =	ssyncset.done $0x0  }
0x65: {  	s3 =	sand.u32 $0x700, s11;
	s8 =	simm.s32 @p3 $0x9C3;
	[sflag:s31] =	ssyncadd.s32 $0xFFFFC000  }
0x66: {  	[tilespmem:s1], [sflag:$0x2] =	stream.indirect.gather [hbm4b:s2+s29], $0x80, s3, s29, $0xb8;
	[tilespmem:$0x1C800] =	vst v63  }
0x67: {  	s8 =	sshll.u32 @!p2 s8, $0x5;
	s3 =	simm.s32 $0x4000;
	s1 =	simm.s32 @!p2 $0x0  }
.LBB2_4:
0x68: {  	s8 =	sadd.s32 @!p2 s0, s8  }
0x69: {  	s9 =	smov.u32 s22;
	s22 =	smov.u32 s24;
	s10 =	smov.u32 s23  }
0x6a: {  	p4 =	por p1, p1;
	p1 =	sgt.u32 s24, $0x4B;
	s24 =	sadd.s32 $0x1, s24  }
0x6b: {  	[tilespmem:s7], [sflag:$0x1] =	stream.linear.gather @!p2 [hbm4b:s8+s1], $0x100, $0x38;
	[tilespmem:$0x1C800] =	vst v63  }
0x6c: {  	p3 =	sne.s32 s24, $0x4D;
	s1 =	smov.u32 s3;
	_ =	swait.ge @!p4 [sflag:s6], $0x100  }
0x6d: {  	s23 =	sadd.s32 $0x100, s23;
	s3 =	sadd.s32 $0x4000, s3;
	[sflag:s6] =	ssyncset.done @!p4 $0x0  }
0x6e: {  	p2 =	sgt.u32 s9, $0x48;
	s1 =	sand.u32 $0x4000, s1;
	[sflag:s6] =	ssyncadd.s32 @!p4 $0xFFFFFF00  }
0x6f: {  	s11 =	sor.u32 $0x800, s1;
	s1 =	sadd.s32 $0xFFFFFA00, s10;
	_ =	swait.ge [sflag:s28], $0x4000  }
0x70: {  	s6 =	sand.u32 $0x700, s1;
	s1 =	simm.s32 @!p2 $0x0;
	[sflag:s28] =	ssyncset.done $0x0  }
0x71: {  	s8 =	sadd.s32 @!p2 s9, s19;
	s6 =	sor.u32 $0x80, s6;
	[sflag:s28] =	ssyncadd.s32 $0xFFFFC000  }
0x72: {  	[spmem:s4] =	stream.indirect.scatter.add.f32 [tilespmem:s11], [sflag:$0x3], $0x80, s6, s29, $0xb8;
	[tilespmem:$0x1C800] =	vst v63  }
.Ltmp1:
0x73: {  	p4 =	slt.s32 @!p2 s8, $0x9C3;
	_ =	swait.ge [sflag:s31], $0x4000;
	(pc) =	sbr.rel @p3 .LBB2_4-.Ltmp1, $4  }
0x74: {  	s7 =	sadd.s32 $0xFFFFFC00, s10;
	p4 =	por !p4, p2;
	[sflag:s31] =	ssyncset.done $0x0  }
0x75: {  	s8 =	simm.s32 @p4 $0x9C3;
	s6 =	simm.s32 @!p1 $0x1;
	[sflag:s31] =	ssyncadd.s32 $0xFFFFC000  }
0x76: {  	s9 =	sand.u32 $0x700, s7;
	s7 =	sand.u32 @!p2 $0x700, s10;
	s8 =	sshll.u32 @!p2 s8, $0x5  }
0x77: {  	[tilespmem:s11], [sflag:$0x2] =	stream.indirect.gather [hbm4b:s2+s29], $0x80, s9, s29, $0xb8;
	[tilespmem:$0x1C800] =	vst v63  }
0x78: {  	s8 =	sadd.s32 @!p2 s0, s8;
	p1 =	por p1, p1  }
0x79: {  	[tilespmem:s7], [sflag:$0x1] =	stream.linear.gather @!p2 [hbm4b:s8+s1], $0x100, $0x38;
	[tilespmem:$0x1C800] =	vst v63  }
0x7a: {  	_ =	swait.ge @!p1 [sflag:s6], $0x100  }
0x7b: {  	[sflag:s6] =	ssyncset.done @!p1 $0x0  }
0x7c: {  	s9 =	sadd.s32 $0xFFFFFA00, s23;
	s8 =	sand.u32 $0x4000, s3;
	[sflag:s6] =	ssyncadd.s32 @!p1 $0xFFFFFF00  }
0x7d: {  	s3 =	sand.u32 $0x700, s9;
	p1 =	sgt.u32 s22, $0x48;
	_ =	swait.ge [sflag:s28], $0x4000  }
0x7e: {  	s1 =	sor.u32 $0x800, s8;
	s6 =	sadd.s32 @!p1 s22, s19;
	[sflag:s28] =	ssyncset.done $0x0  }
0x7f: {  	s3 =	sor.u32 $0x80, s3;
	p2 =	slt.s32 @!p1 s6, $0x9C3;
	[sflag:s28] =	ssyncadd.s32 $0xFFFFC000  }
0x80: {  	[spmem:s4] =	stream.indirect.scatter.add.f32 [tilespmem:s1], [sflag:$0x3], $0x80, s3, s29, $0xb8;
	[tilespmem:$0x1C800] =	vst v63  }
0x81: {  	p2 =	por !p2, p1;
	_ =	swait.ge [sflag:s31], $0x4000  }
0x82: {  	s10 =	sadd.s32 $0xFFFFFC00, s23;
	s6 =	simm.s32 @p2 $0x9C3;
	[sflag:s31] =	ssyncset.done $0x0  }
0x83: {  	s3 =	sand.u32 $0x700, s10;
	s6 =	sshll.u32 @!p1 s6, $0x5;
	[sflag:s31] =	ssyncadd.s32 $0xFFFFC000  }
0x84: {  	[tilespmem:s1], [sflag:$0x2] =	stream.indirect.gather [hbm4b:s2+s29], $0x80, s3, s29, $0xb8;
	[tilespmem:$0x1C800] =	vst v63  }
0x85: {  	s6 =	sadd.s32 @!p1 s0, s6;
	s1 =	simm.s32 @!p1 $0x0;
	s3 =	sand.u32 @!p1 $0x700, s23  }
0x86: {  	[tilespmem:s3], [sflag:$0x1] =	stream.linear.gather @!p1 [hbm4b:s6+s1], $0x100, $0x38;
	[tilespmem:$0x1C800] =	vst v63  }
0x87: {  	_ =	swait.ge [sflag:s28], $0x4000  }
0x88: {  	[sflag:s28] =	ssyncset.done $0x0  }
0x89: {  	s11 =	simm.s32 $0x580;
	[sflag:s28] =	ssyncadd.s32 $0xFFFFC000  }
0x8a: {  	[spmem:s4] =	stream.indirect.scatter.add.f32 [tilespmem:s30], [sflag:$0x3], $0x80, s11, s29, $0xb8;
	[tilespmem:$0x1C800] =	vst v63  }
0x8b: {  	_ =	swait.ge [sflag:s31], $0x4000  }
0x8c: {  	[sflag:s31] =	ssyncset.done $0x0  }
0x8d: {  	[sflag:s31] =	ssyncadd.s32 $0xFFFFC000  }
0x8e: {  	_ =	swait.ge [sflag:s28], $0x4000  }
0x8f: {  	v1 =	vlaneseq.u32 @!p0;
	[sflag:s28] =	ssyncset.done $0x0  }
0x90: {  	v2 =	vor.u32 @!p0 $0x2710, v1;
	[sflag:s28] =	ssyncadd.s32 $0xFFFFC000  }
0x91: {  	[tilespmem:$0x680] =	vst @!p0 v2;
	v2 =	vor.u32 @!p0 $0x2720, v1  }
0x92: {  	[tilespmem:$0x690] =	vst @!p0 v2;
	v2 =	vor.u32 @!p0 $0x2730, v1  }
0x93: {  	[tilespmem:$0x6A0] =	vst @!p0 v2;
	v2 =	vor.u32 @!p0 $0x2740, v1  }
0x94: {  	[tilespmem:$0x6B0] =	vst @!p0 v2;
	v2 =	vor.u32 @!p0 $0x2750, v1  }
0x95: {  	[tilespmem:$0x6C0] =	vst @!p0 v2;
	v2 =	vor.u32 @!p0 $0x2760, v1  }
0x96: {  	[tilespmem:$0x6D0] =	vst @!p0 v2;
	v2 =	vor.u32 @!p0 $0x2770, v1  }
0x97: {  	v1 =	vor.u32 @!p0 $0x2780, v1;
	[tilespmem:$0x6E0] =	vst @!p0 v2  }
0x98: {  	s22 =	simm.s32 $0x680;
	[tilespmem:$0x6F0] =	vst @!p0 v1  }
0x99: {  	[spmem:s4] =	stream.indirect.scatter.add.f32 [tilespmem:s25], [sflag:$0x3], $0x80, s22, s29, $0xb8;
	[tilespmem:$0x1C800] =	vst v63  }
0x9a: {  	s24 =	sshrl.u32 s12, $0x3;
	_ =	swait.ge [sflag:s31], $0x4000  }
0x9b: {  	s21 =	sadd.s32 $0x1, s21;
	s23 =	stileid.u32;
	[sflag:s31] =	ssyncset.done $0x0  }
0x9c: {  	s1 =	sshll.u32 s23, $0x6;
	p1 =	sne.s32 s21, s18;
	[sflag:s31] =	ssyncadd.s32 $0xFFFFC000  }
.Ltmp2:
0x9d: {  	s1 =	sor.u32 $0x1C03, s1;
	[bflag:$0x0] =	sbarrier.arrive $0xFFFF;
	(pc) =	sbr.rel @p1 .LBB2_1-.Ltmp2, $4  }
0x9e: {  	[hbm:s17], [sflag:s1] =	dma.local [spmem:s24], $0x2800  }
0x9f: {  	_ =	swait.ge [sflag:s31], $0x2800  }
0xa0: {  	[sflag:s31] =	ssyncset.done $0x0  }
0xa1: {  	[sflag:s31] =	ssyncadd.s32 $0xFFFFD800  }
0xa2: {  	_ =	sfence.sel $0x180000  }
0xa3: {  	[bflag:$0x0] =	sbarrier.arrive $0xFFFF  }
0xa4: {  	_ =	strace $0x9000004D  }
0xa5: {  	s0 =	stileid.u32;
	[bflag:$0x2] =	sbarrier.arrive $0xFFFF  }
0xa6: {  	p0 =	sne.s32 s0, $0x0;
	s0 =	rddreg [dreg:$0x4]  }
0xa7: {  	s0 =	sadd.s32 @!p0 $0x100000, s0  }
0xa8: {  	[sflag:s0] =	ssyncadd.tile.s32 @!p0 $0x1;
	_ =	shalt  }
.Lfunc_end2:
_tile_overlayer_lowered:
.L_overlay_start_2:
0xa9: {  	(tag) =	ssettag $0x2  }
0xaa: {  	s0 =	rddreg [dreg:$0x0];
	s2 =	stileid.u32  }
0xab: {  	s1 =	rddreg [dreg:$0x1];
	p0 =	sne.s32 s2, $0x0  }
0xac: {  	s3 =	rddreg [dreg:$0x2];
	[bflag:$0x3] =	sbarrier.arrive $0xFFFF;
	s2 =	simm.s32 @!p0 $0x1C03  }
0xad: {  	[timem:s3], [sflag:s2] =	dma.local @!p0 [hbm:s0], s1  }
0xae: {  	s0 =	simm.s32 @!p0 $0x3  }
0xaf: {  	_ =	swait.ge @!p0 [sflag:s0], s1  }
0xb0: {  	s1 =	ssub.s32 @!p0 $0x0, s1;
	[sflag:s0] =	ssyncset.done @!p0 $0x0  }
0xb1: {  	[sflag:s0] =	ssyncadd.s32 @!p0 s1  }
0xb2: {  	[bflag:$0x3] =	sbarrier.arrive $0xFFFF  }
0xb3: {  	_ =	shalt  }

// kernel: kernel.8.cloned.1.call-start
scs
__scs_entry_jumppad:
0x0: {  	(pc) =	sbr.rel $0x88, $3  }
0x1: {  	(tag) =	ssettag $0x0;
	lr =	simm.s32 $0x1  }
0x2: {  	[smem:$0x3F9B] =	sst lr;
	_ =	strace $0xD0000000  }
0x3: {  	_ = 	snop  }
0x4: {  	_ = 	snop  }
0x5: {  	_ = 	snop  }
0x6: {  	_ = 	snop  }
0x7: {  	_ = 	snop  }
__scs_overlays_trampoline_lowered:
0x8: {  	[smem:$0x3FAA] =	sst s0  }
0x9: {  	[smem:$0x3FAB] =	sst s1  }
0xa: {  	[smem:$0x3FAC] =	sst s2  }
0xb: {  	[smem:$0x3FAD] =	sst s3  }
0xc: {  	[smem:$0x3FAE] =	sst s4  }
0xd: {  	[smem:$0x3FAF] =	sst s5  }
0xe: {  	[smem:$0x3FB0] =	sst s6  }
0xf: {  	[smem:$0x3FB1] =	sst s7  }
0x10: {  	[smem:$0x3FB2] =	sst s8  }
0x11: {  	[smem:$0x3FB3] =	sst s9;
	s0 =	simm.s32 @!p0 $0x0  }
0x12: {  	s1 =	sld [smem:$0x3F99];
	s0 =	simm.s32 @p0 $0x1  }
0x13: {  	[smem:$0x3FB4] =	sst s0;
	s0 =	simm.s32 @!p1 $0x0  }
0x14: {  	s2 =	sld [smem:$0x3F98];
	s0 =	simm.s32 @p1 $0x1  }
0x15: {  	[smem:$0x3FB5] =	sst s0;
	s0 =	simm.s32 @!p2 $0x0  }
0x16: {  	s3 =	sld [smem:$0x3FDB];
	s0 =	simm.s32 @p2 $0x1  }
0x17: {  	s4 =	simm.s32 $0x1BF5;
	[smem:$0x3FB7] =	sst s0  }
0x18: {  	s0 =	sld [smem:$0x3F9A];
	_ =	swait.ge [sflag:s4], $0x0  }
0x19: {  	s7 =	sld [smem:$0x3F9B]  }
0x1a: {  	s8 =	sadd.s32 $0xFFFFE003, lr  }
0x1b: {  	s9 =	sadd.s32 $0xFFFFFEF7, lr;
	s5 =	simm.s32 $0xFFFFFFFF;
	p2 =	slt.u32 s8, $0xFFFFF086  }
0x1c: {  	p1 =	slt.u32 s9, $0xF7A;
	s5 =	simm.s32 @!p2 $0x0  }
0x1d: {  	s5 =	simm.s32 @p1 $0x1;
	p0 =	seq.s32 s7, s2  }
0x1e: {  	s7 =	smul.u32 @!p0 $0xF7A, s2;
	p2 =	seq.s32 @!p0 s5, $0x0  }
0x1f: {  	s9 =	smul.u32 $0xF7A, s1;
	s8 =	simm.s32 @!p0 $0x1BF5;
	p2 =	por !p2, p0  }
0x20: {  	[sflag:s8] =	ssyncset.s32 @!p0 $0xFFFFF086;
	s6 =	sadd.s32 @!p0 s3, s7;
	s7 =	simm.s32 @!p0 $0x108  }
0x21: {  	s3 =	sadd.s32 s3, s9;
	s6 =	sadd.s32 @!p0 $0x88, s6;
	s7 =	simm.s32 @p2 $0x1082  }
0x22: {  	[simem:s7], [sflag:s8] =	dma.local @!p0 [hbm:s6], $0xF7A  }
0x23: {  	s9 =	sor.u32 $0xD0000000, s2;
	s6 =	simm.s32 $0x108;
	_ =	swait.ge @!p0 [sflag:s8], $0x0  }
0x24: {  	s3 =	sadd.s32 $0x88, s3;
	s6 =	simm.s32 @!p1 $0x1082;
	[sflag:s4] =	ssyncset.s32 $0xFFFFF086  }
0x25: {  	[simem:s6], [sflag:s4] =	dma.local [hbm:s3], $0xF7A  }
0x26: {  	[smem:$0x3F9B] =	sst s1;
	(tag) =	ssettag s2;
	_ =	strace s9  }
0x27: {  	s1 =	sld [smem:$0x3FAB]  }
0x28: {  	s2 =	sld [smem:$0x3FAC]  }
0x29: {  	s4 =	sld [smem:$0x3FAE]  }
0x2a: {  	p0 =	seq.s32 s5, $0x0;
	s5 =	sld [smem:$0x3FAF]  }
0x2b: {  	s6 =	sld [smem:$0x3FB0]  }
0x2c: {  	s7 =	sld [smem:$0x3FB1]  }
0x2d: {  	s3 =	simm.s32 $0x108;
	s8 =	sld [smem:$0x3FB2]  }
0x2e: {  	s3 =	simm.s32 @!p0 $0x1082;
	s9 =	sld [smem:$0x3FB3]  }
0x2f: {  	lr =	sadd.s32 s0, s3;
	s0 =	sld [smem:$0x3FAA]  }
0x30: {  	s3 =	sld [smem:$0x3FAD]  }
0x31: {  	[smem:$0x3FB6] =	sst s10  }
0x32: {  	s10 =	sld [smem:$0x3FB4];
	_ =	sdelay $0x3  }
0x33: {  	p0 =	seq.s32 s10, $0x1;
	s10 =	sld [smem:$0x3FB6];
	_ =	sdelay $0x3  }
0x34: {  	[smem:$0x3FB6] =	sst s10  }
0x35: {  	s10 =	sld [smem:$0x3FB5];
	_ =	sdelay $0x3  }
0x36: {  	p1 =	seq.s32 s10, $0x1;
	s10 =	sld [smem:$0x3FB6];
	_ =	sdelay $0x3  }
0x37: {  	[smem:$0x3FB6] =	sst s10  }
0x38: {  	s10 =	sld [smem:$0x3FB7]  }
0x39: {  	_ = 	snop;
	(pc) =	sbr.ind lr, $3  }
0x3a: {  	_ = 	snop  }
0x3b: {  	_ = 	snop  }
0x3c: {  	p2 =	seq.s32 s10, $0x1;
	s10 =	sld [smem:$0x3FB6]  }
0x3d: {  	_ =	shalt  }
0x3e: {  	_ =	shalt  }
0x3f: {  	_ =	shalt  }
0x40: {  	_ =	shalt  }
0x41: {  	_ =	shalt  }
0x42: {  	_ =	shalt  }
0x43: {  	_ =	shalt  }
0x44: {  	_ =	shalt  }
0x45: {  	_ =	shalt  }
0x46: {  	_ =	shalt  }
0x47: {  	_ =	shalt  }
0x48: {  	_ =	shalt  }
0x49: {  	_ =	shalt  }
0x4a: {  	_ =	shalt  }
0x4b: {  	_ =	shalt  }
0x4c: {  	_ =	shalt  }
0x4d: {  	_ =	shalt  }
0x4e: {  	_ =	shalt  }
0x4f: {  	_ =	shalt  }
0x50: {  	_ =	shalt  }
0x51: {  	_ =	shalt  }
0x52: {  	_ =	shalt  }
0x53: {  	_ =	shalt  }
0x54: {  	_ =	shalt  }
0x55: {  	_ =	shalt  }
0x56: {  	_ =	shalt  }
0x57: {  	_ =	shalt  }
0x58: {  	_ =	shalt  }
0x59: {  	_ =	shalt  }
0x5a: {  	_ =	shalt  }
0x5b: {  	_ =	shalt  }
0x5c: {  	_ =	shalt  }
0x5d: {  	_ =	shalt  }
0x5e: {  	_ =	shalt  }
0x5f: {  	_ =	shalt  }
0x60: {  	_ =	shalt  }
0x61: {  	_ =	shalt  }
0x62: {  	_ =	shalt  }
0x63: {  	_ =	shalt  }
0x64: {  	_ =	shalt  }
0x65: {  	_ =	shalt  }
0x66: {  	_ =	shalt  }
0x67: {  	_ =	shalt  }
0x68: {  	_ =	shalt  }
0x69: {  	_ =	shalt  }
0x6a: {  	_ =	shalt  }
0x6b: {  	_ =	shalt  }
0x6c: {  	_ =	shalt  }
0x6d: {  	_ =	shalt  }
0x6e: {  	_ =	shalt  }
0x6f: {  	_ =	shalt  }
0x70: {  	_ =	shalt  }
0x71: {  	_ =	shalt  }
0x72: {  	_ =	shalt  }
0x73: {  	_ =	shalt  }
0x74: {  	_ =	shalt  }
0x75: {  	_ =	shalt  }
0x76: {  	_ =	shalt  }
0x77: {  	_ =	shalt  }
0x78: {  	_ =	shalt  }
0x79: {  	_ =	shalt  }
0x7a: {  	_ =	shalt  }
0x7b: {  	_ =	shalt  }
0x7c: {  	_ =	shalt  }
0x7d: {  	_ =	shalt  }
0x7e: {  	_ =	shalt  }
0x7f: {  	_ =	shalt  }
0x80: {  	_ =	shalt  }
0x81: {  	_ =	shalt  }
0x82: {  	_ =	shalt  }
0x83: {  	_ =	shalt  }
0x84: {  	_ =	shalt  }
0x85: {  	_ =	shalt  }
0x86: {  	_ =	shalt  }
0x87: {  	_ =	shalt  }
.Lfunc_end0:
.L_simem_size_0:
called_computation_lowered:
.L_overlay_start_0:
0x88: {  	s2 =	sld [smem:$0x3FD9]  }
0x89: {  	s3 =	sld [smem:$0x3FFE];
	_ =	sdelay $0x1  }
0x8a: {  	s1 =	srdreg.scid  }
0x8b: {  	s0 =	sand.u32 $0x1, s1  }
0x8c: {  	s18 =	sshll.u32 s0, $0xA;
	s2 =	sadd.s32 s3, s2  }
0x8d: {  	s2 =	sadd.s32 s2, s18  }
0x8e: {  	[smem:$0x3FC2] =	sst s2  }
0x8f: {  	_ = 	snop  }
0x90: {  	s2 =	sld [smem:$0x3FC8]  }
0x91: {  	s19 =	sld [smem:$0x3FD0];
	(tm) =	ssettm $0x1  }
0x92: {  	s4 =	sld [smem:$0x3FFB];
	_ =	sdelay $0x3  }
0x93: {  	_ =	strace s4  }
0x94: {  	s4 =	sld [smem:$0x3FFC];
	_ =	sdelay $0x3  }
0x95: {  	_ =	strace s4  }
0x96: {  	s4 =	sld [smem:$0x3FFD];
	_ =	sdelay $0x3  }
0x97: {  	_ =	strace s4  }
0x98: {  	_ =	strace $0x8FFFFFFF  }
0x99: {  	s20 =	sld [smem:$0x3FDB];
	_ =	sdelay $0x1  }
0x9a: {  	s5 =	simm.s32 $_scs_section_size  }
0x9b: {  	s6 =	simm.s32 $_size__tile_overlayer_lowered;
	s7 =	simm.s32 $_tile_overlayer_lowered  }
0x9c: {  	s23 =	simm.s32 $0x1BFF;
	s22 =	sshll.u32 s7, $0x1;
	s4 =	sadd.s32 s5, s20  }
0x9d: {  	s8 =	simm.s32 $0x0;
	s21 =	sshll.u32 s6, $0x1;
	s6 =	sadd.s32 s22, s4  }
0x9e: {  	[timem:s8], [sflag:s23] =	dma.local [hbm:s6], s21  }
0x9f: {  	_ =	swait.ge [sflag:s23], s21  }
0xa0: {  	s5 =	ssub.s32 $0x0, s21;
	[sflag:s23] =	ssyncset.done $0x0  }
0xa1: {  	[sflag:s23] =	ssyncadd.s32 s5;
	_ =	sdelay $0x1  }
0xa2: {  	s24 =	simm.s32 $0x1B8B  }
0xa3: {  	_ =	swait.ge [sflag:s24], $0x1  }
0xa4: {  	[sflag:s24] =	ssyncset.done $0x0  }
0xa5: {  	s25 =	simm.s32 $0x1B8E;
	[sflag:s24] =	ssyncadd.s32 $0xFFFFFFFF  }
0xa6: {  	s26 =	simm.s32 $execute0_lowered;
	[smem:$0x3FD2] =	sst s25  }
0xa7: {  	s5 =	sshll.u32 s26, $0x1;
	_ =	strace $0x80000046;
	[dreg:$0x1] =	wrdreg $0xFFFFFFFF  }
0xa8: {  	s28 =	simm.s32 $_size_execute0_lowered;
	s4 =	sadd.s32 s4, s5;
	[dreg:$0x0] =	wrdreg $0x0  }
0xa9: {  	s5 =	sshll.u32 s28, $0x1;
	[dreg:$0x2] =	wrdreg s4  }
0xaa: {  	[dreg:$0x3] =	wrdreg s5  }
0xab: {  	[dreg:$0x4] =	wrdreg $0xC0  }
0xac: {  	_ =	task [dreg:s8], $0x5FFFF  }
0xad: {  	[dreg:$0x1] =	wrdreg $0xFFFFFFFF  }
0xae: {  	[dreg:$0x0] =	wrdreg $0x60  }
0xaf: {  	[dreg:$0x2] =	wrdreg s2  }
0xb0: {  	[dreg:$0x3] =	wrdreg s19  }
0xb1: {  	[dreg:$0x4] =	wrdreg $0x9  }
0xb2: {  	_ =	task.clear_ibuf [dreg:s8], $0x5FFFF;
	_ =	strace $0x90000046  }
0xb3: {  	s29 =	simm.s32 $0x9;
	_ =	strace $0x80000048  }
0xb4: {  	_ =	swait.ge [sflag:s29], $0x1  }
0xb5: {  	[sflag:s29] =	ssyncadd.s32 $0xFFFFFFFF  }
0xb6: {  	_ =	strace $0x90000048  }
0xb7: {  	_ =	sfence  }
0xb8: {  	s30 =	sld [smem:$0x0];
	_ =	sdelay $0x2  }
0xb9: {  	s31 =	sshll.u32 s1, $0xD;
	s1 =	sshrl.u32 s1, $0x2  }
0xba: {  	s3 =	sand.u32 $0x4000, s31;
	s1 =	sadd.s32 s1, s30  }
0xbb: {  	s0 =	sor.u32 s3, s0;
	s1 =	sshll.u32 s1, $0x11  }
0xbc: {  	s0 =	sor.u32 s1, s0  }
0xbd: {  	s0 =	sadd.s32 $0x8F2B, s0  }
0xbe: {  	[sflag:s0] =	ssyncadd.remote.s32 $0x1  }
0xbf: {  	_ =	sfence.sel $0xFFFF  }
0xc0: {  	[dreg:$0x0] =	wrdreg $0xFFFFFFFF;
	(pc) =	sbr.abs _section_cstart, $3  }
0xc1: {  	[dreg:$0x1] =	wrdreg $0xFFFFFFFF  }
0xc2: {  	_ =	task.clear_ibuf [dreg:s8], $0x2FFFF;
	_ =	strace $0x9FFFFFFF  }
0xc3: {  	(tm) =	ssettm $0x7FFFFFFF  }
tec
execute0_lowered:
.L_overlay_start_1:
0x0: {  	(tag) =	ssettag $0x1  }
0x1: {  	s0 =	srdreg.scid;
	s3 =	rddreg [dreg:$0x0]  }
0x2: {  	s5 =	rddreg [dreg:$0x1];
	s1 =	stileid.u32;
	s4 =	sand.u32 $0x1, s0  }
0x3: {  	s0 =	rddreg [dreg:$0x2];
	s10 =	sshll.u32 s1, $0x7;
	s2 =	sshll.u32 s4, $0x4  }
0x4: {  	s30 =	sand.u32 $0x380, s10;
	s4 =	ssub.s32 $0x2, s4;
	s6 =	sor.u32 s1, s2  }
0x5: {  	s2 =	simm.s32 $0x0;
	s7 =	smul.u32 $0x4E, s6;
	s8 =	sshrl.u32 s6, $0x3  }
0x6: {  	s31 =	sshrl.u32 s4, $0x1;
	s9 =	smin.u32 s6, $0x4;
	s8 =	smul.u32 $0x13C00, s8  }
0x7: {  	[smem:$0x7FF] =	sst s2;
	p0 =	sgt.u32 s6, $0x3;
	s6 =	simm.s32 $0x4F00  }
0x8: {  	_ =	strace $0x80000047;
	s7 =	sadd.s32 s9, s7;
	s8 =	sor.u32 s30, s8  }
0x9: {  	s9 =	ssub.s32 s4, s31;
	s7 =	sshll.u32 s7, $0x5;
	s8 =	sshrl.u32 s8, $0x3  }
0xa: {  	s3 =	sadd.s32 s3, s7;
	s7 =	simm.s32 $0x80;
	s4 =	sadd.s32 s5, s8  }
0xb: {  	v0 =	vimm.f32 $0.0e+00;
	v1 =	vimm.f32 $1.000000000e+00;
	s5 =	smax.u32 s9, $0x1;
	s8 =	simm.s32 $0x400;
	s9 =	simm.s32 $0x1  }
.LBB2_1:
0xc: {  	s10 =	simm.s32 $0x40;
	s11 =	simm.s32 $0x0  }
.LBB2_2:
0xd: {  	p1 =	sne.s32 s10, $0x9C00;
	[tilespmem:s11+$0x4F00] =	vst v0;
	s11 =	smov.u32 s10;
	s10 =	sadd.s32 $0x40, s10  }
.Ltmp0:
0xe: {  	(pc) =	sbr.rel @p1 .LBB2_2-.Ltmp0, $2  }
0xf: {  	_ =	sdelay $0x2  }
0x10: {  	s11 =	sshra.s32 s11, $0x2  }
0x11: {  	[tilespmem:s11+$0x4F00] =	vst v0;
	s10 =	simm.s32 @p0 $0x0  }
0x12: {  	[tilespmem:s10], [sflag:$0x1] =	stream.linear.gather @p0 [hbm4b:s3+s10], $0x4E00, $0x38;
	[tilespmem:$0x7680] =	vst v63  }
0x13: {  	s10 =	simm.s32 @p0 $0x1  }
0x14: {  	_ =	swait.ge @p0 [sflag:s10], $0x4E00  }
0x15: {  	[sflag:s10] =	ssyncset.done @p0 $0x0  }
0x16: {  	[sflag:s10] =	ssyncadd.s32 @p0 $0xFFFFB200;
	s10 =	simm.s32 @!p0 $0x0  }
0x17: {  	[tilespmem:s10], [sflag:$0x1] =	stream.linear.gather @!p0 [hbm4b:s3+s10], $0x4F00, $0x38;
	[tilespmem:$0x7680] =	vst v63  }
0x18: {  	s10 =	simm.s32 @!p0 $0x1  }
0x19: {  	s30 =	simm.s32 $0x0;
	_ =	swait.ge @!p0 [sflag:s10], $0x4F00  }
0x1a: {  	s31 =	sand.u32 $0x70, s30;
	s11 =	sand.u32 $0x7F00, s30;
	[sflag:s10] =	ssyncset.done @!p0 $0x0  }
0x1b: {  	s11 =	sor.u32 s31, s11;
	[sflag:s10] =	ssyncadd.s32 @!p0 $0xFFFFB100  }
0x1c: {  	v2 =	vld [tilespmem:s11+$0x80];
	_ =	sdelay $0x5  }
0x1d: {  	s12 =	simm.s32 $0x10;
	s10 =	simm.s32 $0x20  }
0x1e: {  	s12 =	sand.u32 $0x70, s12;
	s13 =	sand.u32 $0x7F00, s10;
	s11 =	simm.s32 $0x20  }
.LBB2_4:
0x1f: {  	p1 =	sne.s32 s11, $0x26F0;
	s12 =	sor.u32 s12, s13;
	[tilespmem:v2+s6+$0x0] =	vst.idx.add.f32.msk $0xffff, v1  }
0x20: {  	v2 =	vld [tilespmem:s12+$0x80];
	_ =	sdelay $0x2  }
.Ltmp1:
0x21: {  	(pc) =	sbr.rel @p1 .LBB2_4-.Ltmp1, $3  }
0x22: {  	_ =	sdelay $0x1  }
0x23: {  	s10 =	sadd.s32 $0x20, s10  }
0x24: {  	s12 =	sand.u32 $0x70, s11;
	s13 =	sand.u32 $0x7F00, s10;
	s11 =	sadd.s32 $0x10, s11  }
0x25: {  	_ =	sdelay $0x3  }
0x26: {  	s10 =	sor.u32 s12, s13;
	[tilespmem:v2+s6+$0x0] =	vst.idx.add.f32.msk $0xffff, v1  }
0x27: {  	v2 =	vld [tilespmem:s10+$0x80];
	_ =	sdelay $0x7  }
0x28: {  	[tilespmem:v2+s6+$0x0] =	vst.idx.add.f32.msk $0xffff, v1  }
0x29: {  	v2 =	vld @!p0 [tilespmem:$0x4E80];
	_ =	sdelay $0x6  }
0x2a: {  	v3 =	vimm.f32 @!p0 $1.000000000e+00;
	s10 =	simm.s32 @!p0 $0x4F00  }
0x2b: {  	[tilespmem:v2+s10+$0x0] =	vst.idx.add.f32.msk @!p0 $0xffff, v3  }
0x2c: {  	v2 =	vld @!p0 [tilespmem:$0x4E90];
	_ =	sdelay $0x7  }
0x2d: {  	[tilespmem:v2+s10+$0x0] =	vst.idx.add.f32.msk @!p0 $0xffff, v3  }
0x2e: {  	v2 =	vld @!p0 [tilespmem:$0x4EA0];
	_ =	sdelay $0x7  }
0x2f: {  	[tilespmem:v2+s10+$0x0] =	vst.idx.add.f32.msk @!p0 $0xffff, v3  }
0x30: {  	v2 =	vld @!p0 [tilespmem:$0x4EB0];
	_ =	sdelay $0x7  }
0x31: {  	[tilespmem:v2+s10+$0x0] =	vst.idx.add.f32.msk @!p0 $0xffff, v3  }
0x32: {  	v2 =	vld @!p0 [tilespmem:$0x4EC0];
	_ =	sdelay $0x7  }
0x33: {  	[tilespmem:v2+s10+$0x0] =	vst.idx.add.f32.msk @!p0 $0xffff, v3  }
0x34: {  	v2 =	vld @!p0 [tilespmem:$0x4ED0];
	_ =	sdelay $0x7  }
0x35: {  	[tilespmem:v2+s10+$0x0] =	vst.idx.add.f32.msk @!p0 $0xffff, v3  }
0x36: {  	v2 =	vld @!p0 [tilespmem:$0x4EE0];
	_ =	sdelay $0x7  }
0x37: {  	[tilespmem:v2+s10+$0x0] =	vst.idx.add.f32.msk @!p0 $0xffff, v3  }
0x38: {  	v2 =	vld @!p0 [tilespmem:$0x4EF0];
	_ =	sdelay $0x5  }
0x39: {  	s2 =	sadd.s32 $0x1, s2  }
0x3a: {  	p1 =	sne.s32 s2, s5  }
.Ltmp2:
0x3b: {  	[tilespmem:v2+s10+$0x0] =	vst.idx.add.f32.msk @!p0 $0xffff, v3;
	(pc) =	sbr.rel @p1 .LBB2_1-.Ltmp2, $4  }
0x3c: {  	[hbm4b:s4+s7] =	stream.strided.scatter [tilespmem:s6], [sflag:$0x1], $0x2780, s8, s7, $0x38;
	[tilespmem:$0x7680] =	vst v63  }
0x3d: {  	_ =	swait.ge [sflag:s9], $0x2780  }
0x3e: {  	[sflag:s9] =	ssyncset.done $0x0  }
0x3f: {  	[sflag:s9] =	ssyncadd.s32 $0xFFFFD880  }
0x40: {  	_ =	sfence.sel $0x180000  }
0x41: {  	[bflag:$0x0] =	sbarrier.arrive $0xFFFF  }
0x42: {  	p0 =	sne.s32 s1, $0x0;
	_ =	strace $0x90000047  }
0x43: {  	s0 =	sadd.s32 @!p0 $0x100000, s0;
	[bflag:$0x2] =	sbarrier.arrive $0xFFFF  }
0x44: {  	[sflag:s0] =	ssyncadd.tile.s32 @!p0 $0x1;
	_ =	shalt  }
.Lfunc_end2:
_tile_overlayer_lowered:
.L_overlay_start_2:
0x45: {  	(tag) =	ssettag $0x2  }
0x46: {  	s0 =	rddreg [dreg:$0x0];
	s2 =	stileid.u32  }
0x47: {  	s1 =	rddreg [dreg:$0x1];
	p0 =	sne.s32 s2, $0x0  }
0x48: {  	s3 =	rddreg [dreg:$0x2];
	[bflag:$0x3] =	sbarrier.arrive $0xFFFF;
	s2 =	simm.s32 @!p0 $0x1C01  }
0x49: {  	[timem:s3], [sflag:s2] =	dma.local @!p0 [hbm:s0], s1  }
0x4a: {  	s0 =	simm.s32 @!p0 $0x1  }
0x4b: {  	_ =	swait.ge @!p0 [sflag:s0], s1  }
0x4c: {  	s1 =	ssub.s32 @!p0 $0x0, s1;
	[sflag:s0] =	ssyncset.done @!p0 $0x0  }
0x4d: {  	[sflag:s0] =	ssyncadd.s32 @!p0 s1  }
0x4e: {  	[bflag:$0x3] =	sbarrier.arrive $0xFFFF  }
0x4f: {  	_ =	shalt  }

</sc_bundles>
